<compile_context>
chip_gen: v7x
topology: tpu7x:2x2x1
jax: 0.10.2.dev20260603
libtpu: 0.0.44.dev20260713+nightly
codegen_flags: <defaults>
</compile_context>

<pallas_src>
import functools

import jax
import jax.numpy as jnp
from jax import lax
from jax.experimental import pallas as pl
from jax.experimental.pallas import tpu as pltpu
from jax.experimental.pallas import tpu_sc as plsc

N = 10000
E = 320000
D = 128
NSUB = 16
CHUNK = 64
GROUP = 64
NGROUP = 5
CHUNKS_PER_TILE = GROUP * NGROUP
EPT = CHUNK * CHUNKS_PER_TILE
EPAD = EPT * NSUB
PAD = EPAD - E
ROWS_PER_TILE = 640
ACC_ROWS = ROWS_PER_TILE * NSUB

BLK = 1000
NB = N // BLK


def _sc_body(feat, shuf, srcg, dstg, srcd, dstd, zblk,
             s1, s2, s3, s4,
             acc, src_v, dst_v, r0, r1, r2, r3,
             sg0, sg1, sg2, sg3, ss0, ss1, ss2, ss3):
    s = lax.axis_index("s")
    c = lax.axis_index("c")
    bufs = (r0, r1, r2, r3)
    gsems = (sg0, sg1, sg2, sg3)
    ssems = (ss0, ss1, ss2, ss3)

    def run(table, src_hbm, dst_hbm, out_hbm):
        def g_start(j, b):
            pltpu.async_copy(table.at[src_v.at[j]], bufs[b], gsems[b])

        def g_wait(b):
            pltpu.make_async_copy(table.at[pl.ds(0, CHUNK)],
                                  bufs[b], gsems[b]).wait()

        def s_start(j, b):
            pltpu.async_copy(bufs[b], acc.at[dst_v.at[j]], ssems[b], add=True)

        def s_wait(b):
            pltpu.make_async_copy(bufs[b], acc.at[pl.ds(0, CHUNK)],
                                  ssems[b]).wait()

        for k in range(ROWS_PER_TILE // CHUNK):
            pltpu.sync_copy(
                zblk, acc.at[pl.ds(s * ROWS_PER_TILE + k * CHUNK, CHUNK)])
        plsc.subcore_barrier()

        def group(g, carry):
            pltpu.sync_copy(src_hbm.at[s, g], src_v)
            pltpu.sync_copy(dst_hbm.at[s, g], dst_v)
            g_start(0, 0)
            g_start(1, 1)
            for j in (0, 1):
                g_wait(j)
                s_start(j, j)
                g_start(j + 2, (j + 2) % 4)

            def quad(q, carry2):
                j0 = 2 + 4 * q
                for bb in range(4):
                    j = j0 + bb
                    b = (2 + bb) % 4
                    g_wait(b)
                    s_start(j, b)
                    s_wait(bb)
                    g_start(j + 2, bb)
                return carry2

            lax.fori_loop(0, (GROUP - 4) // 4, quad, carry)
            for j in (GROUP - 2, GROUP - 1):
                b = j % 4
                g_wait(b)
                s_start(j, b)
                s_wait((j + 2) % 4)
            s_wait((GROUP - 2) % 4)
            s_wait((GROUP - 1) % 4)
            return carry

        lax.fori_loop(0, NGROUP, group, 0)
        plsc.subcore_barrier()
        pltpu.sync_copy(acc.at[pl.ds(s * ROWS_PER_TILE, ROWS_PER_TILE)],
                        out_hbm.at[pl.ds(s * ROWS_PER_TILE, ROWS_PER_TILE)])
        plsc.subcore_barrier()

    @pl.when(c == 0)
    def _():
        run(feat, srcg, dstg, s1)
        run(feat, srcd, dstd, s2)

    @pl.when(c == 1)
    def _():
        run(shuf, srcg, dstg, s3)
        run(shuf, srcd, dstd, s4)


_sc_seg = functools.partial(
    pl.kernel,
    out_type=[jax.ShapeDtypeStruct((ACC_ROWS, D), jnp.float32)] * 4,
    mesh=plsc.VectorSubcoreMesh(core_axis_name="c", subcore_axis_name="s"),
    scratch_types=[
        pltpu.VMEM_SHARED((ACC_ROWS, D), jnp.float32),
        pltpu.VMEM((GROUP, CHUNK), jnp.int32),
        pltpu.VMEM((GROUP, CHUNK), jnp.int32),
        pltpu.VMEM((CHUNK, D), jnp.float32),
        pltpu.VMEM((CHUNK, D), jnp.float32),
        pltpu.VMEM((CHUNK, D), jnp.float32),
        pltpu.VMEM((CHUNK, D), jnp.float32),
        pltpu.SemaphoreType.DMA,
        pltpu.SemaphoreType.DMA,
        pltpu.SemaphoreType.DMA,
        pltpu.SemaphoreType.DMA,
        pltpu.SemaphoreType.DMA,
        pltpu.SemaphoreType.DMA,
        pltpu.SemaphoreType.DMA,
        pltpu.SemaphoreType.DMA,
    ],
)(_sc_body)


def _prep_edges(ei):
    r = jnp.arange(PAD, dtype=jnp.int32)
    src = jnp.concatenate([ei[0], r % N])
    dst = jnp.concatenate([ei[1], N + r % (ACC_ROWS - N)])
    return (src.reshape(NSUB, NGROUP, GROUP, CHUNK),
            dst.reshape(NSUB, NGROUP, GROUP, CHUNK))


def _tc_body(s1, s2, s3, s4, w1, w2, b1, b2,
             h1, h2, c1, c2, h3, h4, acc1, acc2):
    i = pl.program_id(0)
    a1 = jnp.dot(s1[...], w1[...], preferred_element_type=jnp.float32) + b1[...]
    a2 = jnp.dot(s2[...], w2[...], preferred_element_type=jnp.float32) + b2[...]
    a3 = jnp.dot(s3[...], w1[...], preferred_element_type=jnp.float32) + b1[...]
    a4 = jnp.dot(s4[...], w2[...], preferred_element_type=jnp.float32) + b2[...]
    h1[...] = a1
    h2[...] = a2
    h3[...] = a3
    h4[...] = a4
    p1 = jnp.sum(a1, axis=0, keepdims=True)
    p2 = jnp.sum(a2, axis=0, keepdims=True)

    @pl.when(i == 0)
    def _():
        acc1[...] = p1
        acc2[...] = p2

    @pl.when(i > 0)
    def _():
        acc1[...] += p1
        acc2[...] += p2

    @pl.when(i == NB - 1)
    def _():
        c1[...] = jax.nn.sigmoid(acc1[...] / N)
        c2[...] = jax.nn.sigmoid(acc2[...] / N)


def _tc_head(s1, s2, s3, s4, w1, w2, b1, b2):
    row = pl.BlockSpec((BLK, D), lambda i: (i, 0))
    full = pl.BlockSpec((D, D), lambda i: (0, 0))
    vec = pl.BlockSpec((1, D), lambda i: (0, 0))
    return pl.pallas_call(
        _tc_body,
        grid=(NB,),
        in_specs=[row, row, row, row, full, full, vec, vec],
        out_specs=[row, row, vec, vec, row, row],
        out_shape=[
            jax.ShapeDtypeStruct((N, D), jnp.float32),
            jax.ShapeDtypeStruct((N, D), jnp.float32),
            jax.ShapeDtypeStruct((1, D), jnp.float32),
            jax.ShapeDtypeStruct((1, D), jnp.float32),
            jax.ShapeDtypeStruct((N, D), jnp.float32),
            jax.ShapeDtypeStruct((N, D), jnp.float32),
        ],
        scratch_shapes=[
            pltpu.VMEM((1, D), jnp.float32),
            pltpu.VMEM((1, D), jnp.float32),
        ],
    )(s1, s2, s3, s4, w1, w2, b1, b2)


def kernel(feat, shuf_feat, graph_edge_index, dif_edge_index, W1, b1, W2, b2):
    srcg, dstg = _prep_edges(graph_edge_index)
    srcd, dstd = _prep_edges(dif_edge_index)
    zblk = jnp.zeros((CHUNK, D), jnp.float32)
    s1, s2, s3, s4 = _sc_seg(feat, shuf_feat, srcg, dstg, srcd, dstd, zblk)
    h1, h2, c1, c2, h3, h4 = _tc_head(
        s1, s2, s3, s4, W1, W2, b1.reshape(1, D), b2.reshape(1, D))
    return h1, h2, c1, c2, h3, h4

# --- scband reference (transcript-rebuilt; emitter-appended) ---
"""Pipeline reference for scband-model-77610059038802 (READ-ONLY COPY).

The authoritative reference and input builder live on the scoring server;
editing this copy changes nothing except your own understanding.
"""

import jax, jax.numpy as jnp
import numpy as np

N = 10000
E = 320000
D_IN = 128
D_OUT = 128


def setup_inputs(seed: int = 0) -> dict:
    key = jax.random.key(seed)
    k1, k2, k3, k4, k5, k6, k7 = jax.random.split(key, 7)
    feat = jax.random.normal(k1, (N, D_IN), dtype=jnp.float32)
    shuf_feat = jax.random.normal(k2, (N, D_IN), dtype=jnp.float32)
    graph_edge_index = jax.random.randint(k3, (2, E), 0, N).astype(jnp.int32)
    dif_edge_index = jax.random.randint(k4, (2, E), 0, N).astype(jnp.int32)
    # GraphConv parameters (encoder1 / encoder2), bias=True, norm='none'
    W1 = jax.random.normal(k5, (D_IN, D_OUT), dtype=jnp.float32) * 0.05
    b1 = jnp.zeros((D_OUT,), dtype=jnp.float32)
    W2 = jax.random.normal(k6, (D_IN, D_OUT), dtype=jnp.float32) * 0.05
    b2 = jnp.zeros((D_OUT,), dtype=jnp.float32)
    return {
        "feat": feat,
        "shuf_feat": shuf_feat,
        "graph_edge_index": graph_edge_index,
        "dif_edge_index": dif_edge_index,
        "W1": W1,
        "b1": b1,
        "W2": W2,
        "b2": b2,
    }


def _graph_conv(edge_index, x, W, b):
    # DGL GraphConv with norm='none': h_dst = sum_{src->dst} (x_src @ W) + b
    m = x @ W
    src = edge_index[0]
    dst = edge_index[1]
    agg = jax.ops.segment_sum(m[src], dst, num_segments=N)
    return agg + b


def reference(feat, shuf_feat, graph_edge_index, dif_edge_index, W1, b1, W2, b2):
    h1 = _graph_conv(graph_edge_index, feat, W1, b1)
    h2 = _graph_conv(dif_edge_index, feat, W2, b2)
    # AvgPooling over a single graph: mean over all nodes -> [1, D_OUT]
    c1 = jax.nn.sigmoid(jnp.mean(h1, axis=0, keepdims=True))
    c2 = jax.nn.sigmoid(jnp.mean(h2, axis=0, keepdims=True))
    h3 = _graph_conv(graph_edge_index, shuf_feat, W1, b1)
    h4 = _graph_conv(dif_edge_index, shuf_feat, W2, b2)
    return (h1, h2, c1, c2, h3, h4)

if __name__ == "__main__":
    import jax
    _d = setup_inputs()
    print(jax.jit(kernel)(*tuple(_d.values())))

</pallas_src>

<mosaic_0001>
#map = affine_map<(d0, d1) -> (0, 0)>
#map1 = affine_map<(d0, d1) -> (0, 0, 0, 0)>
module attributes {stable_mosaic.version = 14 : i64} {
  func.func @_sc_body(%arg0: i32, %arg1: i32, %arg2: memref<10000x128xf32, #tpu.memory_space<hbm>>, %arg3: memref<10000x128xf32, #tpu.memory_space<hbm>>, %arg4: memref<16x5x64x64xi32, #tpu.memory_space<hbm>>, %arg5: memref<16x5x64x64xi32, #tpu.memory_space<hbm>>, %arg6: memref<16x5x64x64xi32, #tpu.memory_space<hbm>>, %arg7: memref<16x5x64x64xi32, #tpu.memory_space<hbm>>, %arg8: memref<64x128xf32, #tpu.memory_space<hbm>>, %arg9: memref<10240x128xf32, #tpu.memory_space<hbm>>, %arg10: memref<10240x128xf32, #tpu.memory_space<hbm>>, %arg11: memref<10240x128xf32, #tpu.memory_space<hbm>>, %arg12: memref<10240x128xf32, #tpu.memory_space<hbm>>, %arg13: memref<10240x128xf32, #tpu.memory_space<vmem_shared>>, %arg14: memref<64x64xi32, #tpu.memory_space<vmem>>, %arg15: memref<64x64xi32, #tpu.memory_space<vmem>>, %arg16: memref<64x128xf32, #tpu.memory_space<vmem>>, %arg17: memref<64x128xf32, #tpu.memory_space<vmem>>, %arg18: memref<64x128xf32, #tpu.memory_space<vmem>>, %arg19: memref<64x128xf32, #tpu.memory_space<vmem>>, %arg20: memref<!tpu.dma_semaphore, #tpu.memory_space<semaphore_mem>>, %arg21: memref<!tpu.dma_semaphore, #tpu.memory_space<semaphore_mem>>, %arg22: memref<!tpu.dma_semaphore, #tpu.memory_space<semaphore_mem>>, %arg23: memref<!tpu.dma_semaphore, #tpu.memory_space<semaphore_mem>>, %arg24: memref<!tpu.dma_semaphore, #tpu.memory_space<semaphore_mem>>, %arg25: memref<!tpu.dma_semaphore, #tpu.memory_space<semaphore_mem>>, %arg26: memref<!tpu.dma_semaphore, #tpu.memory_space<semaphore_mem>>, %arg27: memref<!tpu.dma_semaphore, #tpu.memory_space<semaphore_mem>>) attributes {dimension_semantics = [#tpu.dimension_semantics<core_parallel>, #tpu.dimension_semantics<subcore_parallel>], iteration_bounds = array<i64: 2, 16>, scalar_prefetch = 0 : i64, scratch_operands = 15 : i64, tpu.core_type = #tpu.core_type<sc_vector_subcore>, window_params = [{transform_indices = #map}, {transform_indices = #map}, {transform_indices = #map1}, {transform_indices = #map1}, {transform_indices = #map1}, {transform_indices = #map1}, {transform_indices = #map}, {transform_indices = #map}, {transform_indices = #map}, {transform_indices = #map}, {transform_indices = #map}]} {
    %eq3A = arith.constant 0 : i32
    %eq3A_0 = arith.cmpi eq, %arg0, %eq3A : i32
    %convert_element_type3A = arith.extui %eq3A_0 : i1 to i32
    %cond3A = arith.constant 0 : i32
    %cond3A_1 = arith.cmpi ne, %convert_element_type3A, %cond3A : i32
    scf.if %cond3A_1 {
      %mul3A = arith.constant 640 : i32
      %mul3A_7 = arith.muli %arg1, %mul3A : i32
      %add3A = arith.constant 0 : i32
      %add3A_8 = arith.addi %mul3A_7, %add3A : i32
      "tpu.region"() ({
        %run_scoped3A = tpu.sem_alloc : memref<!tpu.dma_semaphore, #tpu.memory_space<semaphore_mem>>
        %dma_start3A = arith.constant 0 : i32
        %dma_start3A_109 = tpu.memref_slice %arg13[%add3A_8, %dma_start3A] : memref<10240x128xf32, #tpu.memory_space<vmem_shared>> -> memref<64x128xf32, #tpu.memory_space<vmem_shared>>
        tpu.enqueue_dma source(%arg8 : memref<64x128xf32, #tpu.memory_space<hbm>>) target(%dma_start3A_109 : memref<64x128xf32, #tpu.memory_space<vmem_shared>>) target_semaphore(%run_scoped3A : memref<!tpu.dma_semaphore, #tpu.memory_space<semaphore_mem>>)
        %dma_wait3A = arith.constant 0 : i32
        %dma_wait3A_110 = tpu.memref_slice %arg13[%add3A_8, %dma_wait3A] : memref<10240x128xf32, #tpu.memory_space<vmem_shared>> -> memref<64x128xf32, #tpu.memory_space<vmem_shared>>
        tpu.wait_dma2 semaphore(%run_scoped3A : memref<!tpu.dma_semaphore, #tpu.memory_space<semaphore_mem>>) src(%arg8 : memref<64x128xf32, #tpu.memory_space<hbm>>) dst(%dma_wait3A_110 : memref<64x128xf32, #tpu.memory_space<vmem_shared>>)
        tpu.yield
      }) : () -> ()
      %mul3A_9 = arith.constant 640 : i32
      %mul3A_10 = arith.muli %arg1, %mul3A_9 : i32
      %add3A_11 = arith.constant 64 : i32
      %add3A_12 = arith.addi %mul3A_10, %add3A_11 : i32
      "tpu.region"() ({
        %run_scoped3A = tpu.sem_alloc : memref<!tpu.dma_semaphore, #tpu.memory_space<semaphore_mem>>
        %dma_start3A = arith.constant 0 : i32
        %dma_start3A_109 = tpu.memref_slice %arg13[%add3A_12, %dma_start3A] : memref<10240x128xf32, #tpu.memory_space<vmem_shared>> -> memref<64x128xf32, #tpu.memory_space<vmem_shared>>
        tpu.enqueue_dma source(%arg8 : memref<64x128xf32, #tpu.memory_space<hbm>>) target(%dma_start3A_109 : memref<64x128xf32, #tpu.memory_space<vmem_shared>>) target_semaphore(%run_scoped3A : memref<!tpu.dma_semaphore, #tpu.memory_space<semaphore_mem>>)
        %dma_wait3A = arith.constant 0 : i32
        %dma_wait3A_110 = tpu.memref_slice %arg13[%add3A_12, %dma_wait3A] : memref<10240x128xf32, #tpu.memory_space<vmem_shared>> -> memref<64x128xf32, #tpu.memory_space<vmem_shared>>
        tpu.wait_dma2 semaphore(%run_scoped3A : memref<!tpu.dma_semaphore, #tpu.memory_space<semaphore_mem>>) src(%arg8 : memref<64x128xf32, #tpu.memory_space<hbm>>) dst(%dma_wait3A_110 : memref<64x128xf32, #tpu.memory_space<vmem_shared>>)
        tpu.yield
      }) : () -> ()
      %mul3A_13 = arith.constant 640 : i32
      %mul3A_14 = arith.muli %arg1, %mul3A_13 : i32
      %add3A_15 = arith.constant 128 : i32
      %add3A_16 = arith.addi %mul3A_14, %add3A_15 : i32
      "tpu.region"() ({
        %run_scoped3A = tpu.sem_alloc : memref<!tpu.dma_semaphore, #tpu.memory_space<semaphore_mem>>
        %dma_start3A = arith.constant 0 : i32
        %dma_start3A_109 = tpu.memref_slice %arg13[%add3A_16, %dma_start3A] : memref<10240x128xf32, #tpu.memory_space<vmem_shared>> -> memref<64x128xf32, #tpu.memory_space<vmem_shared>>
        tpu.enqueue_dma source(%arg8 : memref<64x128xf32, #tpu.memory_space<hbm>>) target(%dma_start3A_109 : memref<64x128xf32, #tpu.memory_space<vmem_shared>>) target_semaphore(%run_scoped3A : memref<!tpu.dma_semaphore, #tpu.memory_space<semaphore_mem>>)
        %dma_wait3A = arith.constant 0 : i32
        %dma_wait3A_110 = tpu.memref_slice %arg13[%add3A_16, %dma_wait3A] : memref<10240x128xf32, #tpu.memory_space<vmem_shared>> -> memref<64x128xf32, #tpu.memory_space<vmem_shared>>
        tpu.wait_dma2 semaphore(%run_scoped3A : memref<!tpu.dma_semaphore, #tpu.memory_space<semaphore_mem>>) src(%arg8 : memref<64x128xf32, #tpu.memory_space<hbm>>) dst(%dma_wait3A_110 : memref<64x128xf32, #tpu.memory_space<vmem_shared>>)
        tpu.yield
      }) : () -> ()
      %mul3A_17 = arith.constant 640 : i32
      %mul3A_18 = arith.muli %arg1, %mul3A_17 : i32
      %add3A_19 = arith.constant 192 : i32
      %add3A_20 = arith.addi %mul3A_18, %add3A_19 : i32
      "tpu.region"() ({
        %run_scoped3A = tpu.sem_alloc : memref<!tpu.dma_semaphore, #tpu.memory_space<semaphore_mem>>
        %dma_start3A = arith.constant 0 : i32
        %dma_start3A_109 = tpu.memref_slice %arg13[%add3A_20, %dma_start3A] : memref<10240x128xf32, #tpu.memory_space<vmem_shared>> -> memref<64x128xf32, #tpu.memory_space<vmem_shared>>
        tpu.enqueue_dma source(%arg8 : memref<64x128xf32, #tpu.memory_space<hbm>>) target(%dma_start3A_109 : memref<64x128xf32, #tpu.memory_space<vmem_shared>>) target_semaphore(%run_scoped3A : memref<!tpu.dma_semaphore, #tpu.memory_space<semaphore_mem>>)
        %dma_wait3A = arith.constant 0 : i32
        %dma_wait3A_110 = tpu.memref_slice %arg13[%add3A_20, %dma_wait3A] : memref<10240x128xf32, #tpu.memory_space<vmem_shared>> -> memref<64x128xf32, #tpu.memory_space<vmem_shared>>
        tpu.wait_dma2 semaphore(%run_scoped3A : memref<!tpu.dma_semaphore, #tpu.memory_space<semaphore_mem>>) src(%arg8 : memref<64x128xf32, #tpu.memory_space<hbm>>) dst(%dma_wait3A_110 : memref<64x128xf32, #tpu.memory_space<vmem_shared>>)
        tpu.yield
      }) : () -> ()
      %mul3A_21 = arith.constant 640 : i32
      %mul3A_22 = arith.muli %arg1, %mul3A_21 : i32
      %add3A_23 = arith.constant 256 : i32
      %add3A_24 = arith.addi %mul3A_22, %add3A_23 : i32
      "tpu.region"() ({
        %run_scoped3A = tpu.sem_alloc : memref<!tpu.dma_semaphore, #tpu.memory_space<semaphore_mem>>
        %dma_start3A = arith.constant 0 : i32
        %dma_start3A_109 = tpu.memref_slice %arg13[%add3A_24, %dma_start3A] : memref<10240x128xf32, #tpu.memory_space<vmem_shared>> -> memref<64x128xf32, #tpu.memory_space<vmem_shared>>
        tpu.enqueue_dma source(%arg8 : memref<64x128xf32, #tpu.memory_space<hbm>>) target(%dma_start3A_109 : memref<64x128xf32, #tpu.memory_space<vmem_shared>>) target_semaphore(%run_scoped3A : memref<!tpu.dma_semaphore, #tpu.memory_space<semaphore_mem>>)
        %dma_wait3A = arith.constant 0 : i32
        %dma_wait3A_110 = tpu.memref_slice %arg13[%add3A_24, %dma_wait3A] : memref<10240x128xf32, #tpu.memory_space<vmem_shared>> -> memref<64x128xf32, #tpu.memory_space<vmem_shared>>
        tpu.wait_dma2 semaphore(%run_scoped3A : memref<!tpu.dma_semaphore, #tpu.memory_space<semaphore_mem>>) src(%arg8 : memref<64x128xf32, #tpu.memory_space<hbm>>) dst(%dma_wait3A_110 : memref<64x128xf32, #tpu.memory_space<vmem_shared>>)
        tpu.yield
      }) : () -> ()
      %mul3A_25 = arith.constant 640 : i32
      %mul3A_26 = arith.muli %arg1, %mul3A_25 : i32
      %add3A_27 = arith.constant 320 : i32
      %add3A_28 = arith.addi %mul3A_26, %add3A_27 : i32
      "tpu.region"() ({
        %run_scoped3A = tpu.sem_alloc : memref<!tpu.dma_semaphore, #tpu.memory_space<semaphore_mem>>
        %dma_start3A = arith.constant 0 : i32
        %dma_start3A_109 = tpu.memref_slice %arg13[%add3A_28, %dma_start3A] : memref<10240x128xf32, #tpu.memory_space<vmem_shared>> -> memref<64x128xf32, #tpu.memory_space<vmem_shared>>
        tpu.enqueue_dma source(%arg8 : memref<64x128xf32, #tpu.memory_space<hbm>>) target(%dma_start3A_109 : memref<64x128xf32, #tpu.memory_space<vmem_shared>>) target_semaphore(%run_scoped3A : memref<!tpu.dma_semaphore, #tpu.memory_space<semaphore_mem>>)
        %dma_wait3A = arith.constant 0 : i32
        %dma_wait3A_110 = tpu.memref_slice %arg13[%add3A_28, %dma_wait3A] : memref<10240x128xf32, #tpu.memory_space<vmem_shared>> -> memref<64x128xf32, #tpu.memory_space<vmem_shared>>
        tpu.wait_dma2 semaphore(%run_scoped3A : memref<!tpu.dma_semaphore, #tpu.memory_space<semaphore_mem>>) src(%arg8 : memref<64x128xf32, #tpu.memory_space<hbm>>) dst(%dma_wait3A_110 : memref<64x128xf32, #tpu.memory_space<vmem_shared>>)
        tpu.yield
      }) : () -> ()
      %mul3A_29 = arith.constant 640 : i32
      %mul3A_30 = arith.muli %arg1, %mul3A_29 : i32
      %add3A_31 = arith.constant 384 : i32
      %add3A_32 = arith.addi %mul3A_30, %add3A_31 : i32
      "tpu.region"() ({
        %run_scoped3A = tpu.sem_alloc : memref<!tpu.dma_semaphore, #tpu.memory_space<semaphore_mem>>
        %dma_start3A = arith.constant 0 : i32
        %dma_start3A_109 = tpu.memref_slice %arg13[%add3A_32, %dma_start3A] : memref<10240x128xf32, #tpu.memory_space<vmem_shared>> -> memref<64x128xf32, #tpu.memory_space<vmem_shared>>
        tpu.enqueue_dma source(%arg8 : memref<64x128xf32, #tpu.memory_space<hbm>>) target(%dma_start3A_109 : memref<64x128xf32, #tpu.memory_space<vmem_shared>>) target_semaphore(%run_scoped3A : memref<!tpu.dma_semaphore, #tpu.memory_space<semaphore_mem>>)
        %dma_wait3A = arith.constant 0 : i32
        %dma_wait3A_110 = tpu.memref_slice %arg13[%add3A_32, %dma_wait3A] : memref<10240x128xf32, #tpu.memory_space<vmem_shared>> -> memref<64x128xf32, #tpu.memory_space<vmem_shared>>
        tpu.wait_dma2 semaphore(%run_scoped3A : memref<!tpu.dma_semaphore, #tpu.memory_space<semaphore_mem>>) src(%arg8 : memref<64x128xf32, #tpu.memory_space<hbm>>) dst(%dma_wait3A_110 : memref<64x128xf32, #tpu.memory_space<vmem_shared>>)
        tpu.yield
      }) : () -> ()
      %mul3A_33 = arith.constant 640 : i32
      %mul3A_34 = arith.muli %arg1, %mul3A_33 : i32
      %add3A_35 = arith.constant 448 : i32
      %add3A_36 = arith.addi %mul3A_34, %add3A_35 : i32
      "tpu.region"() ({
        %run_scoped3A = tpu.sem_alloc : memref<!tpu.dma_semaphore, #tpu.memory_space<semaphore_mem>>
        %dma_start3A = arith.constant 0 : i32
        %dma_start3A_109 = tpu.memref_slice %arg13[%add3A_36, %dma_start3A] : memref<10240x128xf32, #tpu.memory_space<vmem_shared>> -> memref<64x128xf32, #tpu.memory_space<vmem_shared>>
        tpu.enqueue_dma source(%arg8 : memref<64x128xf32, #tpu.memory_space<hbm>>) target(%dma_start3A_109 : memref<64x128xf32, #tpu.memory_space<vmem_shared>>) target_semaphore(%run_scoped3A : memref<!tpu.dma_semaphore, #tpu.memory_space<semaphore_mem>>)
        %dma_wait3A = arith.constant 0 : i32
        %dma_wait3A_110 = tpu.memref_slice %arg13[%add3A_36, %dma_wait3A] : memref<10240x128xf32, #tpu.memory_space<vmem_shared>> -> memref<64x128xf32, #tpu.memory_space<vmem_shared>>
        tpu.wait_dma2 semaphore(%run_scoped3A : memref<!tpu.dma_semaphore, #tpu.memory_space<semaphore_mem>>) src(%arg8 : memref<64x128xf32, #tpu.memory_space<hbm>>) dst(%dma_wait3A_110 : memref<64x128xf32, #tpu.memory_space<vmem_shared>>)
        tpu.yield
      }) : () -> ()
      %mul3A_37 = arith.constant 640 : i32
      %mul3A_38 = arith.muli %arg1, %mul3A_37 : i32
      %add3A_39 = arith.constant 512 : i32
      %add3A_40 = arith.addi %mul3A_38, %add3A_39 : i32
      "tpu.region"() ({
        %run_scoped3A = tpu.sem_alloc : memref<!tpu.dma_semaphore, #tpu.memory_space<semaphore_mem>>
        %dma_start3A = arith.constant 0 : i32
        %dma_start3A_109 = tpu.memref_slice %arg13[%add3A_40, %dma_start3A] : memref<10240x128xf32, #tpu.memory_space<vmem_shared>> -> memref<64x128xf32, #tpu.memory_space<vmem_shared>>
        tpu.enqueue_dma source(%arg8 : memref<64x128xf32, #tpu.memory_space<hbm>>) target(%dma_start3A_109 : memref<64x128xf32, #tpu.memory_space<vmem_shared>>) target_semaphore(%run_scoped3A : memref<!tpu.dma_semaphore, #tpu.memory_space<semaphore_mem>>)
        %dma_wait3A = arith.constant 0 : i32
        %dma_wait3A_110 = tpu.memref_slice %arg13[%add3A_40, %dma_wait3A] : memref<10240x128xf32, #tpu.memory_space<vmem_shared>> -> memref<64x128xf32, #tpu.memory_space<vmem_shared>>
        tpu.wait_dma2 semaphore(%run_scoped3A : memref<!tpu.dma_semaphore, #tpu.memory_space<semaphore_mem>>) src(%arg8 : memref<64x128xf32, #tpu.memory_space<hbm>>) dst(%dma_wait3A_110 : memref<64x128xf32, #tpu.memory_space<vmem_shared>>)
        tpu.yield
      }) : () -> ()
      %mul3A_41 = arith.constant 640 : i32
      %mul3A_42 = arith.muli %arg1, %mul3A_41 : i32
      %add3A_43 = arith.constant 576 : i32
      %add3A_44 = arith.addi %mul3A_42, %add3A_43 : i32
      "tpu.region"() ({
        %run_scoped3A = tpu.sem_alloc : memref<!tpu.dma_semaphore, #tpu.memory_space<semaphore_mem>>
        %dma_start3A = arith.constant 0 : i32
        %dma_start3A_109 = tpu.memref_slice %arg13[%add3A_44, %dma_start3A] : memref<10240x128xf32, #tpu.memory_space<vmem_shared>> -> memref<64x128xf32, #tpu.memory_space<vmem_shared>>
        tpu.enqueue_dma source(%arg8 : memref<64x128xf32, #tpu.memory_space<hbm>>) target(%dma_start3A_109 : memref<64x128xf32, #tpu.memory_space<vmem_shared>>) target_semaphore(%run_scoped3A : memref<!tpu.dma_semaphore, #tpu.memory_space<semaphore_mem>>)
        %dma_wait3A = arith.constant 0 : i32
        %dma_wait3A_110 = tpu.memref_slice %arg13[%add3A_44, %dma_wait3A] : memref<10240x128xf32, #tpu.memory_space<vmem_shared>> -> memref<64x128xf32, #tpu.memory_space<vmem_shared>>
        tpu.wait_dma2 semaphore(%run_scoped3A : memref<!tpu.dma_semaphore, #tpu.memory_space<semaphore_mem>>) src(%arg8 : memref<64x128xf32, #tpu.memory_space<hbm>>) dst(%dma_wait3A_110 : memref<64x128xf32, #tpu.memory_space<vmem_shared>>)
        tpu.yield
      }) : () -> ()
      %barrier3A = arith.constant 0 : index
      tpu.barrier barrier_id(%barrier3A)
      %scan3A = arith.constant 0 : i32
      %scan3A_45 = arith.constant 0 : i32
      %scan3A_46 = arith.constant 5 : i32
      %scan3A_47 = arith.addi %scan3A_45, %scan3A_46 : i32
      %scan3A_48 = arith.constant 1 : i32
      scf.for %scan3A_109 = %scan3A_45 to %scan3A_47 step %scan3A_48  : i32 {
        "tpu.region"() ({
          %run_scoped3A = tpu.sem_alloc : memref<!tpu.dma_semaphore, #tpu.memory_space<semaphore_mem>>
          %dma_start3A_217 = arith.constant 0 : i32
          %dma_start3A_218 = arith.constant 0 : i32
          %dma_start3A_219 = tpu.memref_slice %arg4[%arg1, %scan3A_109, %dma_start3A_217, %dma_start3A_218] : memref<16x5x64x64xi32, #tpu.memory_space<hbm>> -> memref<1x1x64x64xi32, #tpu.memory_space<hbm>>
          %dma_start3A_220 = tpu.memref_squeeze %dma_start3A_219 : memref<1x1x64x64xi32, #tpu.memory_space<hbm>> -> memref<64x64xi32, #tpu.memory_space<hbm>>
          %dma_start3A_221 = arith.constant 0 : i32
          %dma_start3A_222 = arith.constant 0 : i32
          %dma_start3A_223 = tpu.memref_slice %arg4[%arg1, %scan3A_109, %dma_start3A_221, %dma_start3A_222] : memref<16x5x64x64xi32, #tpu.memory_space<hbm>> -> memref<1x1x64x64xi32, #tpu.memory_space<hbm>>
          %dma_start3A_224 = tpu.memref_squeeze %dma_start3A_223 : memref<1x1x64x64xi32, #tpu.memory_space<hbm>> -> memref<64x64xi32, #tpu.memory_space<hbm>>
          tpu.enqueue_dma source(%dma_start3A_224 : memref<64x64xi32, #tpu.memory_space<hbm>>) target(%arg14 : memref<64x64xi32, #tpu.memory_space<vmem>>) target_semaphore(%run_scoped3A : memref<!tpu.dma_semaphore, #tpu.memory_space<semaphore_mem>>)
          %dma_wait3A_225 = arith.constant 0 : i32
          %dma_wait3A_226 = arith.constant 0 : i32
          %dma_wait3A_227 = tpu.memref_slice %arg4[%arg1, %scan3A_109, %dma_wait3A_225, %dma_wait3A_226] : memref<16x5x64x64xi32, #tpu.memory_space<hbm>> -> memref<1x1x64x64xi32, #tpu.memory_space<hbm>>
          %dma_wait3A_228 = tpu.memref_squeeze %dma_wait3A_227 : memref<1x1x64x64xi32, #tpu.memory_space<hbm>> -> memref<64x64xi32, #tpu.memory_space<hbm>>
          %dma_wait3A_229 = arith.constant 0 : i32
          %dma_wait3A_230 = arith.constant 0 : i32
          %dma_wait3A_231 = tpu.memref_slice %arg4[%arg1, %scan3A_109, %dma_wait3A_229, %dma_wait3A_230] : memref<16x5x64x64xi32, #tpu.memory_space<hbm>> -> memref<1x1x64x64xi32, #tpu.memory_space<hbm>>
          %dma_wait3A_232 = tpu.memref_squeeze %dma_wait3A_231 : memref<1x1x64x64xi32, #tpu.memory_space<hbm>> -> memref<64x64xi32, #tpu.memory_space<hbm>>
          tpu.wait_dma2 semaphore(%run_scoped3A : memref<!tpu.dma_semaphore, #tpu.memory_space<semaphore_mem>>) src(%dma_wait3A_232 : memref<64x64xi32, #tpu.memory_space<hbm>>) dst(%arg14 : memref<64x64xi32, #tpu.memory_space<vmem>>)
          tpu.yield
        }) : () -> ()
        "tpu.region"() ({
          %run_scoped3A = tpu.sem_alloc : memref<!tpu.dma_semaphore, #tpu.memory_space<semaphore_mem>>
          %dma_start3A_217 = arith.constant 0 : i32
          %dma_start3A_218 = arith.constant 0 : i32
          %dma_start3A_219 = tpu.memref_slice %arg5[%arg1, %scan3A_109, %dma_start3A_217, %dma_start3A_218] : memref<16x5x64x64xi32, #tpu.memory_space<hbm>> -> memref<1x1x64x64xi32, #tpu.memory_space<hbm>>
          %dma_start3A_220 = tpu.memref_squeeze %dma_start3A_219 : memref<1x1x64x64xi32, #tpu.memory_space<hbm>> -> memref<64x64xi32, #tpu.memory_space<hbm>>
          %dma_start3A_221 = arith.constant 0 : i32
          %dma_start3A_222 = arith.constant 0 : i32
          %dma_start3A_223 = tpu.memref_slice %arg5[%arg1, %scan3A_109, %dma_start3A_221, %dma_start3A_222] : memref<16x5x64x64xi32, #tpu.memory_space<hbm>> -> memref<1x1x64x64xi32, #tpu.memory_space<hbm>>
          %dma_start3A_224 = tpu.memref_squeeze %dma_start3A_223 : memref<1x1x64x64xi32, #tpu.memory_space<hbm>> -> memref<64x64xi32, #tpu.memory_space<hbm>>
          tpu.enqueue_dma source(%dma_start3A_224 : memref<64x64xi32, #tpu.memory_space<hbm>>) target(%arg15 : memref<64x64xi32, #tpu.memory_space<vmem>>) target_semaphore(%run_scoped3A : memref<!tpu.dma_semaphore, #tpu.memory_space<semaphore_mem>>)
          %dma_wait3A_225 = arith.constant 0 : i32
          %dma_wait3A_226 = arith.constant 0 : i32
          %dma_wait3A_227 = tpu.memref_slice %arg5[%arg1, %scan3A_109, %dma_wait3A_225, %dma_wait3A_226] : memref<16x5x64x64xi32, #tpu.memory_space<hbm>> -> memref<1x1x64x64xi32, #tpu.memory_space<hbm>>
          %dma_wait3A_228 = tpu.memref_squeeze %dma_wait3A_227 : memref<1x1x64x64xi32, #tpu.memory_space<hbm>> -> memref<64x64xi32, #tpu.memory_space<hbm>>
          %dma_wait3A_229 = arith.constant 0 : i32
          %dma_wait3A_230 = arith.constant 0 : i32
          %dma_wait3A_231 = tpu.memref_slice %arg5[%arg1, %scan3A_109, %dma_wait3A_229, %dma_wait3A_230] : memref<16x5x64x64xi32, #tpu.memory_space<hbm>> -> memref<1x1x64x64xi32, #tpu.memory_space<hbm>>
          %dma_wait3A_232 = tpu.memref_squeeze %dma_wait3A_231 : memref<1x1x64x64xi32, #tpu.memory_space<hbm>> -> memref<64x64xi32, #tpu.memory_space<hbm>>
          tpu.wait_dma2 semaphore(%run_scoped3A : memref<!tpu.dma_semaphore, #tpu.memory_space<semaphore_mem>>) src(%dma_wait3A_232 : memref<64x64xi32, #tpu.memory_space<hbm>>) dst(%arg15 : memref<64x64xi32, #tpu.memory_space<vmem>>)
          tpu.yield
        }) : () -> ()
        %dma_start3A = arith.constant 0 : i32
        %dma_start3A_110 = arith.constant 0 : i32
        %dma_start3A_111 = tpu.memref_slice %arg14[%dma_start3A, %dma_start3A_110] : memref<64x64xi32, #tpu.memory_space<vmem>> -> memref<1x64xi32, #tpu.memory_space<vmem>>
        %dma_start3A_112 = tpu.memref_squeeze %dma_start3A_111 : memref<1x64xi32, #tpu.memory_space<vmem>> -> memref<64xi32, #tpu.memory_space<vmem>>
        %dma_start3A_113 = arith.constant 0 : i32
        %dma_start3A_114 = arith.constant 0 : i32
        %dma_start3A_115 = tpu.memref_slice %arg2[%dma_start3A_113, %dma_start3A_114] : memref<10000x128xf32, #tpu.memory_space<hbm>> -> memref<10000x128xf32, #tpu.memory_space<hbm>>
        tpu.enqueue_indirect_dma source(%dma_start3A_115 : memref<10000x128xf32, #tpu.memory_space<hbm>>) target(%arg16 : memref<64x128xf32, #tpu.memory_space<vmem>>) offsets(%dma_start3A_112 : memref<64xi32, #tpu.memory_space<vmem>>) semaphore(%arg20 : memref<!tpu.dma_semaphore, #tpu.memory_space<semaphore_mem>>)
        %dma_start3A_116 = arith.constant 1 : i32
        %dma_start3A_117 = arith.constant 0 : i32
        %dma_start3A_118 = tpu.memref_slice %arg14[%dma_start3A_116, %dma_start3A_117] : memref<64x64xi32, #tpu.memory_space<vmem>> -> memref<1x64xi32, #tpu.memory_space<vmem>>
        %dma_start3A_119 = tpu.memref_squeeze %dma_start3A_118 : memref<1x64xi32, #tpu.memory_space<vmem>> -> memref<64xi32, #tpu.memory_space<vmem>>
        %dma_start3A_120 = arith.constant 0 : i32
        %dma_start3A_121 = arith.constant 0 : i32
        %dma_start3A_122 = tpu.memref_slice %arg2[%dma_start3A_120, %dma_start3A_121] : memref<10000x128xf32, #tpu.memory_space<hbm>> -> memref<10000x128xf32, #tpu.memory_space<hbm>>
        tpu.enqueue_indirect_dma source(%dma_start3A_122 : memref<10000x128xf32, #tpu.memory_space<hbm>>) target(%arg17 : memref<64x128xf32, #tpu.memory_space<vmem>>) offsets(%dma_start3A_119 : memref<64xi32, #tpu.memory_space<vmem>>) semaphore(%arg21 : memref<!tpu.dma_semaphore, #tpu.memory_space<semaphore_mem>>)
        %dma_wait3A = arith.constant 0 : i32
        %dma_wait3A_123 = arith.constant 0 : i32
        %dma_wait3A_124 = tpu.memref_slice %arg2[%dma_wait3A, %dma_wait3A_123] : memref<10000x128xf32, #tpu.memory_space<hbm>> -> memref<64x128xf32, #tpu.memory_space<hbm>>
        %dma_wait3A_125 = arith.constant 0 : i32
        %dma_wait3A_126 = arith.constant 0 : i32
        %dma_wait3A_127 = tpu.memref_slice %arg2[%dma_wait3A_125, %dma_wait3A_126] : memref<10000x128xf32, #tpu.memory_space<hbm>> -> memref<64x128xf32, #tpu.memory_space<hbm>>
        tpu.wait_dma2 semaphore(%arg20 : memref<!tpu.dma_semaphore, #tpu.memory_space<semaphore_mem>>) src(%dma_wait3A_127 : memref<64x128xf32, #tpu.memory_space<hbm>>) dst(%arg16 : memref<64x128xf32, #tpu.memory_space<vmem>>)
        %dma_start3A_128 = arith.constant 0 : i32
        %dma_start3A_129 = arith.constant 0 : i32
        %dma_start3A_130 = tpu.memref_slice %arg15[%dma_start3A_128, %dma_start3A_129] : memref<64x64xi32, #tpu.memory_space<vmem>> -> memref<1x64xi32, #tpu.memory_space<vmem>>
        %dma_start3A_131 = tpu.memref_squeeze %dma_start3A_130 : memref<1x64xi32, #tpu.memory_space<vmem>> -> memref<64xi32, #tpu.memory_space<vmem>>
        %dma_start3A_132 = arith.constant 0 : i32
        %dma_start3A_133 = arith.constant 0 : i32
        %dma_start3A_134 = tpu.memref_slice %arg13[%dma_start3A_132, %dma_start3A_133] : memref<10240x128xf32, #tpu.memory_space<vmem_shared>> -> memref<10240x128xf32, #tpu.memory_space<vmem_shared>>
        tpu.enqueue_indirect_dma source(%arg16 : memref<64x128xf32, #tpu.memory_space<vmem>>) target(%dma_start3A_134 : memref<10240x128xf32, #tpu.memory_space<vmem_shared>>) offsets(%dma_start3A_131 : memref<64xi32, #tpu.memory_space<vmem>>) semaphore(%arg24 : memref<!tpu.dma_semaphore, #tpu.memory_space<semaphore_mem>>) {add = true}
        %dma_start3A_135 = arith.constant 2 : i32
        %dma_start3A_136 = arith.constant 0 : i32
        %dma_start3A_137 = tpu.memref_slice %arg14[%dma_start3A_135, %dma_start3A_136] : memref<64x64xi32, #tpu.memory_space<vmem>> -> memref<1x64xi32, #tpu.memory_space<vmem>>
        %dma_start3A_138 = tpu.memref_squeeze %dma_start3A_137 : memref<1x64xi32, #tpu.memory_space<vmem>> -> memref<64xi32, #tpu.memory_space<vmem>>
        %dma_start3A_139 = arith.constant 0 : i32
        %dma_start3A_140 = arith.constant 0 : i32
        %dma_start3A_141 = tpu.memref_slice %arg2[%dma_start3A_139, %dma_start3A_140] : memref<10000x128xf32, #tpu.memory_space<hbm>> -> memref<10000x128xf32, #tpu.memory_space<hbm>>
        tpu.enqueue_indirect_dma source(%dma_start3A_141 : memref<10000x128xf32, #tpu.memory_space<hbm>>) target(%arg18 : memref<64x128xf32, #tpu.memory_space<vmem>>) offsets(%dma_start3A_138 : memref<64xi32, #tpu.memory_space<vmem>>) semaphore(%arg22 : memref<!tpu.dma_semaphore, #tpu.memory_space<semaphore_mem>>)
        %dma_wait3A_142 = arith.constant 0 : i32
        %dma_wait3A_143 = arith.constant 0 : i32
        %dma_wait3A_144 = tpu.memref_slice %arg2[%dma_wait3A_142, %dma_wait3A_143] : memref<10000x128xf32, #tpu.memory_space<hbm>> -> memref<64x128xf32, #tpu.memory_space<hbm>>
        %dma_wait3A_145 = arith.constant 0 : i32
        %dma_wait3A_146 = arith.constant 0 : i32
        %dma_wait3A_147 = tpu.memref_slice %arg2[%dma_wait3A_145, %dma_wait3A_146] : memref<10000x128xf32, #tpu.memory_space<hbm>> -> memref<64x128xf32, #tpu.memory_space<hbm>>
        tpu.wait_dma2 semaphore(%arg21 : memref<!tpu.dma_semaphore, #tpu.memory_space<semaphore_mem>>) src(%dma_wait3A_147 : memref<64x128xf32, #tpu.memory_space<hbm>>) dst(%arg17 : memref<64x128xf32, #tpu.memory_space<vmem>>)
        %dma_start3A_148 = arith.constant 1 : i32
        %dma_start3A_149 = arith.constant 0 : i32
        %dma_start3A_150 = tpu.memref_slice %arg15[%dma_start3A_148, %dma_start3A_149] : memref<64x64xi32, #tpu.memory_space<vmem>> -> memref<1x64xi32, #tpu.memory_space<vmem>>
        %dma_start3A_151 = tpu.memref_squeeze %dma_start3A_150 : memref<1x64xi32, #tpu.memory_space<vmem>> -> memref<64xi32, #tpu.memory_space<vmem>>
        %dma_start3A_152 = arith.constant 0 : i32
        %dma_start3A_153 = arith.constant 0 : i32
        %dma_start3A_154 = tpu.memref_slice %arg13[%dma_start3A_152, %dma_start3A_153] : memref<10240x128xf32, #tpu.memory_space<vmem_shared>> -> memref<10240x128xf32, #tpu.memory_space<vmem_shared>>
        tpu.enqueue_indirect_dma source(%arg17 : memref<64x128xf32, #tpu.memory_space<vmem>>) target(%dma_start3A_154 : memref<10240x128xf32, #tpu.memory_space<vmem_shared>>) offsets(%dma_start3A_151 : memref<64xi32, #tpu.memory_space<vmem>>) semaphore(%arg25 : memref<!tpu.dma_semaphore, #tpu.memory_space<semaphore_mem>>) {add = true}
        %dma_start3A_155 = arith.constant 3 : i32
        %dma_start3A_156 = arith.constant 0 : i32
        %dma_start3A_157 = tpu.memref_slice %arg14[%dma_start3A_155, %dma_start3A_156] : memref<64x64xi32, #tpu.memory_space<vmem>> -> memref<1x64xi32, #tpu.memory_space<vmem>>
        %dma_start3A_158 = tpu.memref_squeeze %dma_start3A_157 : memref<1x64xi32, #tpu.memory_space<vmem>> -> memref<64xi32, #tpu.memory_space<vmem>>
        %dma_start3A_159 = arith.constant 0 : i32
        %dma_start3A_160 = arith.constant 0 : i32
        %dma_start3A_161 = tpu.memref_slice %arg2[%dma_start3A_159, %dma_start3A_160] : memref<10000x128xf32, #tpu.memory_space<hbm>> -> memref<10000x128xf32, #tpu.memory_space<hbm>>
        tpu.enqueue_indirect_dma source(%dma_start3A_161 : memref<10000x128xf32, #tpu.memory_space<hbm>>) target(%arg19 : memref<64x128xf32, #tpu.memory_space<vmem>>) offsets(%dma_start3A_158 : memref<64xi32, #tpu.memory_space<vmem>>) semaphore(%arg23 : memref<!tpu.dma_semaphore, #tpu.memory_space<semaphore_mem>>)
        %scan3A_162 = arith.constant 0 : i32
        %scan3A_163 = arith.constant 15 : i32
        %scan3A_164 = arith.addi %scan3A_162, %scan3A_163 : i32
        %scan3A_165 = arith.constant 1 : i32
        scf.for %scan3A_217 = %scan3A_162 to %scan3A_164 step %scan3A_165  : i32 {
          %mul3A_218 = arith.constant 4 : i32
          %mul3A_219 = arith.muli %mul3A_218, %scan3A_217 : i32
          %add3A_220 = arith.constant 2 : i32
          %add3A_221 = arith.addi %add3A_220, %mul3A_219 : i32
          %add3A_222 = arith.constant 0 : i32
          %add3A_223 = arith.addi %add3A_221, %add3A_222 : i32
          %dma_wait3A_224 = arith.constant 0 : i32
          %dma_wait3A_225 = arith.constant 0 : i32
          %dma_wait3A_226 = tpu.memref_slice %arg2[%dma_wait3A_224, %dma_wait3A_225] : memref<10000x128xf32, #tpu.memory_space<hbm>> -> memref<64x128xf32, #tpu.memory_space<hbm>>
          %dma_wait3A_227 = arith.constant 0 : i32
          %dma_wait3A_228 = arith.constant 0 : i32
          %dma_wait3A_229 = tpu.memref_slice %arg2[%dma_wait3A_227, %dma_wait3A_228] : memref<10000x128xf32, #tpu.memory_space<hbm>> -> memref<64x128xf32, #tpu.memory_space<hbm>>
          tpu.wait_dma2 semaphore(%arg22 : memref<!tpu.dma_semaphore, #tpu.memory_space<semaphore_mem>>) src(%dma_wait3A_229 : memref<64x128xf32, #tpu.memory_space<hbm>>) dst(%arg18 : memref<64x128xf32, #tpu.memory_space<vmem>>)
          %dma_start3A_230 = arith.constant 0 : i32
          %dma_start3A_231 = tpu.memref_slice %arg15[%add3A_223, %dma_start3A_230] : memref<64x64xi32, #tpu.memory_space<vmem>> -> memref<1x64xi32, #tpu.memory_space<vmem>>
          %dma_start3A_232 = tpu.memref_squeeze %dma_start3A_231 : memref<1x64xi32, #tpu.memory_space<vmem>> -> memref<64xi32, #tpu.memory_space<vmem>>
          %dma_start3A_233 = arith.constant 0 : i32
          %dma_start3A_234 = arith.constant 0 : i32
          %dma_start3A_235 = tpu.memref_slice %arg13[%dma_start3A_233, %dma_start3A_234] : memref<10240x128xf32, #tpu.memory_space<vmem_shared>> -> memref<10240x128xf32, #tpu.memory_space<vmem_shared>>
          tpu.enqueue_indirect_dma source(%arg18 : memref<64x128xf32, #tpu.memory_space<vmem>>) target(%dma_start3A_235 : memref<10240x128xf32, #tpu.memory_space<vmem_shared>>) offsets(%dma_start3A_232 : memref<64xi32, #tpu.memory_space<vmem>>) semaphore(%arg26 : memref<!tpu.dma_semaphore, #tpu.memory_space<semaphore_mem>>) {add = true}
          %dma_wait3A_236 = arith.constant 0 : i32
          %dma_wait3A_237 = arith.constant 0 : i32
          %dma_wait3A_238 = tpu.memref_slice %arg13[%dma_wait3A_236, %dma_wait3A_237] : memref<10240x128xf32, #tpu.memory_space<vmem_shared>> -> memref<64x128xf32, #tpu.memory_space<vmem_shared>>
          %dma_wait3A_239 = arith.constant 0 : i32
          %dma_wait3A_240 = arith.constant 0 : i32
          %dma_wait3A_241 = tpu.memref_slice %arg13[%dma_wait3A_239, %dma_wait3A_240] : memref<10240x128xf32, #tpu.memory_space<vmem_shared>> -> memref<64x128xf32, #tpu.memory_space<vmem_shared>>
          tpu.wait_dma2 semaphore(%arg24 : memref<!tpu.dma_semaphore, #tpu.memory_space<semaphore_mem>>) src(%arg16 : memref<64x128xf32, #tpu.memory_space<vmem>>) dst(%dma_wait3A_241 : memref<64x128xf32, #tpu.memory_space<vmem_shared>>)
          %add3A_242 = arith.constant 2 : i32
          %add3A_243 = arith.addi %add3A_223, %add3A_242 : i32
          %dma_start3A_244 = arith.constant 0 : i32
          %dma_start3A_245 = tpu.memref_slice %arg14[%add3A_243, %dma_start3A_244] : memref<64x64xi32, #tpu.memory_space<vmem>> -> memref<1x64xi32, #tpu.memory_space<vmem>>
          %dma_start3A_246 = tpu.memref_squeeze %dma_start3A_245 : memref<1x64xi32, #tpu.memory_space<vmem>> -> memref<64xi32, #tpu.memory_space<vmem>>
          %dma_start3A_247 = arith.constant 0 : i32
          %dma_start3A_248 = arith.constant 0 : i32
          %dma_start3A_249 = tpu.memref_slice %arg2[%dma_start3A_247, %dma_start3A_248] : memref<10000x128xf32, #tpu.memory_space<hbm>> -> memref<10000x128xf32, #tpu.memory_space<hbm>>
          tpu.enqueue_indirect_dma source(%dma_start3A_249 : memref<10000x128xf32, #tpu.memory_space<hbm>>) target(%arg16 : memref<64x128xf32, #tpu.memory_space<vmem>>) offsets(%dma_start3A_246 : memref<64xi32, #tpu.memory_space<vmem>>) semaphore(%arg20 : memref<!tpu.dma_semaphore, #tpu.memory_space<semaphore_mem>>)
          %add3A_250 = arith.constant 1 : i32
          %add3A_251 = arith.addi %add3A_221, %add3A_250 : i32
          %dma_wait3A_252 = arith.constant 0 : i32
          %dma_wait3A_253 = arith.constant 0 : i32
          %dma_wait3A_254 = tpu.memref_slice %arg2[%dma_wait3A_252, %dma_wait3A_253] : memref<10000x128xf32, #tpu.memory_space<hbm>> -> memref<64x128xf32, #tpu.memory_space<hbm>>
          %dma_wait3A_255 = arith.constant 0 : i32
          %dma_wait3A_256 = arith.constant 0 : i32
          %dma_wait3A_257 = tpu.memref_slice %arg2[%dma_wait3A_255, %dma_wait3A_256] : memref<10000x128xf32, #tpu.memory_space<hbm>> -> memref<64x128xf32, #tpu.memory_space<hbm>>
          tpu.wait_dma2 semaphore(%arg23 : memref<!tpu.dma_semaphore, #tpu.memory_space<semaphore_mem>>) src(%dma_wait3A_257 : memref<64x128xf32, #tpu.memory_space<hbm>>) dst(%arg19 : memref<64x128xf32, #tpu.memory_space<vmem>>)
          %dma_start3A_258 = arith.constant 0 : i32
          %dma_start3A_259 = tpu.memref_slice %arg15[%add3A_251, %dma_start3A_258] : memref<64x64xi32, #tpu.memory_space<vmem>> -> memref<1x64xi32, #tpu.memory_space<vmem>>
          %dma_start3A_260 = tpu.memref_squeeze %dma_start3A_259 : memref<1x64xi32, #tpu.memory_space<vmem>> -> memref<64xi32, #tpu.memory_space<vmem>>
          %dma_start3A_261 = arith.constant 0 : i32
          %dma_start3A_262 = arith.constant 0 : i32
          %dma_start3A_263 = tpu.memref_slice %arg13[%dma_start3A_261, %dma_start3A_262] : memref<10240x128xf32, #tpu.memory_space<vmem_shared>> -> memref<10240x128xf32, #tpu.memory_space<vmem_shared>>
          tpu.enqueue_indirect_dma source(%arg19 : memref<64x128xf32, #tpu.memory_space<vmem>>) target(%dma_start3A_263 : memref<10240x128xf32, #tpu.memory_space<vmem_shared>>) offsets(%dma_start3A_260 : memref<64xi32, #tpu.memory_space<vmem>>) semaphore(%arg27 : memref<!tpu.dma_semaphore, #tpu.memory_space<semaphore_mem>>) {add = true}
          %dma_wait3A_264 = arith.constant 0 : i32
          %dma_wait3A_265 = arith.constant 0 : i32
          %dma_wait3A_266 = tpu.memref_slice %arg13[%dma_wait3A_264, %dma_wait3A_265] : memref<10240x128xf32, #tpu.memory_space<vmem_shared>> -> memref<64x128xf32, #tpu.memory_space<vmem_shared>>
          %dma_wait3A_267 = arith.constant 0 : i32
          %dma_wait3A_268 = arith.constant 0 : i32
          %dma_wait3A_269 = tpu.memref_slice %arg13[%dma_wait3A_267, %dma_wait3A_268] : memref<10240x128xf32, #tpu.memory_space<vmem_shared>> -> memref<64x128xf32, #tpu.memory_space<vmem_shared>>
          tpu.wait_dma2 semaphore(%arg25 : memref<!tpu.dma_semaphore, #tpu.memory_space<semaphore_mem>>) src(%arg17 : memref<64x128xf32, #tpu.memory_space<vmem>>) dst(%dma_wait3A_269 : memref<64x128xf32, #tpu.memory_space<vmem_shared>>)
          %add3A_270 = arith.constant 2 : i32
          %add3A_271 = arith.addi %add3A_251, %add3A_270 : i32
          %dma_start3A_272 = arith.constant 0 : i32
          %dma_start3A_273 = tpu.memref_slice %arg14[%add3A_271, %dma_start3A_272] : memref<64x64xi32, #tpu.memory_space<vmem>> -> memref<1x64xi32, #tpu.memory_space<vmem>>
          %dma_start3A_274 = tpu.memref_squeeze %dma_start3A_273 : memref<1x64xi32, #tpu.memory_space<vmem>> -> memref<64xi32, #tpu.memory_space<vmem>>
          %dma_start3A_275 = arith.constant 0 : i32
          %dma_start3A_276 = arith.constant 0 : i32
          %dma_start3A_277 = tpu.memref_slice %arg2[%dma_start3A_275, %dma_start3A_276] : memref<10000x128xf32, #tpu.memory_space<hbm>> -> memref<10000x128xf32, #tpu.memory_space<hbm>>
          tpu.enqueue_indirect_dma source(%dma_start3A_277 : memref<10000x128xf32, #tpu.memory_space<hbm>>) target(%arg17 : memref<64x128xf32, #tpu.memory_space<vmem>>) offsets(%dma_start3A_274 : memref<64xi32, #tpu.memory_space<vmem>>) semaphore(%arg21 : memref<!tpu.dma_semaphore, #tpu.memory_space<semaphore_mem>>)
          %add3A_278 = arith.constant 2 : i32
          %add3A_279 = arith.addi %add3A_221, %add3A_278 : i32
          %dma_wait3A_280 = arith.constant 0 : i32
          %dma_wait3A_281 = arith.constant 0 : i32
          %dma_wait3A_282 = tpu.memref_slice %arg2[%dma_wait3A_280, %dma_wait3A_281] : memref<10000x128xf32, #tpu.memory_space<hbm>> -> memref<64x128xf32, #tpu.memory_space<hbm>>
          %dma_wait3A_283 = arith.constant 0 : i32
          %dma_wait3A_284 = arith.constant 0 : i32
          %dma_wait3A_285 = tpu.memref_slice %arg2[%dma_wait3A_283, %dma_wait3A_284] : memref<10000x128xf32, #tpu.memory_space<hbm>> -> memref<64x128xf32, #tpu.memory_space<hbm>>
          tpu.wait_dma2 semaphore(%arg20 : memref<!tpu.dma_semaphore, #tpu.memory_space<semaphore_mem>>) src(%dma_wait3A_285 : memref<64x128xf32, #tpu.memory_space<hbm>>) dst(%arg16 : memref<64x128xf32, #tpu.memory_space<vmem>>)
          %dma_start3A_286 = arith.constant 0 : i32
          %dma_start3A_287 = tpu.memref_slice %arg15[%add3A_279, %dma_start3A_286] : memref<64x64xi32, #tpu.memory_space<vmem>> -> memref<1x64xi32, #tpu.memory_space<vmem>>
          %dma_start3A_288 = tpu.memref_squeeze %dma_start3A_287 : memref<1x64xi32, #tpu.memory_space<vmem>> -> memref<64xi32, #tpu.memory_space<vmem>>
          %dma_start3A_289 = arith.constant 0 : i32
          %dma_start3A_290 = arith.constant 0 : i32
          %dma_start3A_291 = tpu.memref_slice %arg13[%dma_start3A_289, %dma_start3A_290] : memref<10240x128xf32, #tpu.memory_space<vmem_shared>> -> memref<10240x128xf32, #tpu.memory_space<vmem_shared>>
          tpu.enqueue_indirect_dma source(%arg16 : memref<64x128xf32, #tpu.memory_space<vmem>>) target(%dma_start3A_291 : memref<10240x128xf32, #tpu.memory_space<vmem_shared>>) offsets(%dma_start3A_288 : memref<64xi32, #tpu.memory_space<vmem>>) semaphore(%arg24 : memref<!tpu.dma_semaphore, #tpu.memory_space<semaphore_mem>>) {add = true}
          %dma_wait3A_292 = arith.constant 0 : i32
          %dma_wait3A_293 = arith.constant 0 : i32
          %dma_wait3A_294 = tpu.memref_slice %arg13[%dma_wait3A_292, %dma_wait3A_293] : memref<10240x128xf32, #tpu.memory_space<vmem_shared>> -> memref<64x128xf32, #tpu.memory_space<vmem_shared>>
          %dma_wait3A_295 = arith.constant 0 : i32
          %dma_wait3A_296 = arith.constant 0 : i32
          %dma_wait3A_297 = tpu.memref_slice %arg13[%dma_wait3A_295, %dma_wait3A_296] : memref<10240x128xf32, #tpu.memory_space<vmem_shared>> -> memref<64x128xf32, #tpu.memory_space<vmem_shared>>
          tpu.wait_dma2 semaphore(%arg26 : memref<!tpu.dma_semaphore, #tpu.memory_space<semaphore_mem>>) src(%arg18 : memref<64x128xf32, #tpu.memory_space<vmem>>) dst(%dma_wait3A_297 : memref<64x128xf32, #tpu.memory_space<vmem_shared>>)
          %add3A_298 = arith.constant 2 : i32
          %add3A_299 = arith.addi %add3A_279, %add3A_298 : i32
          %dma_start3A_300 = arith.constant 0 : i32
          %dma_start3A_301 = tpu.memref_slice %arg14[%add3A_299, %dma_start3A_300] : memref<64x64xi32, #tpu.memory_space<vmem>> -> memref<1x64xi32, #tpu.memory_space<vmem>>
          %dma_start3A_302 = tpu.memref_squeeze %dma_start3A_301 : memref<1x64xi32, #tpu.memory_space<vmem>> -> memref<64xi32, #tpu.memory_space<vmem>>
          %dma_start3A_303 = arith.constant 0 : i32
          %dma_start3A_304 = arith.constant 0 : i32
          %dma_start3A_305 = tpu.memref_slice %arg2[%dma_start3A_303, %dma_start3A_304] : memref<10000x128xf32, #tpu.memory_space<hbm>> -> memref<10000x128xf32, #tpu.memory_space<hbm>>
          tpu.enqueue_indirect_dma source(%dma_start3A_305 : memref<10000x128xf32, #tpu.memory_space<hbm>>) target(%arg18 : memref<64x128xf32, #tpu.memory_space<vmem>>) offsets(%dma_start3A_302 : memref<64xi32, #tpu.memory_space<vmem>>) semaphore(%arg22 : memref<!tpu.dma_semaphore, #tpu.memory_space<semaphore_mem>>)
          %add3A_306 = arith.constant 3 : i32
          %add3A_307 = arith.addi %add3A_221, %add3A_306 : i32
          %dma_wait3A_308 = arith.constant 0 : i32
          %dma_wait3A_309 = arith.constant 0 : i32
          %dma_wait3A_310 = tpu.memref_slice %arg2[%dma_wait3A_308, %dma_wait3A_309] : memref<10000x128xf32, #tpu.memory_space<hbm>> -> memref<64x128xf32, #tpu.memory_space<hbm>>
          %dma_wait3A_311 = arith.constant 0 : i32
          %dma_wait3A_312 = arith.constant 0 : i32
          %dma_wait3A_313 = tpu.memref_slice %arg2[%dma_wait3A_311, %dma_wait3A_312] : memref<10000x128xf32, #tpu.memory_space<hbm>> -> memref<64x128xf32, #tpu.memory_space<hbm>>
          tpu.wait_dma2 semaphore(%arg21 : memref<!tpu.dma_semaphore, #tpu.memory_space<semaphore_mem>>) src(%dma_wait3A_313 : memref<64x128xf32, #tpu.memory_space<hbm>>) dst(%arg17 : memref<64x128xf32, #tpu.memory_space<vmem>>)
          %dma_start3A_314 = arith.constant 0 : i32
          %dma_start3A_315 = tpu.memref_slice %arg15[%add3A_307, %dma_start3A_314] : memref<64x64xi32, #tpu.memory_space<vmem>> -> memref<1x64xi32, #tpu.memory_space<vmem>>
          %dma_start3A_316 = tpu.memref_squeeze %dma_start3A_315 : memref<1x64xi32, #tpu.memory_space<vmem>> -> memref<64xi32, #tpu.memory_space<vmem>>
          %dma_start3A_317 = arith.constant 0 : i32
          %dma_start3A_318 = arith.constant 0 : i32
          %dma_start3A_319 = tpu.memref_slice %arg13[%dma_start3A_317, %dma_start3A_318] : memref<10240x128xf32, #tpu.memory_space<vmem_shared>> -> memref<10240x128xf32, #tpu.memory_space<vmem_shared>>
          tpu.enqueue_indirect_dma source(%arg17 : memref<64x128xf32, #tpu.memory_space<vmem>>) target(%dma_start3A_319 : memref<10240x128xf32, #tpu.memory_space<vmem_shared>>) offsets(%dma_start3A_316 : memref<64xi32, #tpu.memory_space<vmem>>) semaphore(%arg25 : memref<!tpu.dma_semaphore, #tpu.memory_space<semaphore_mem>>) {add = true}
          %dma_wait3A_320 = arith.constant 0 : i32
          %dma_wait3A_321 = arith.constant 0 : i32
          %dma_wait3A_322 = tpu.memref_slice %arg13[%dma_wait3A_320, %dma_wait3A_321] : memref<10240x128xf32, #tpu.memory_space<vmem_shared>> -> memref<64x128xf32, #tpu.memory_space<vmem_shared>>
          %dma_wait3A_323 = arith.constant 0 : i32
          %dma_wait3A_324 = arith.constant 0 : i32
          %dma_wait3A_325 = tpu.memref_slice %arg13[%dma_wait3A_323, %dma_wait3A_324] : memref<10240x128xf32, #tpu.memory_space<vmem_shared>> -> memref<64x128xf32, #tpu.memory_space<vmem_shared>>
          tpu.wait_dma2 semaphore(%arg27 : memref<!tpu.dma_semaphore, #tpu.memory_space<semaphore_mem>>) src(%arg19 : memref<64x128xf32, #tpu.memory_space<vmem>>) dst(%dma_wait3A_325 : memref<64x128xf32, #tpu.memory_space<vmem_shared>>)
          %add3A_326 = arith.constant 2 : i32
          %add3A_327 = arith.addi %add3A_307, %add3A_326 : i32
          %dma_start3A_328 = arith.constant 0 : i32
          %dma_start3A_329 = tpu.memref_slice %arg14[%add3A_327, %dma_start3A_328] : memref<64x64xi32, #tpu.memory_space<vmem>> -> memref<1x64xi32, #tpu.memory_space<vmem>>
          %dma_start3A_330 = tpu.memref_squeeze %dma_start3A_329 : memref<1x64xi32, #tpu.memory_space<vmem>> -> memref<64xi32, #tpu.memory_space<vmem>>
          %dma_start3A_331 = arith.constant 0 : i32
          %dma_start3A_332 = arith.constant 0 : i32
          %dma_start3A_333 = tpu.memref_slice %arg2[%dma_start3A_331, %dma_start3A_332] : memref<10000x128xf32, #tpu.memory_space<hbm>> -> memref<10000x128xf32, #tpu.memory_space<hbm>>
          tpu.enqueue_indirect_dma source(%dma_start3A_333 : memref<10000x128xf32, #tpu.memory_space<hbm>>) target(%arg19 : memref<64x128xf32, #tpu.memory_space<vmem>>) offsets(%dma_start3A_330 : memref<64xi32, #tpu.memory_space<vmem>>) semaphore(%arg23 : memref<!tpu.dma_semaphore, #tpu.memory_space<semaphore_mem>>)
        }
        %scan3A_166 = arith.constant 15 : i32
        %dma_wait3A_167 = arith.constant 0 : i32
        %dma_wait3A_168 = arith.constant 0 : i32
        %dma_wait3A_169 = tpu.memref_slice %arg2[%dma_wait3A_167, %dma_wait3A_168] : memref<10000x128xf32, #tpu.memory_space<hbm>> -> memref<64x128xf32, #tpu.memory_space<hbm>>
        %dma_wait3A_170 = arith.constant 0 : i32
        %dma_wait3A_171 = arith.constant 0 : i32
        %dma_wait3A_172 = tpu.memref_slice %arg2[%dma_wait3A_170, %dma_wait3A_171] : memref<10000x128xf32, #tpu.memory_space<hbm>> -> memref<64x128xf32, #tpu.memory_space<hbm>>
        tpu.wait_dma2 semaphore(%arg22 : memref<!tpu.dma_semaphore, #tpu.memory_space<semaphore_mem>>) src(%dma_wait3A_172 : memref<64x128xf32, #tpu.memory_space<hbm>>) dst(%arg18 : memref<64x128xf32, #tpu.memory_space<vmem>>)
        %dma_start3A_173 = arith.constant 62 : i32
        %dma_start3A_174 = arith.constant 0 : i32
        %dma_start3A_175 = tpu.memref_slice %arg15[%dma_start3A_173, %dma_start3A_174] : memref<64x64xi32, #tpu.memory_space<vmem>> -> memref<1x64xi32, #tpu.memory_space<vmem>>
        %dma_start3A_176 = tpu.memref_squeeze %dma_start3A_175 : memref<1x64xi32, #tpu.memory_space<vmem>> -> memref<64xi32, #tpu.memory_space<vmem>>
        %dma_start3A_177 = arith.constant 0 : i32
        %dma_start3A_178 = arith.constant 0 : i32
        %dma_start3A_179 = tpu.memref_slice %arg13[%dma_start3A_177, %dma_start3A_178] : memref<10240x128xf32, #tpu.memory_space<vmem_shared>> -> memref<10240x128xf32, #tpu.memory_space<vmem_shared>>
        tpu.enqueue_indirect_dma source(%arg18 : memref<64x128xf32, #tpu.memory_space<vmem>>) target(%dma_start3A_179 : memref<10240x128xf32, #tpu.memory_space<vmem_shared>>) offsets(%dma_start3A_176 : memref<64xi32, #tpu.memory_space<vmem>>) semaphore(%arg26 : memref<!tpu.dma_semaphore, #tpu.memory_space<semaphore_mem>>) {add = true}
        %dma_wait3A_180 = arith.constant 0 : i32
        %dma_wait3A_181 = arith.constant 0 : i32
        %dma_wait3A_182 = tpu.memref_slice %arg13[%dma_wait3A_180, %dma_wait3A_181] : memref<10240x128xf32, #tpu.memory_space<vmem_shared>> -> memref<64x128xf32, #tpu.memory_space<vmem_shared>>
        %dma_wait3A_183 = arith.constant 0 : i32
        %dma_wait3A_184 = arith.constant 0 : i32
        %dma_wait3A_185 = tpu.memref_slice %arg13[%dma_wait3A_183, %dma_wait3A_184] : memref<10240x128xf32, #tpu.memory_space<vmem_shared>> -> memref<64x128xf32, #tpu.memory_space<vmem_shared>>
        tpu.wait_dma2 semaphore(%arg24 : memref<!tpu.dma_semaphore, #tpu.memory_space<semaphore_mem>>) src(%arg16 : memref<64x128xf32, #tpu.memory_space<vmem>>) dst(%dma_wait3A_185 : memref<64x128xf32, #tpu.memory_space<vmem_shared>>)
        %dma_wait3A_186 = arith.constant 0 : i32
        %dma_wait3A_187 = arith.constant 0 : i32
        %dma_wait3A_188 = tpu.memref_slice %arg2[%dma_wait3A_186, %dma_wait3A_187] : memref<10000x128xf32, #tpu.memory_space<hbm>> -> memref<64x128xf32, #tpu.memory_space<hbm>>
        %dma_wait3A_189 = arith.constant 0 : i32
        %dma_wait3A_190 = arith.constant 0 : i32
        %dma_wait3A_191 = tpu.memref_slice %arg2[%dma_wait3A_189, %dma_wait3A_190] : memref<10000x128xf32, #tpu.memory_space<hbm>> -> memref<64x128xf32, #tpu.memory_space<hbm>>
        tpu.wait_dma2 semaphore(%arg23 : memref<!tpu.dma_semaphore, #tpu.memory_space<semaphore_mem>>) src(%dma_wait3A_191 : memref<64x128xf32, #tpu.memory_space<hbm>>) dst(%arg19 : memref<64x128xf32, #tpu.memory_space<vmem>>)
        %dma_start3A_192 = arith.constant 63 : i32
        %dma_start3A_193 = arith.constant 0 : i32
        %dma_start3A_194 = tpu.memref_slice %arg15[%dma_start3A_192, %dma_start3A_193] : memref<64x64xi32, #tpu.memory_space<vmem>> -> memref<1x64xi32, #tpu.memory_space<vmem>>
        %dma_start3A_195 = tpu.memref_squeeze %dma_start3A_194 : memref<1x64xi32, #tpu.memory_space<vmem>> -> memref<64xi32, #tpu.memory_space<vmem>>
        %dma_start3A_196 = arith.constant 0 : i32
        %dma_start3A_197 = arith.constant 0 : i32
        %dma_start3A_198 = tpu.memref_slice %arg13[%dma_start3A_196, %dma_start3A_197] : memref<10240x128xf32, #tpu.memory_space<vmem_shared>> -> memref<10240x128xf32, #tpu.memory_space<vmem_shared>>
        tpu.enqueue_indirect_dma source(%arg19 : memref<64x128xf32, #tpu.memory_space<vmem>>) target(%dma_start3A_198 : memref<10240x128xf32, #tpu.memory_space<vmem_shared>>) offsets(%dma_start3A_195 : memref<64xi32, #tpu.memory_space<vmem>>) semaphore(%arg27 : memref<!tpu.dma_semaphore, #tpu.memory_space<semaphore_mem>>) {add = true}
        %dma_wait3A_199 = arith.constant 0 : i32
        %dma_wait3A_200 = arith.constant 0 : i32
        %dma_wait3A_201 = tpu.memref_slice %arg13[%dma_wait3A_199, %dma_wait3A_200] : memref<10240x128xf32, #tpu.memory_space<vmem_shared>> -> memref<64x128xf32, #tpu.memory_space<vmem_shared>>
        %dma_wait3A_202 = arith.constant 0 : i32
        %dma_wait3A_203 = arith.constant 0 : i32
        %dma_wait3A_204 = tpu.memref_slice %arg13[%dma_wait3A_202, %dma_wait3A_203] : memref<10240x128xf32, #tpu.memory_space<vmem_shared>> -> memref<64x128xf32, #tpu.memory_space<vmem_shared>>
        tpu.wait_dma2 semaphore(%arg25 : memref<!tpu.dma_semaphore, #tpu.memory_space<semaphore_mem>>) src(%arg17 : memref<64x128xf32, #tpu.memory_space<vmem>>) dst(%dma_wait3A_204 : memref<64x128xf32, #tpu.memory_space<vmem_shared>>)
        %dma_wait3A_205 = arith.constant 0 : i32
        %dma_wait3A_206 = arith.constant 0 : i32
        %dma_wait3A_207 = tpu.memref_slice %arg13[%dma_wait3A_205, %dma_wait3A_206] : memref<10240x128xf32, #tpu.memory_space<vmem_shared>> -> memref<64x128xf32, #tpu.memory_space<vmem_shared>>
        %dma_wait3A_208 = arith.constant 0 : i32
        %dma_wait3A_209 = arith.constant 0 : i32
        %dma_wait3A_210 = tpu.memref_slice %arg13[%dma_wait3A_208, %dma_wait3A_209] : memref<10240x128xf32, #tpu.memory_space<vmem_shared>> -> memref<64x128xf32, #tpu.memory_space<vmem_shared>>
        tpu.wait_dma2 semaphore(%arg26 : memref<!tpu.dma_semaphore, #tpu.memory_space<semaphore_mem>>) src(%arg18 : memref<64x128xf32, #tpu.memory_space<vmem>>) dst(%dma_wait3A_210 : memref<64x128xf32, #tpu.memory_space<vmem_shared>>)
        %dma_wait3A_211 = arith.constant 0 : i32
        %dma_wait3A_212 = arith.constant 0 : i32
        %dma_wait3A_213 = tpu.memref_slice %arg13[%dma_wait3A_211, %dma_wait3A_212] : memref<10240x128xf32, #tpu.memory_space<vmem_shared>> -> memref<64x128xf32, #tpu.memory_space<vmem_shared>>
        %dma_wait3A_214 = arith.constant 0 : i32
        %dma_wait3A_215 = arith.constant 0 : i32
        %dma_wait3A_216 = tpu.memref_slice %arg13[%dma_wait3A_214, %dma_wait3A_215] : memref<10240x128xf32, #tpu.memory_space<vmem_shared>> -> memref<64x128xf32, #tpu.memory_space<vmem_shared>>
        tpu.wait_dma2 semaphore(%arg27 : memref<!tpu.dma_semaphore, #tpu.memory_space<semaphore_mem>>) src(%arg19 : memref<64x128xf32, #tpu.memory_space<vmem>>) dst(%dma_wait3A_216 : memref<64x128xf32, #tpu.memory_space<vmem_shared>>)
      }
      %scan3A_49 = arith.constant 5 : i32
      %barrier3A_50 = arith.constant 0 : index
      tpu.barrier barrier_id(%barrier3A_50)
      %mul3A_51 = arith.constant 640 : i32
      %mul3A_52 = arith.muli %arg1, %mul3A_51 : i32
      %mul3A_53 = arith.constant 640 : i32
      %mul3A_54 = arith.muli %arg1, %mul3A_53 : i32
      "tpu.region"() ({
        %run_scoped3A = tpu.sem_alloc : memref<!tpu.dma_semaphore, #tpu.memory_space<semaphore_mem>>
        %dma_start3A = arith.constant 0 : i32
        %dma_start3A_109 = tpu.memref_slice %arg9[%mul3A_54, %dma_start3A] : memref<10240x128xf32, #tpu.memory_space<hbm>> -> memref<640x128xf32, #tpu.memory_space<hbm>>
        %dma_start3A_110 = arith.constant 0 : i32
        %dma_start3A_111 = tpu.memref_slice %arg13[%mul3A_52, %dma_start3A_110] : memref<10240x128xf32, #tpu.memory_space<vmem_shared>> -> memref<640x128xf32, #tpu.memory_space<vmem_shared>>
        tpu.enqueue_dma source(%dma_start3A_111 : memref<640x128xf32, #tpu.memory_space<vmem_shared>>) target(%dma_start3A_109 : memref<640x128xf32, #tpu.memory_space<hbm>>) target_semaphore(%run_scoped3A : memref<!tpu.dma_semaphore, #tpu.memory_space<semaphore_mem>>)
        %dma_wait3A = arith.constant 0 : i32
        %dma_wait3A_112 = tpu.memref_slice %arg9[%mul3A_54, %dma_wait3A] : memref<10240x128xf32, #tpu.memory_space<hbm>> -> memref<640x128xf32, #tpu.memory_space<hbm>>
        %dma_wait3A_113 = arith.constant 0 : i32
        %dma_wait3A_114 = tpu.memref_slice %arg13[%mul3A_52, %dma_wait3A_113] : memref<10240x128xf32, #tpu.memory_space<vmem_shared>> -> memref<640x128xf32, #tpu.memory_space<vmem_shared>>
        tpu.wait_dma2 semaphore(%run_scoped3A : memref<!tpu.dma_semaphore, #tpu.memory_space<semaphore_mem>>) src(%dma_wait3A_114 : memref<640x128xf32, #tpu.memory_space<vmem_shared>>) dst(%dma_wait3A_112 : memref<640x128xf32, #tpu.memory_space<hbm>>)
        tpu.yield
      }) : () -> ()
      %barrier3A_55 = arith.constant 0 : index
      tpu.barrier barrier_id(%barrier3A_55)
      %mul3A_56 = arith.constant 640 : i32
      %mul3A_57 = arith.muli %arg1, %mul3A_56 : i32
      %add3A_58 = arith.constant 0 : i32
      %add3A_59 = arith.addi %mul3A_57, %add3A_58 : i32
      "tpu.region"() ({
        %run_scoped3A = tpu.sem_alloc : memref<!tpu.dma_semaphore, #tpu.memory_space<semaphore_mem>>
        %dma_start3A = arith.constant 0 : i32
        %dma_start3A_109 = tpu.memref_slice %arg13[%add3A_59, %dma_start3A] : memref<10240x128xf32, #tpu.memory_space<vmem_shared>> -> memref<64x128xf32, #tpu.memory_space<vmem_shared>>
        tpu.enqueue_dma source(%arg8 : memref<64x128xf32, #tpu.memory_space<hbm>>) target(%dma_start3A_109 : memref<64x128xf32, #tpu.memory_space<vmem_shared>>) target_semaphore(%run_scoped3A : memref<!tpu.dma_semaphore, #tpu.memory_space<semaphore_mem>>)
        %dma_wait3A = arith.constant 0 : i32
        %dma_wait3A_110 = tpu.memref_slice %arg13[%add3A_59, %dma_wait3A] : memref<10240x128xf32, #tpu.memory_space<vmem_shared>> -> memref<64x128xf32, #tpu.memory_space<vmem_shared>>
        tpu.wait_dma2 semaphore(%run_scoped3A : memref<!tpu.dma_semaphore, #tpu.memory_space<semaphore_mem>>) src(%arg8 : memref<64x128xf32, #tpu.memory_space<hbm>>) dst(%dma_wait3A_110 : memref<64x128xf32, #tpu.memory_space<vmem_shared>>)
        tpu.yield
      }) : () -> ()
      %mul3A_60 = arith.constant 640 : i32
      %mul3A_61 = arith.muli %arg1, %mul3A_60 : i32
      %add3A_62 = arith.constant 64 : i32
      %add3A_63 = arith.addi %mul3A_61, %add3A_62 : i32
      "tpu.region"() ({
        %run_scoped3A = tpu.sem_alloc : memref<!tpu.dma_semaphore, #tpu.memory_space<semaphore_mem>>
        %dma_start3A = arith.constant 0 : i32
        %dma_start3A_109 = tpu.memref_slice %arg13[%add3A_63, %dma_start3A] : memref<10240x128xf32, #tpu.memory_space<vmem_shared>> -> memref<64x128xf32, #tpu.memory_space<vmem_shared>>
        tpu.enqueue_dma source(%arg8 : memref<64x128xf32, #tpu.memory_space<hbm>>) target(%dma_start3A_109 : memref<64x128xf32, #tpu.memory_space<vmem_shared>>) target_semaphore(%run_scoped3A : memref<!tpu.dma_semaphore, #tpu.memory_space<semaphore_mem>>)
        %dma_wait3A = arith.constant 0 : i32
        %dma_wait3A_110 = tpu.memref_slice %arg13[%add3A_63, %dma_wait3A] : memref<10240x128xf32, #tpu.memory_space<vmem_shared>> -> memref<64x128xf32, #tpu.memory_space<vmem_shared>>
        tpu.wait_dma2 semaphore(%run_scoped3A : memref<!tpu.dma_semaphore, #tpu.memory_space<semaphore_mem>>) src(%arg8 : memref<64x128xf32, #tpu.memory_space<hbm>>) dst(%dma_wait3A_110 : memref<64x128xf32, #tpu.memory_space<vmem_shared>>)
        tpu.yield
      }) : () -> ()
      %mul3A_64 = arith.constant 640 : i32
      %mul3A_65 = arith.muli %arg1, %mul3A_64 : i32
      %add3A_66 = arith.constant 128 : i32
      %add3A_67 = arith.addi %mul3A_65, %add3A_66 : i32
      "tpu.region"() ({
        %run_scoped3A = tpu.sem_alloc : memref<!tpu.dma_semaphore, #tpu.memory_space<semaphore_mem>>
        %dma_start3A = arith.constant 0 : i32
        %dma_start3A_109 = tpu.memref_slice %arg13[%add3A_67, %dma_start3A] : memref<10240x128xf32, #tpu.memory_space<vmem_shared>> -> memref<64x128xf32, #tpu.memory_space<vmem_shared>>
        tpu.enqueue_dma source(%arg8 : memref<64x128xf32, #tpu.memory_space<hbm>>) target(%dma_start3A_109 : memref<64x128xf32, #tpu.memory_space<vmem_shared>>) target_semaphore(%run_scoped3A : memref<!tpu.dma_semaphore, #tpu.memory_space<semaphore_mem>>)
        %dma_wait3A = arith.constant 0 : i32
        %dma_wait3A_110 = tpu.memref_slice %arg13[%add3A_67, %dma_wait3A] : memref<10240x128xf32, #tpu.memory_space<vmem_shared>> -> memref<64x128xf32, #tpu.memory_space<vmem_shared>>
        tpu.wait_dma2 semaphore(%run_scoped3A : memref<!tpu.dma_semaphore, #tpu.memory_space<semaphore_mem>>) src(%arg8 : memref<64x128xf32, #tpu.memory_space<hbm>>) dst(%dma_wait3A_110 : memref<64x128xf32, #tpu.memory_space<vmem_shared>>)
        tpu.yield
      }) : () -> ()
      %mul3A_68 = arith.constant 640 : i32
      %mul3A_69 = arith.muli %arg1, %mul3A_68 : i32
      %add3A_70 = arith.constant 192 : i32
      %add3A_71 = arith.addi %mul3A_69, %add3A_70 : i32
      "tpu.region"() ({
        %run_scoped3A = tpu.sem_alloc : memref<!tpu.dma_semaphore, #tpu.memory_space<semaphore_mem>>
        %dma_start3A = arith.constant 0 : i32
        %dma_start3A_109 = tpu.memref_slice %arg13[%add3A_71, %dma_start3A] : memref<10240x128xf32, #tpu.memory_space<vmem_shared>> -> memref<64x128xf32, #tpu.memory_space<vmem_shared>>
        tpu.enqueue_dma source(%arg8 : memref<64x128xf32, #tpu.memory_space<hbm>>) target(%dma_start3A_109 : memref<64x128xf32, #tpu.memory_space<vmem_shared>>) target_semaphore(%run_scoped3A : memref<!tpu.dma_semaphore, #tpu.memory_space<semaphore_mem>>)
        %dma_wait3A = arith.constant 0 : i32
        %dma_wait3A_110 = tpu.memref_slice %arg13[%add3A_71, %dma_wait3A] : memref<10240x128xf32, #tpu.memory_space<vmem_shared>> -> memref<64x128xf32, #tpu.memory_space<vmem_shared>>
        tpu.wait_dma2 semaphore(%run_scoped3A : memref<!tpu.dma_semaphore, #tpu.memory_space<semaphore_mem>>) src(%arg8 : memref<64x128xf32, #tpu.memory_space<hbm>>) dst(%dma_wait3A_110 : memref<64x128xf32, #tpu.memory_space<vmem_shared>>)
        tpu.yield
      }) : () -> ()
      %mul3A_72 = arith.constant 640 : i32
      %mul3A_73 = arith.muli %arg1, %mul3A_72 : i32
      %add3A_74 = arith.constant 256 : i32
      %add3A_75 = arith.addi %mul3A_73, %add3A_74 : i32
      "tpu.region"() ({
        %run_scoped3A = tpu.sem_alloc : memref<!tpu.dma_semaphore, #tpu.memory_space<semaphore_mem>>
        %dma_start3A = arith.constant 0 : i32
        %dma_start3A_109 = tpu.memref_slice %arg13[%add3A_75, %dma_start3A] : memref<10240x128xf32, #tpu.memory_space<vmem_shared>> -> memref<64x128xf32, #tpu.memory_space<vmem_shared>>
        tpu.enqueue_dma source(%arg8 : memref<64x128xf32, #tpu.memory_space<hbm>>) target(%dma_start3A_109 : memref<64x128xf32, #tpu.memory_space<vmem_shared>>) target_semaphore(%run_scoped3A : memref<!tpu.dma_semaphore, #tpu.memory_space<semaphore_mem>>)
        %dma_wait3A = arith.constant 0 : i32
        %dma_wait3A_110 = tpu.memref_slice %arg13[%add3A_75, %dma_wait3A] : memref<10240x128xf32, #tpu.memory_space<vmem_shared>> -> memref<64x128xf32, #tpu.memory_space<vmem_shared>>
        tpu.wait_dma2 semaphore(%run_scoped3A : memref<!tpu.dma_semaphore, #tpu.memory_space<semaphore_mem>>) src(%arg8 : memref<64x128xf32, #tpu.memory_space<hbm>>) dst(%dma_wait3A_110 : memref<64x128xf32, #tpu.memory_space<vmem_shared>>)
        tpu.yield
      }) : () -> ()
      %mul3A_76 = arith.constant 640 : i32
      %mul3A_77 = arith.muli %arg1, %mul3A_76 : i32
      %add3A_78 = arith.constant 320 : i32
      %add3A_79 = arith.addi %mul3A_77, %add3A_78 : i32
      "tpu.region"() ({
        %run_scoped3A = tpu.sem_alloc : memref<!tpu.dma_semaphore, #tpu.memory_space<semaphore_mem>>
        %dma_start3A = arith.constant 0 : i32
        %dma_start3A_109 = tpu.memref_slice %arg13[%add3A_79, %dma_start3A] : memref<10240x128xf32, #tpu.memory_space<vmem_shared>> -> memref<64x128xf32, #tpu.memory_space<vmem_shared>>
        tpu.enqueue_dma source(%arg8 : memref<64x128xf32, #tpu.memory_space<hbm>>) target(%dma_start3A_109 : memref<64x128xf32, #tpu.memory_space<vmem_shared>>) target_semaphore(%run_scoped3A : memref<!tpu.dma_semaphore, #tpu.memory_space<semaphore_mem>>)
        %dma_wait3A = arith.constant 0 : i32
        %dma_wait3A_110 = tpu.memref_slice %arg13[%add3A_79, %dma_wait3A] : memref<10240x128xf32, #tpu.memory_space<vmem_shared>> -> memref<64x128xf32, #tpu.memory_space<vmem_shared>>
        tpu.wait_dma2 semaphore(%run_scoped3A : memref<!tpu.dma_semaphore, #tpu.memory_space<semaphore_mem>>) src(%arg8 : memref<64x128xf32, #tpu.memory_space<hbm>>) dst(%dma_wait3A_110 : memref<64x128xf32, #tpu.memory_space<vmem_shared>>)
        tpu.yield
      }) : () -> ()
      %mul3A_80 = arith.constant 640 : i32
      %mul3A_81 = arith.muli %arg1, %mul3A_80 : i32
      %add3A_82 = arith.constant 384 : i32
      %add3A_83 = arith.addi %mul3A_81, %add3A_82 : i32
      "tpu.region"() ({
        %run_scoped3A = tpu.sem_alloc : memref<!tpu.dma_semaphore, #tpu.memory_space<semaphore_mem>>
        %dma_start3A = arith.constant 0 : i32
        %dma_start3A_109 = tpu.memref_slice %arg13[%add3A_83, %dma_start3A] : memref<10240x128xf32, #tpu.memory_space<vmem_shared>> -> memref<64x128xf32, #tpu.memory_space<vmem_shared>>
        tpu.enqueue_dma source(%arg8 : memref<64x128xf32, #tpu.memory_space<hbm>>) target(%dma_start3A_109 : memref<64x128xf32, #tpu.memory_space<vmem_shared>>) target_semaphore(%run_scoped3A : memref<!tpu.dma_semaphore, #tpu.memory_space<semaphore_mem>>)
        %dma_wait3A = arith.constant 0 : i32
        %dma_wait3A_110 = tpu.memref_slice %arg13[%add3A_83, %dma_wait3A] : memref<10240x128xf32, #tpu.memory_space<vmem_shared>> -> memref<64x128xf32, #tpu.memory_space<vmem_shared>>
        tpu.wait_dma2 semaphore(%run_scoped3A : memref<!tpu.dma_semaphore, #tpu.memory_space<semaphore_mem>>) src(%arg8 : memref<64x128xf32, #tpu.memory_space<hbm>>) dst(%dma_wait3A_110 : memref<64x128xf32, #tpu.memory_space<vmem_shared>>)
        tpu.yield
      }) : () -> ()
      %mul3A_84 = arith.constant 640 : i32
      %mul3A_85 = arith.muli %arg1, %mul3A_84 : i32
      %add3A_86 = arith.constant 448 : i32
      %add3A_87 = arith.addi %mul3A_85, %add3A_86 : i32
      "tpu.region"() ({
        %run_scoped3A = tpu.sem_alloc : memref<!tpu.dma_semaphore, #tpu.memory_space<semaphore_mem>>
        %dma_start3A = arith.constant 0 : i32
        %dma_start3A_109 = tpu.memref_slice %arg13[%add3A_87, %dma_start3A] : memref<10240x128xf32, #tpu.memory_space<vmem_shared>> -> memref<64x128xf32, #tpu.memory_space<vmem_shared>>
        tpu.enqueue_dma source(%arg8 : memref<64x128xf32, #tpu.memory_space<hbm>>) target(%dma_start3A_109 : memref<64x128xf32, #tpu.memory_space<vmem_shared>>) target_semaphore(%run_scoped3A : memref<!tpu.dma_semaphore, #tpu.memory_space<semaphore_mem>>)
        %dma_wait3A = arith.constant 0 : i32
        %dma_wait3A_110 = tpu.memref_slice %arg13[%add3A_87, %dma_wait3A] : memref<10240x128xf32, #tpu.memory_space<vmem_shared>> -> memref<64x128xf32, #tpu.memory_space<vmem_shared>>
        tpu.wait_dma2 semaphore(%run_scoped3A : memref<!tpu.dma_semaphore, #tpu.memory_space<semaphore_mem>>) src(%arg8 : memref<64x128xf32, #tpu.memory_space<hbm>>) dst(%dma_wait3A_110 : memref<64x128xf32, #tpu.memory_space<vmem_shared>>)
        tpu.yield
      }) : () -> ()
      %mul3A_88 = arith.constant 640 : i32
      %mul3A_89 = arith.muli %arg1, %mul3A_88 : i32
      %add3A_90 = arith.constant 512 : i32
      %add3A_91 = arith.addi %mul3A_89, %add3A_90 : i32
      "tpu.region"() ({
        %run_scoped3A = tpu.sem_alloc : memref<!tpu.dma_semaphore, #tpu.memory_space<semaphore_mem>>
        %dma_start3A = arith.constant 0 : i32
        %dma_start3A_109 = tpu.memref_slice %arg13[%add3A_91, %dma_start3A] : memref<10240x128xf32, #tpu.memory_space<vmem_shared>> -> memref<64x128xf32, #tpu.memory_space<vmem_shared>>
        tpu.enqueue_dma source(%arg8 : memref<64x128xf32, #tpu.memory_space<hbm>>) target(%dma_start3A_109 : memref<64x128xf32, #tpu.memory_space<vmem_shared>>) target_semaphore(%run_scoped3A : memref<!tpu.dma_semaphore, #tpu.memory_space<semaphore_mem>>)
        %dma_wait3A = arith.constant 0 : i32
        %dma_wait3A_110 = tpu.memref_slice %arg13[%add3A_91, %dma_wait3A] : memref<10240x128xf32, #tpu.memory_space<vmem_shared>> -> memref<64x128xf32, #tpu.memory_space<vmem_shared>>
        tpu.wait_dma2 semaphore(%run_scoped3A : memref<!tpu.dma_semaphore, #tpu.memory_space<semaphore_mem>>) src(%arg8 : memref<64x128xf32, #tpu.memory_space<hbm>>) dst(%dma_wait3A_110 : memref<64x128xf32, #tpu.memory_space<vmem_shared>>)
        tpu.yield
      }) : () -> ()
      %mul3A_92 = arith.constant 640 : i32
      %mul3A_93 = arith.muli %arg1, %mul3A_92 : i32
      %add3A_94 = arith.constant 576 : i32
      %add3A_95 = arith.addi %mul3A_93, %add3A_94 : i32
      "tpu.region"() ({
        %run_scoped3A = tpu.sem_alloc : memref<!tpu.dma_semaphore, #tpu.memory_space<semaphore_mem>>
        %dma_start3A = arith.constant 0 : i32
        %dma_start3A_109 = tpu.memref_slice %arg13[%add3A_95, %dma_start3A] : memref<10240x128xf32, #tpu.memory_space<vmem_shared>> -> memref<64x128xf32, #tpu.memory_space<vmem_shared>>
        tpu.enqueue_dma source(%arg8 : memref<64x128xf32, #tpu.memory_space<hbm>>) target(%dma_start3A_109 : memref<64x128xf32, #tpu.memory_space<vmem_shared>>) target_semaphore(%run_scoped3A : memref<!tpu.dma_semaphore, #tpu.memory_space<semaphore_mem>>)
        %dma_wait3A = arith.constant 0 : i32
        %dma_wait3A_110 = tpu.memref_slice %arg13[%add3A_95, %dma_wait3A] : memref<10240x128xf32, #tpu.memory_space<vmem_shared>> -> memref<64x128xf32, #tpu.memory_space<vmem_shared>>
        tpu.wait_dma2 semaphore(%run_scoped3A : memref<!tpu.dma_semaphore, #tpu.memory_space<semaphore_mem>>) src(%arg8 : memref<64x128xf32, #tpu.memory_space<hbm>>) dst(%dma_wait3A_110 : memref<64x128xf32, #tpu.memory_space<vmem_shared>>)
        tpu.yield
      }) : () -> ()
      %barrier3A_96 = arith.constant 0 : index
      tpu.barrier barrier_id(%barrier3A_96)
      %scan3A_97 = arith.constant 0 : i32
      %scan3A_98 = arith.constant 0 : i32
      %scan3A_99 = arith.constant 5 : i32
      %scan3A_100 = arith.addi %scan3A_98, %scan3A_99 : i32
      %scan3A_101 = arith.constant 1 : i32
      scf.for %scan3A_109 = %scan3A_98 to %scan3A_100 step %scan3A_101  : i32 {
        "tpu.region"() ({
          %run_scoped3A = tpu.sem_alloc : memref<!tpu.dma_semaphore, #tpu.memory_space<semaphore_mem>>
          %dma_start3A_217 = arith.constant 0 : i32
          %dma_start3A_218 = arith.constant 0 : i32
          %dma_start3A_219 = tpu.memref_slice %arg6[%arg1, %scan3A_109, %dma_start3A_217, %dma_start3A_218] : memref<16x5x64x64xi32, #tpu.memory_space<hbm>> -> memref<1x1x64x64xi32, #tpu.memory_space<hbm>>
          %dma_start3A_220 = tpu.memref_squeeze %dma_start3A_219 : memref<1x1x64x64xi32, #tpu.memory_space<hbm>> -> memref<64x64xi32, #tpu.memory_space<hbm>>
          %dma_start3A_221 = arith.constant 0 : i32
          %dma_start3A_222 = arith.constant 0 : i32
          %dma_start3A_223 = tpu.memref_slice %arg6[%arg1, %scan3A_109, %dma_start3A_221, %dma_start3A_222] : memref<16x5x64x64xi32, #tpu.memory_space<hbm>> -> memref<1x1x64x64xi32, #tpu.memory_space<hbm>>
          %dma_start3A_224 = tpu.memref_squeeze %dma_start3A_223 : memref<1x1x64x64xi32, #tpu.memory_space<hbm>> -> memref<64x64xi32, #tpu.memory_space<hbm>>
          tpu.enqueue_dma source(%dma_start3A_224 : memref<64x64xi32, #tpu.memory_space<hbm>>) target(%arg14 : memref<64x64xi32, #tpu.memory_space<vmem>>) target_semaphore(%run_scoped3A : memref<!tpu.dma_semaphore, #tpu.memory_space<semaphore_mem>>)
          %dma_wait3A_225 = arith.constant 0 : i32
          %dma_wait3A_226 = arith.constant 0 : i32
          %dma_wait3A_227 = tpu.memref_slice %arg6[%arg1, %scan3A_109, %dma_wait3A_225, %dma_wait3A_226] : memref<16x5x64x64xi32, #tpu.memory_space<hbm>> -> memref<1x1x64x64xi32, #tpu.memory_space<hbm>>
          %dma_wait3A_228 = tpu.memref_squeeze %dma_wait3A_227 : memref<1x1x64x64xi32, #tpu.memory_space<hbm>> -> memref<64x64xi32, #tpu.memory_space<hbm>>
          %dma_wait3A_229 = arith.constant 0 : i32
          %dma_wait3A_230 = arith.constant 0 : i32
          %dma_wait3A_231 = tpu.memref_slice %arg6[%arg1, %scan3A_109, %dma_wait3A_229, %dma_wait3A_230] : memref<16x5x64x64xi32, #tpu.memory_space<hbm>> -> memref<1x1x64x64xi32, #tpu.memory_space<hbm>>
          %dma_wait3A_232 = tpu.memref_squeeze %dma_wait3A_231 : memref<1x1x64x64xi32, #tpu.memory_space<hbm>> -> memref<64x64xi32, #tpu.memory_space<hbm>>
          tpu.wait_dma2 semaphore(%run_scoped3A : memref<!tpu.dma_semaphore, #tpu.memory_space<semaphore_mem>>) src(%dma_wait3A_232 : memref<64x64xi32, #tpu.memory_space<hbm>>) dst(%arg14 : memref<64x64xi32, #tpu.memory_space<vmem>>)
          tpu.yield
        }) : () -> ()
        "tpu.region"() ({
          %run_scoped3A = tpu.sem_alloc : memref<!tpu.dma_semaphore, #tpu.memory_space<semaphore_mem>>
          %dma_start3A_217 = arith.constant 0 : i32
          %dma_start3A_218 = arith.constant 0 : i32
          %dma_start3A_219 = tpu.memref_slice %arg7[%arg1, %scan3A_109, %dma_start3A_217, %dma_start3A_218] : memref<16x5x64x64xi32, #tpu.memory_space<hbm>> -> memref<1x1x64x64xi32, #tpu.memory_space<hbm>>
          %dma_start3A_220 = tpu.memref_squeeze %dma_start3A_219 : memref<1x1x64x64xi32, #tpu.memory_space<hbm>> -> memref<64x64xi32, #tpu.memory_space<hbm>>
          %dma_start3A_221 = arith.constant 0 : i32
          %dma_start3A_222 = arith.constant 0 : i32
          %dma_start3A_223 = tpu.memref_slice %arg7[%arg1, %scan3A_109, %dma_start3A_221, %dma_start3A_222] : memref<16x5x64x64xi32, #tpu.memory_space<hbm>> -> memref<1x1x64x64xi32, #tpu.memory_space<hbm>>
          %dma_start3A_224 = tpu.memref_squeeze %dma_start3A_223 : memref<1x1x64x64xi32, #tpu.memory_space<hbm>> -> memref<64x64xi32, #tpu.memory_space<hbm>>
          tpu.enqueue_dma source(%dma_start3A_224 : memref<64x64xi32, #tpu.memory_space<hbm>>) target(%arg15 : memref<64x64xi32, #tpu.memory_space<vmem>>) target_semaphore(%run_scoped3A : memref<!tpu.dma_semaphore, #tpu.memory_space<semaphore_mem>>)
          %dma_wait3A_225 = arith.constant 0 : i32
          %dma_wait3A_226 = arith.constant 0 : i32
          %dma_wait3A_227 = tpu.memref_slice %arg7[%arg1, %scan3A_109, %dma_wait3A_225, %dma_wait3A_226] : memref<16x5x64x64xi32, #tpu.memory_space<hbm>> -> memref<1x1x64x64xi32, #tpu.memory_space<hbm>>
          %dma_wait3A_228 = tpu.memref_squeeze %dma_wait3A_227 : memref<1x1x64x64xi32, #tpu.memory_space<hbm>> -> memref<64x64xi32, #tpu.memory_space<hbm>>
          %dma_wait3A_229 = arith.constant 0 : i32
          %dma_wait3A_230 = arith.constant 0 : i32
          %dma_wait3A_231 = tpu.memref_slice %arg7[%arg1, %scan3A_109, %dma_wait3A_229, %dma_wait3A_230] : memref<16x5x64x64xi32, #tpu.memory_space<hbm>> -> memref<1x1x64x64xi32, #tpu.memory_space<hbm>>
          %dma_wait3A_232 = tpu.memref_squeeze %dma_wait3A_231 : memref<1x1x64x64xi32, #tpu.memory_space<hbm>> -> memref<64x64xi32, #tpu.memory_space<hbm>>
          tpu.wait_dma2 semaphore(%run_scoped3A : memref<!tpu.dma_semaphore, #tpu.memory_space<semaphore_mem>>) src(%dma_wait3A_232 : memref<64x64xi32, #tpu.memory_space<hbm>>) dst(%arg15 : memref<64x64xi32, #tpu.memory_space<vmem>>)
          tpu.yield
        }) : () -> ()
        %dma_start3A = arith.constant 0 : i32
        %dma_start3A_110 = arith.constant 0 : i32
        %dma_start3A_111 = tpu.memref_slice %arg14[%dma_start3A, %dma_start3A_110] : memref<64x64xi32, #tpu.memory_space<vmem>> -> memref<1x64xi32, #tpu.memory_space<vmem>>
        %dma_start3A_112 = tpu.memref_squeeze %dma_start3A_111 : memref<1x64xi32, #tpu.memory_space<vmem>> -> memref<64xi32, #tpu.memory_space<vmem>>
        %dma_start3A_113 = arith.constant 0 : i32
        %dma_start3A_114 = arith.constant 0 : i32
        %dma_start3A_115 = tpu.memref_slice %arg2[%dma_start3A_113, %dma_start3A_114] : memref<10000x128xf32, #tpu.memory_space<hbm>> -> memref<10000x128xf32, #tpu.memory_space<hbm>>
        tpu.enqueue_indirect_dma source(%dma_start3A_115 : memref<10000x128xf32, #tpu.memory_space<hbm>>) target(%arg16 : memref<64x128xf32, #tpu.memory_space<vmem>>) offsets(%dma_start3A_112 : memref<64xi32, #tpu.memory_space<vmem>>) semaphore(%arg20 : memref<!tpu.dma_semaphore, #tpu.memory_space<semaphore_mem>>)
        %dma_start3A_116 = arith.constant 1 : i32
        %dma_start3A_117 = arith.constant 0 : i32
        %dma_start3A_118 = tpu.memref_slice %arg14[%dma_start3A_116, %dma_start3A_117] : memref<64x64xi32, #tpu.memory_space<vmem>> -> memref<1x64xi32, #tpu.memory_space<vmem>>
        %dma_start3A_119 = tpu.memref_squeeze %dma_start3A_118 : memref<1x64xi32, #tpu.memory_space<vmem>> -> memref<64xi32, #tpu.memory_space<vmem>>
        %dma_start3A_120 = arith.constant 0 : i32
        %dma_start3A_121 = arith.constant 0 : i32
        %dma_start3A_122 = tpu.memref_slice %arg2[%dma_start3A_120, %dma_start3A_121] : memref<10000x128xf32, #tpu.memory_space<hbm>> -> memref<10000x128xf32, #tpu.memory_space<hbm>>
        tpu.enqueue_indirect_dma source(%dma_start3A_122 : memref<10000x128xf32, #tpu.memory_space<hbm>>) target(%arg17 : memref<64x128xf32, #tpu.memory_space<vmem>>) offsets(%dma_start3A_119 : memref<64xi32, #tpu.memory_space<vmem>>) semaphore(%arg21 : memref<!tpu.dma_semaphore, #tpu.memory_space<semaphore_mem>>)
        %dma_wait3A = arith.constant 0 : i32
        %dma_wait3A_123 = arith.constant 0 : i32
        %dma_wait3A_124 = tpu.memref_slice %arg2[%dma_wait3A, %dma_wait3A_123] : memref<10000x128xf32, #tpu.memory_space<hbm>> -> memref<64x128xf32, #tpu.memory_space<hbm>>
        %dma_wait3A_125 = arith.constant 0 : i32
        %dma_wait3A_126 = arith.constant 0 : i32
        %dma_wait3A_127 = tpu.memref_slice %arg2[%dma_wait3A_125, %dma_wait3A_126] : memref<10000x128xf32, #tpu.memory_space<hbm>> -> memref<64x128xf32, #tpu.memory_space<hbm>>
        tpu.wait_dma2 semaphore(%arg20 : memref<!tpu.dma_semaphore, #tpu.memory_space<semaphore_mem>>) src(%dma_wait3A_127 : memref<64x128xf32, #tpu.memory_space<hbm>>) dst(%arg16 : memref<64x128xf32, #tpu.memory_space<vmem>>)
        %dma_start3A_128 = arith.constant 0 : i32
        %dma_start3A_129 = arith.constant 0 : i32
        %dma_start3A_130 = tpu.memref_slice %arg15[%dma_start3A_128, %dma_start3A_129] : memref<64x64xi32, #tpu.memory_space<vmem>> -> memref<1x64xi32, #tpu.memory_space<vmem>>
        %dma_start3A_131 = tpu.memref_squeeze %dma_start3A_130 : memref<1x64xi32, #tpu.memory_space<vmem>> -> memref<64xi32, #tpu.memory_space<vmem>>
        %dma_start3A_132 = arith.constant 0 : i32
        %dma_start3A_133 = arith.constant 0 : i32
        %dma_start3A_134 = tpu.memref_slice %arg13[%dma_start3A_132, %dma_start3A_133] : memref<10240x128xf32, #tpu.memory_space<vmem_shared>> -> memref<10240x128xf32, #tpu.memory_space<vmem_shared>>
        tpu.enqueue_indirect_dma source(%arg16 : memref<64x128xf32, #tpu.memory_space<vmem>>) target(%dma_start3A_134 : memref<10240x128xf32, #tpu.memory_space<vmem_shared>>) offsets(%dma_start3A_131 : memref<64xi32, #tpu.memory_space<vmem>>) semaphore(%arg24 : memref<!tpu.dma_semaphore, #tpu.memory_space<semaphore_mem>>) {add = true}
        %dma_start3A_135 = arith.constant 2 : i32
        %dma_start3A_136 = arith.constant 0 : i32
        %dma_start3A_137 = tpu.memref_slice %arg14[%dma_start3A_135, %dma_start3A_136] : memref<64x64xi32, #tpu.memory_space<vmem>> -> memref<1x64xi32, #tpu.memory_space<vmem>>
        %dma_start3A_138 = tpu.memref_squeeze %dma_start3A_137 : memref<1x64xi32, #tpu.memory_space<vmem>> -> memref<64xi32, #tpu.memory_space<vmem>>
        %dma_start3A_139 = arith.constant 0 : i32
        %dma_start3A_140 = arith.constant 0 : i32
        %dma_start3A_141 = tpu.memref_slice %arg2[%dma_start3A_139, %dma_start3A_140] : memref<10000x128xf32, #tpu.memory_space<hbm>> -> memref<10000x128xf32, #tpu.memory_space<hbm>>
        tpu.enqueue_indirect_dma source(%dma_start3A_141 : memref<10000x128xf32, #tpu.memory_space<hbm>>) target(%arg18 : memref<64x128xf32, #tpu.memory_space<vmem>>) offsets(%dma_start3A_138 : memref<64xi32, #tpu.memory_space<vmem>>) semaphore(%arg22 : memref<!tpu.dma_semaphore, #tpu.memory_space<semaphore_mem>>)
        %dma_wait3A_142 = arith.constant 0 : i32
        %dma_wait3A_143 = arith.constant 0 : i32
        %dma_wait3A_144 = tpu.memref_slice %arg2[%dma_wait3A_142, %dma_wait3A_143] : memref<10000x128xf32, #tpu.memory_space<hbm>> -> memref<64x128xf32, #tpu.memory_space<hbm>>
        %dma_wait3A_145 = arith.constant 0 : i32
        %dma_wait3A_146 = arith.constant 0 : i32
        %dma_wait3A_147 = tpu.memref_slice %arg2[%dma_wait3A_145, %dma_wait3A_146] : memref<10000x128xf32, #tpu.memory_space<hbm>> -> memref<64x128xf32, #tpu.memory_space<hbm>>
        tpu.wait_dma2 semaphore(%arg21 : memref<!tpu.dma_semaphore, #tpu.memory_space<semaphore_mem>>) src(%dma_wait3A_147 : memref<64x128xf32, #tpu.memory_space<hbm>>) dst(%arg17 : memref<64x128xf32, #tpu.memory_space<vmem>>)
        %dma_start3A_148 = arith.constant 1 : i32
        %dma_start3A_149 = arith.constant 0 : i32
        %dma_start3A_150 = tpu.memref_slice %arg15[%dma_start3A_148, %dma_start3A_149] : memref<64x64xi32, #tpu.memory_space<vmem>> -> memref<1x64xi32, #tpu.memory_space<vmem>>
        %dma_start3A_151 = tpu.memref_squeeze %dma_start3A_150 : memref<1x64xi32, #tpu.memory_space<vmem>> -> memref<64xi32, #tpu.memory_space<vmem>>
        %dma_start3A_152 = arith.constant 0 : i32
        %dma_start3A_153 = arith.constant 0 : i32
        %dma_start3A_154 = tpu.memref_slice %arg13[%dma_start3A_152, %dma_start3A_153] : memref<10240x128xf32, #tpu.memory_space<vmem_shared>> -> memref<10240x128xf32, #tpu.memory_space<vmem_shared>>
        tpu.enqueue_indirect_dma source(%arg17 : memref<64x128xf32, #tpu.memory_space<vmem>>) target(%dma_start3A_154 : memref<10240x128xf32, #tpu.memory_space<vmem_shared>>) offsets(%dma_start3A_151 : memref<64xi32, #tpu.memory_space<vmem>>) semaphore(%arg25 : memref<!tpu.dma_semaphore, #tpu.memory_space<semaphore_mem>>) {add = true}
        %dma_start3A_155 = arith.constant 3 : i32
        %dma_start3A_156 = arith.constant 0 : i32
        %dma_start3A_157 = tpu.memref_slice %arg14[%dma_start3A_155, %dma_start3A_156] : memref<64x64xi32, #tpu.memory_space<vmem>> -> memref<1x64xi32, #tpu.memory_space<vmem>>
        %dma_start3A_158 = tpu.memref_squeeze %dma_start3A_157 : memref<1x64xi32, #tpu.memory_space<vmem>> -> memref<64xi32, #tpu.memory_space<vmem>>
        %dma_start3A_159 = arith.constant 0 : i32
        %dma_start3A_160 = arith.constant 0 : i32
        %dma_start3A_161 = tpu.memref_slice %arg2[%dma_start3A_159, %dma_start3A_160] : memref<10000x128xf32, #tpu.memory_space<hbm>> -> memref<10000x128xf32, #tpu.memory_space<hbm>>
        tpu.enqueue_indirect_dma source(%dma_start3A_161 : memref<10000x128xf32, #tpu.memory_space<hbm>>) target(%arg19 : memref<64x128xf32, #tpu.memory_space<vmem>>) offsets(%dma_start3A_158 : memref<64xi32, #tpu.memory_space<vmem>>) semaphore(%arg23 : memref<!tpu.dma_semaphore, #tpu.memory_space<semaphore_mem>>)
        %scan3A_162 = arith.constant 0 : i32
        %scan3A_163 = arith.constant 15 : i32
        %scan3A_164 = arith.addi %scan3A_162, %scan3A_163 : i32
        %scan3A_165 = arith.constant 1 : i32
        scf.for %scan3A_217 = %scan3A_162 to %scan3A_164 step %scan3A_165  : i32 {
          %mul3A_218 = arith.constant 4 : i32
          %mul3A_219 = arith.muli %mul3A_218, %scan3A_217 : i32
          %add3A_220 = arith.constant 2 : i32
          %add3A_221 = arith.addi %add3A_220, %mul3A_219 : i32
          %add3A_222 = arith.constant 0 : i32
          %add3A_223 = arith.addi %add3A_221, %add3A_222 : i32
          %dma_wait3A_224 = arith.constant 0 : i32
          %dma_wait3A_225 = arith.constant 0 : i32
          %dma_wait3A_226 = tpu.memref_slice %arg2[%dma_wait3A_224, %dma_wait3A_225] : memref<10000x128xf32, #tpu.memory_space<hbm>> -> memref<64x128xf32, #tpu.memory_space<hbm>>
          %dma_wait3A_227 = arith.constant 0 : i32
          %dma_wait3A_228 = arith.constant 0 : i32
          %dma_wait3A_229 = tpu.memref_slice %arg2[%dma_wait3A_227, %dma_wait3A_228] : memref<10000x128xf32, #tpu.memory_space<hbm>> -> memref<64x128xf32, #tpu.memory_space<hbm>>
          tpu.wait_dma2 semaphore(%arg22 : memref<!tpu.dma_semaphore, #tpu.memory_space<semaphore_mem>>) src(%dma_wait3A_229 : memref<64x128xf32, #tpu.memory_space<hbm>>) dst(%arg18 : memref<64x128xf32, #tpu.memory_space<vmem>>)
          %dma_start3A_230 = arith.constant 0 : i32
          %dma_start3A_231 = tpu.memref_slice %arg15[%add3A_223, %dma_start3A_230] : memref<64x64xi32, #tpu.memory_space<vmem>> -> memref<1x64xi32, #tpu.memory_space<vmem>>
          %dma_start3A_232 = tpu.memref_squeeze %dma_start3A_231 : memref<1x64xi32, #tpu.memory_space<vmem>> -> memref<64xi32, #tpu.memory_space<vmem>>
          %dma_start3A_233 = arith.constant 0 : i32
          %dma_start3A_234 = arith.constant 0 : i32
          %dma_start3A_235 = tpu.memref_slice %arg13[%dma_start3A_233, %dma_start3A_234] : memref<10240x128xf32, #tpu.memory_space<vmem_shared>> -> memref<10240x128xf32, #tpu.memory_space<vmem_shared>>
          tpu.enqueue_indirect_dma source(%arg18 : memref<64x128xf32, #tpu.memory_space<vmem>>) target(%dma_start3A_235 : memref<10240x128xf32, #tpu.memory_space<vmem_shared>>) offsets(%dma_start3A_232 : memref<64xi32, #tpu.memory_space<vmem>>) semaphore(%arg26 : memref<!tpu.dma_semaphore, #tpu.memory_space<semaphore_mem>>) {add = true}
          %dma_wait3A_236 = arith.constant 0 : i32
          %dma_wait3A_237 = arith.constant 0 : i32
          %dma_wait3A_238 = tpu.memref_slice %arg13[%dma_wait3A_236, %dma_wait3A_237] : memref<10240x128xf32, #tpu.memory_space<vmem_shared>> -> memref<64x128xf32, #tpu.memory_space<vmem_shared>>
          %dma_wait3A_239 = arith.constant 0 : i32
          %dma_wait3A_240 = arith.constant 0 : i32
          %dma_wait3A_241 = tpu.memref_slice %arg13[%dma_wait3A_239, %dma_wait3A_240] : memref<10240x128xf32, #tpu.memory_space<vmem_shared>> -> memref<64x128xf32, #tpu.memory_space<vmem_shared>>
          tpu.wait_dma2 semaphore(%arg24 : memref<!tpu.dma_semaphore, #tpu.memory_space<semaphore_mem>>) src(%arg16 : memref<64x128xf32, #tpu.memory_space<vmem>>) dst(%dma_wait3A_241 : memref<64x128xf32, #tpu.memory_space<vmem_shared>>)
          %add3A_242 = arith.constant 2 : i32
          %add3A_243 = arith.addi %add3A_223, %add3A_242 : i32
          %dma_start3A_244 = arith.constant 0 : i32
          %dma_start3A_245 = tpu.memref_slice %arg14[%add3A_243, %dma_start3A_244] : memref<64x64xi32, #tpu.memory_space<vmem>> -> memref<1x64xi32, #tpu.memory_space<vmem>>
          %dma_start3A_246 = tpu.memref_squeeze %dma_start3A_245 : memref<1x64xi32, #tpu.memory_space<vmem>> -> memref<64xi32, #tpu.memory_space<vmem>>
          %dma_start3A_247 = arith.constant 0 : i32
          %dma_start3A_248 = arith.constant 0 : i32
          %dma_start3A_249 = tpu.memref_slice %arg2[%dma_start3A_247, %dma_start3A_248] : memref<10000x128xf32, #tpu.memory_space<hbm>> -> memref<10000x128xf32, #tpu.memory_space<hbm>>
          tpu.enqueue_indirect_dma source(%dma_start3A_249 : memref<10000x128xf32, #tpu.memory_space<hbm>>) target(%arg16 : memref<64x128xf32, #tpu.memory_space<vmem>>) offsets(%dma_start3A_246 : memref<64xi32, #tpu.memory_space<vmem>>) semaphore(%arg20 : memref<!tpu.dma_semaphore, #tpu.memory_space<semaphore_mem>>)
          %add3A_250 = arith.constant 1 : i32
          %add3A_251 = arith.addi %add3A_221, %add3A_250 : i32
          %dma_wait3A_252 = arith.constant 0 : i32
          %dma_wait3A_253 = arith.constant 0 : i32
          %dma_wait3A_254 = tpu.memref_slice %arg2[%dma_wait3A_252, %dma_wait3A_253] : memref<10000x128xf32, #tpu.memory_space<hbm>> -> memref<64x128xf32, #tpu.memory_space<hbm>>
          %dma_wait3A_255 = arith.constant 0 : i32
          %dma_wait3A_256 = arith.constant 0 : i32
          %dma_wait3A_257 = tpu.memref_slice %arg2[%dma_wait3A_255, %dma_wait3A_256] : memref<10000x128xf32, #tpu.memory_space<hbm>> -> memref<64x128xf32, #tpu.memory_space<hbm>>
          tpu.wait_dma2 semaphore(%arg23 : memref<!tpu.dma_semaphore, #tpu.memory_space<semaphore_mem>>) src(%dma_wait3A_257 : memref<64x128xf32, #tpu.memory_space<hbm>>) dst(%arg19 : memref<64x128xf32, #tpu.memory_space<vmem>>)
          %dma_start3A_258 = arith.constant 0 : i32
          %dma_start3A_259 = tpu.memref_slice %arg15[%add3A_251, %dma_start3A_258] : memref<64x64xi32, #tpu.memory_space<vmem>> -> memref<1x64xi32, #tpu.memory_space<vmem>>
          %dma_start3A_260 = tpu.memref_squeeze %dma_start3A_259 : memref<1x64xi32, #tpu.memory_space<vmem>> -> memref<64xi32, #tpu.memory_space<vmem>>
          %dma_start3A_261 = arith.constant 0 : i32
          %dma_start3A_262 = arith.constant 0 : i32
          %dma_start3A_263 = tpu.memref_slice %arg13[%dma_start3A_261, %dma_start3A_262] : memref<10240x128xf32, #tpu.memory_space<vmem_shared>> -> memref<10240x128xf32, #tpu.memory_space<vmem_shared>>
          tpu.enqueue_indirect_dma source(%arg19 : memref<64x128xf32, #tpu.memory_space<vmem>>) target(%dma_start3A_263 : memref<10240x128xf32, #tpu.memory_space<vmem_shared>>) offsets(%dma_start3A_260 : memref<64xi32, #tpu.memory_space<vmem>>) semaphore(%arg27 : memref<!tpu.dma_semaphore, #tpu.memory_space<semaphore_mem>>) {add = true}
          %dma_wait3A_264 = arith.constant 0 : i32
          %dma_wait3A_265 = arith.constant 0 : i32
          %dma_wait3A_266 = tpu.memref_slice %arg13[%dma_wait3A_264, %dma_wait3A_265] : memref<10240x128xf32, #tpu.memory_space<vmem_shared>> -> memref<64x128xf32, #tpu.memory_space<vmem_shared>>
          %dma_wait3A_267 = arith.constant 0 : i32
          %dma_wait3A_268 = arith.constant 0 : i32
          %dma_wait3A_269 = tpu.memref_slice %arg13[%dma_wait3A_267, %dma_wait3A_268] : memref<10240x128xf32, #tpu.memory_space<vmem_shared>> -> memref<64x128xf32, #tpu.memory_space<vmem_shared>>
          tpu.wait_dma2 semaphore(%arg25 : memref<!tpu.dma_semaphore, #tpu.memory_space<semaphore_mem>>) src(%arg17 : memref<64x128xf32, #tpu.memory_space<vmem>>) dst(%dma_wait3A_269 : memref<64x128xf32, #tpu.memory_space<vmem_shared>>)
          %add3A_270 = arith.constant 2 : i32
          %add3A_271 = arith.addi %add3A_251, %add3A_270 : i32
          %dma_start3A_272 = arith.constant 0 : i32
          %dma_start3A_273 = tpu.memref_slice %arg14[%add3A_271, %dma_start3A_272] : memref<64x64xi32, #tpu.memory_space<vmem>> -> memref<1x64xi32, #tpu.memory_space<vmem>>
          %dma_start3A_274 = tpu.memref_squeeze %dma_start3A_273 : memref<1x64xi32, #tpu.memory_space<vmem>> -> memref<64xi32, #tpu.memory_space<vmem>>
          %dma_start3A_275 = arith.constant 0 : i32
          %dma_start3A_276 = arith.constant 0 : i32
          %dma_start3A_277 = tpu.memref_slice %arg2[%dma_start3A_275, %dma_start3A_276] : memref<10000x128xf32, #tpu.memory_space<hbm>> -> memref<10000x128xf32, #tpu.memory_space<hbm>>
          tpu.enqueue_indirect_dma source(%dma_start3A_277 : memref<10000x128xf32, #tpu.memory_space<hbm>>) target(%arg17 : memref<64x128xf32, #tpu.memory_space<vmem>>) offsets(%dma_start3A_274 : memref<64xi32, #tpu.memory_space<vmem>>) semaphore(%arg21 : memref<!tpu.dma_semaphore, #tpu.memory_space<semaphore_mem>>)
          %add3A_278 = arith.constant 2 : i32
          %add3A_279 = arith.addi %add3A_221, %add3A_278 : i32
          %dma_wait3A_280 = arith.constant 0 : i32
          %dma_wait3A_281 = arith.constant 0 : i32
          %dma_wait3A_282 = tpu.memref_slice %arg2[%dma_wait3A_280, %dma_wait3A_281] : memref<10000x128xf32, #tpu.memory_space<hbm>> -> memref<64x128xf32, #tpu.memory_space<hbm>>
          %dma_wait3A_283 = arith.constant 0 : i32
          %dma_wait3A_284 = arith.constant 0 : i32
          %dma_wait3A_285 = tpu.memref_slice %arg2[%dma_wait3A_283, %dma_wait3A_284] : memref<10000x128xf32, #tpu.memory_space<hbm>> -> memref<64x128xf32, #tpu.memory_space<hbm>>
          tpu.wait_dma2 semaphore(%arg20 : memref<!tpu.dma_semaphore, #tpu.memory_space<semaphore_mem>>) src(%dma_wait3A_285 : memref<64x128xf32, #tpu.memory_space<hbm>>) dst(%arg16 : memref<64x128xf32, #tpu.memory_space<vmem>>)
          %dma_start3A_286 = arith.constant 0 : i32
          %dma_start3A_287 = tpu.memref_slice %arg15[%add3A_279, %dma_start3A_286] : memref<64x64xi32, #tpu.memory_space<vmem>> -> memref<1x64xi32, #tpu.memory_space<vmem>>
          %dma_start3A_288 = tpu.memref_squeeze %dma_start3A_287 : memref<1x64xi32, #tpu.memory_space<vmem>> -> memref<64xi32, #tpu.memory_space<vmem>>
          %dma_start3A_289 = arith.constant 0 : i32
          %dma_start3A_290 = arith.constant 0 : i32
          %dma_start3A_291 = tpu.memref_slice %arg13[%dma_start3A_289, %dma_start3A_290] : memref<10240x128xf32, #tpu.memory_space<vmem_shared>> -> memref<10240x128xf32, #tpu.memory_space<vmem_shared>>
          tpu.enqueue_indirect_dma source(%arg16 : memref<64x128xf32, #tpu.memory_space<vmem>>) target(%dma_start3A_291 : memref<10240x128xf32, #tpu.memory_space<vmem_shared>>) offsets(%dma_start3A_288 : memref<64xi32, #tpu.memory_space<vmem>>) semaphore(%arg24 : memref<!tpu.dma_semaphore, #tpu.memory_space<semaphore_mem>>) {add = true}
          %dma_wait3A_292 = arith.constant 0 : i32
          %dma_wait3A_293 = arith.constant 0 : i32
          %dma_wait3A_294 = tpu.memref_slice %arg13[%dma_wait3A_292, %dma_wait3A_293] : memref<10240x128xf32, #tpu.memory_space<vmem_shared>> -> memref<64x128xf32, #tpu.memory_space<vmem_shared>>
          %dma_wait3A_295 = arith.constant 0 : i32
          %dma_wait3A_296 = arith.constant 0 : i32
          %dma_wait3A_297 = tpu.memref_slice %arg13[%dma_wait3A_295, %dma_wait3A_296] : memref<10240x128xf32, #tpu.memory_space<vmem_shared>> -> memref<64x128xf32, #tpu.memory_space<vmem_shared>>
          tpu.wait_dma2 semaphore(%arg26 : memref<!tpu.dma_semaphore, #tpu.memory_space<semaphore_mem>>) src(%arg18 : memref<64x128xf32, #tpu.memory_space<vmem>>) dst(%dma_wait3A_297 : memref<64x128xf32, #tpu.memory_space<vmem_shared>>)
          %add3A_298 = arith.constant 2 : i32
          %add3A_299 = arith.addi %add3A_279, %add3A_298 : i32
          %dma_start3A_300 = arith.constant 0 : i32
          %dma_start3A_301 = tpu.memref_slice %arg14[%add3A_299, %dma_start3A_300] : memref<64x64xi32, #tpu.memory_space<vmem>> -> memref<1x64xi32, #tpu.memory_space<vmem>>
          %dma_start3A_302 = tpu.memref_squeeze %dma_start3A_301 : memref<1x64xi32, #tpu.memory_space<vmem>> -> memref<64xi32, #tpu.memory_space<vmem>>
          %dma_start3A_303 = arith.constant 0 : i32
          %dma_start3A_304 = arith.constant 0 : i32
          %dma_start3A_305 = tpu.memref_slice %arg2[%dma_start3A_303, %dma_start3A_304] : memref<10000x128xf32, #tpu.memory_space<hbm>> -> memref<10000x128xf32, #tpu.memory_space<hbm>>
          tpu.enqueue_indirect_dma source(%dma_start3A_305 : memref<10000x128xf32, #tpu.memory_space<hbm>>) target(%arg18 : memref<64x128xf32, #tpu.memory_space<vmem>>) offsets(%dma_start3A_302 : memref<64xi32, #tpu.memory_space<vmem>>) semaphore(%arg22 : memref<!tpu.dma_semaphore, #tpu.memory_space<semaphore_mem>>)
          %add3A_306 = arith.constant 3 : i32
          %add3A_307 = arith.addi %add3A_221, %add3A_306 : i32
          %dma_wait3A_308 = arith.constant 0 : i32
          %dma_wait3A_309 = arith.constant 0 : i32
          %dma_wait3A_310 = tpu.memref_slice %arg2[%dma_wait3A_308, %dma_wait3A_309] : memref<10000x128xf32, #tpu.memory_space<hbm>> -> memref<64x128xf32, #tpu.memory_space<hbm>>
          %dma_wait3A_311 = arith.constant 0 : i32
          %dma_wait3A_312 = arith.constant 0 : i32
          %dma_wait3A_313 = tpu.memref_slice %arg2[%dma_wait3A_311, %dma_wait3A_312] : memref<10000x128xf32, #tpu.memory_space<hbm>> -> memref<64x128xf32, #tpu.memory_space<hbm>>
          tpu.wait_dma2 semaphore(%arg21 : memref<!tpu.dma_semaphore, #tpu.memory_space<semaphore_mem>>) src(%dma_wait3A_313 : memref<64x128xf32, #tpu.memory_space<hbm>>) dst(%arg17 : memref<64x128xf32, #tpu.memory_space<vmem>>)
          %dma_start3A_314 = arith.constant 0 : i32
          %dma_start3A_315 = tpu.memref_slice %arg15[%add3A_307, %dma_start3A_314] : memref<64x64xi32, #tpu.memory_space<vmem>> -> memref<1x64xi32, #tpu.memory_space<vmem>>
          %dma_start3A_316 = tpu.memref_squeeze %dma_start3A_315 : memref<1x64xi32, #tpu.memory_space<vmem>> -> memref<64xi32, #tpu.memory_space<vmem>>
          %dma_start3A_317 = arith.constant 0 : i32
          %dma_start3A_318 = arith.constant 0 : i32
          %dma_start3A_319 = tpu.memref_slice %arg13[%dma_start3A_317, %dma_start3A_318] : memref<10240x128xf32, #tpu.memory_space<vmem_shared>> -> memref<10240x128xf32, #tpu.memory_space<vmem_shared>>
          tpu.enqueue_indirect_dma source(%arg17 : memref<64x128xf32, #tpu.memory_space<vmem>>) target(%dma_start3A_319 : memref<10240x128xf32, #tpu.memory_space<vmem_shared>>) offsets(%dma_start3A_316 : memref<64xi32, #tpu.memory_space<vmem>>) semaphore(%arg25 : memref<!tpu.dma_semaphore, #tpu.memory_space<semaphore_mem>>) {add = true}
          %dma_wait3A_320 = arith.constant 0 : i32
          %dma_wait3A_321 = arith.constant 0 : i32
          %dma_wait3A_322 = tpu.memref_slice %arg13[%dma_wait3A_320, %dma_wait3A_321] : memref<10240x128xf32, #tpu.memory_space<vmem_shared>> -> memref<64x128xf32, #tpu.memory_space<vmem_shared>>
          %dma_wait3A_323 = arith.constant 0 : i32
          %dma_wait3A_324 = arith.constant 0 : i32
          %dma_wait3A_325 = tpu.memref_slice %arg13[%dma_wait3A_323, %dma_wait3A_324] : memref<10240x128xf32, #tpu.memory_space<vmem_shared>> -> memref<64x128xf32, #tpu.memory_space<vmem_shared>>
          tpu.wait_dma2 semaphore(%arg27 : memref<!tpu.dma_semaphore, #tpu.memory_space<semaphore_mem>>) src(%arg19 : memref<64x128xf32, #tpu.memory_space<vmem>>) dst(%dma_wait3A_325 : memref<64x128xf32, #tpu.memory_space<vmem_shared>>)
          %add3A_326 = arith.constant 2 : i32
          %add3A_327 = arith.addi %add3A_307, %add3A_326 : i32
          %dma_start3A_328 = arith.constant 0 : i32
          %dma_start3A_329 = tpu.memref_slice %arg14[%add3A_327, %dma_start3A_328] : memref<64x64xi32, #tpu.memory_space<vmem>> -> memref<1x64xi32, #tpu.memory_space<vmem>>
          %dma_start3A_330 = tpu.memref_squeeze %dma_start3A_329 : memref<1x64xi32, #tpu.memory_space<vmem>> -> memref<64xi32, #tpu.memory_space<vmem>>
          %dma_start3A_331 = arith.constant 0 : i32
          %dma_start3A_332 = arith.constant 0 : i32
          %dma_start3A_333 = tpu.memref_slice %arg2[%dma_start3A_331, %dma_start3A_332] : memref<10000x128xf32, #tpu.memory_space<hbm>> -> memref<10000x128xf32, #tpu.memory_space<hbm>>
          tpu.enqueue_indirect_dma source(%dma_start3A_333 : memref<10000x128xf32, #tpu.memory_space<hbm>>) target(%arg19 : memref<64x128xf32, #tpu.memory_space<vmem>>) offsets(%dma_start3A_330 : memref<64xi32, #tpu.memory_space<vmem>>) semaphore(%arg23 : memref<!tpu.dma_semaphore, #tpu.memory_space<semaphore_mem>>)
        }
        %scan3A_166 = arith.constant 15 : i32
        %dma_wait3A_167 = arith.constant 0 : i32
        %dma_wait3A_168 = arith.constant 0 : i32
        %dma_wait3A_169 = tpu.memref_slice %arg2[%dma_wait3A_167, %dma_wait3A_168] : memref<10000x128xf32, #tpu.memory_space<hbm>> -> memref<64x128xf32, #tpu.memory_space<hbm>>
        %dma_wait3A_170 = arith.constant 0 : i32
        %dma_wait3A_171 = arith.constant 0 : i32
        %dma_wait3A_172 = tpu.memref_slice %arg2[%dma_wait3A_170, %dma_wait3A_171] : memref<10000x128xf32, #tpu.memory_space<hbm>> -> memref<64x128xf32, #tpu.memory_space<hbm>>
        tpu.wait_dma2 semaphore(%arg22 : memref<!tpu.dma_semaphore, #tpu.memory_space<semaphore_mem>>) src(%dma_wait3A_172 : memref<64x128xf32, #tpu.memory_space<hbm>>) dst(%arg18 : memref<64x128xf32, #tpu.memory_space<vmem>>)
        %dma_start3A_173 = arith.constant 62 : i32
        %dma_start3A_174 = arith.constant 0 : i32
        %dma_start3A_175 = tpu.memref_slice %arg15[%dma_start3A_173, %dma_start3A_174] : memref<64x64xi32, #tpu.memory_space<vmem>> -> memref<1x64xi32, #tpu.memory_space<vmem>>
        %dma_start3A_176 = tpu.memref_squeeze %dma_start3A_175 : memref<1x64xi32, #tpu.memory_space<vmem>> -> memref<64xi32, #tpu.memory_space<vmem>>
        %dma_start3A_177 = arith.constant 0 : i32
        %dma_start3A_178 = arith.constant 0 : i32
        %dma_start3A_179 = tpu.memref_slice %arg13[%dma_start3A_177, %dma_start3A_178] : memref<10240x128xf32, #tpu.memory_space<vmem_shared>> -> memref<10240x128xf32, #tpu.memory_space<vmem_shared>>
        tpu.enqueue_indirect_dma source(%arg18 : memref<64x128xf32, #tpu.memory_space<vmem>>) target(%dma_start3A_179 : memref<10240x128xf32, #tpu.memory_space<vmem_shared>>) offsets(%dma_start3A_176 : memref<64xi32, #tpu.memory_space<vmem>>) semaphore(%arg26 : memref<!tpu.dma_semaphore, #tpu.memory_space<semaphore_mem>>) {add = true}
        %dma_wait3A_180 = arith.constant 0 : i32
        %dma_wait3A_181 = arith.constant 0 : i32
        %dma_wait3A_182 = tpu.memref_slice %arg13[%dma_wait3A_180, %dma_wait3A_181] : memref<10240x128xf32, #tpu.memory_space<vmem_shared>> -> memref<64x128xf32, #tpu.memory_space<vmem_shared>>
        %dma_wait3A_183 = arith.constant 0 : i32
        %dma_wait3A_184 = arith.constant 0 : i32
        %dma_wait3A_185 = tpu.memref_slice %arg13[%dma_wait3A_183, %dma_wait3A_184] : memref<10240x128xf32, #tpu.memory_space<vmem_shared>> -> memref<64x128xf32, #tpu.memory_space<vmem_shared>>
        tpu.wait_dma2 semaphore(%arg24 : memref<!tpu.dma_semaphore, #tpu.memory_space<semaphore_mem>>) src(%arg16 : memref<64x128xf32, #tpu.memory_space<vmem>>) dst(%dma_wait3A_185 : memref<64x128xf32, #tpu.memory_space<vmem_shared>>)
        %dma_wait3A_186 = arith.constant 0 : i32
        %dma_wait3A_187 = arith.constant 0 : i32
        %dma_wait3A_188 = tpu.memref_slice %arg2[%dma_wait3A_186, %dma_wait3A_187] : memref<10000x128xf32, #tpu.memory_space<hbm>> -> memref<64x128xf32, #tpu.memory_space<hbm>>
        %dma_wait3A_189 = arith.constant 0 : i32
        %dma_wait3A_190 = arith.constant 0 : i32
        %dma_wait3A_191 = tpu.memref_slice %arg2[%dma_wait3A_189, %dma_wait3A_190] : memref<10000x128xf32, #tpu.memory_space<hbm>> -> memref<64x128xf32, #tpu.memory_space<hbm>>
        tpu.wait_dma2 semaphore(%arg23 : memref<!tpu.dma_semaphore, #tpu.memory_space<semaphore_mem>>) src(%dma_wait3A_191 : memref<64x128xf32, #tpu.memory_space<hbm>>) dst(%arg19 : memref<64x128xf32, #tpu.memory_space<vmem>>)
        %dma_start3A_192 = arith.constant 63 : i32
        %dma_start3A_193 = arith.constant 0 : i32
        %dma_start3A_194 = tpu.memref_slice %arg15[%dma_start3A_192, %dma_start3A_193] : memref<64x64xi32, #tpu.memory_space<vmem>> -> memref<1x64xi32, #tpu.memory_space<vmem>>
        %dma_start3A_195 = tpu.memref_squeeze %dma_start3A_194 : memref<1x64xi32, #tpu.memory_space<vmem>> -> memref<64xi32, #tpu.memory_space<vmem>>
        %dma_start3A_196 = arith.constant 0 : i32
        %dma_start3A_197 = arith.constant 0 : i32
        %dma_start3A_198 = tpu.memref_slice %arg13[%dma_start3A_196, %dma_start3A_197] : memref<10240x128xf32, #tpu.memory_space<vmem_shared>> -> memref<10240x128xf32, #tpu.memory_space<vmem_shared>>
        tpu.enqueue_indirect_dma source(%arg19 : memref<64x128xf32, #tpu.memory_space<vmem>>) target(%dma_start3A_198 : memref<10240x128xf32, #tpu.memory_space<vmem_shared>>) offsets(%dma_start3A_195 : memref<64xi32, #tpu.memory_space<vmem>>) semaphore(%arg27 : memref<!tpu.dma_semaphore, #tpu.memory_space<semaphore_mem>>) {add = true}
        %dma_wait3A_199 = arith.constant 0 : i32
        %dma_wait3A_200 = arith.constant 0 : i32
        %dma_wait3A_201 = tpu.memref_slice %arg13[%dma_wait3A_199, %dma_wait3A_200] : memref<10240x128xf32, #tpu.memory_space<vmem_shared>> -> memref<64x128xf32, #tpu.memory_space<vmem_shared>>
        %dma_wait3A_202 = arith.constant 0 : i32
        %dma_wait3A_203 = arith.constant 0 : i32
        %dma_wait3A_204 = tpu.memref_slice %arg13[%dma_wait3A_202, %dma_wait3A_203] : memref<10240x128xf32, #tpu.memory_space<vmem_shared>> -> memref<64x128xf32, #tpu.memory_space<vmem_shared>>
        tpu.wait_dma2 semaphore(%arg25 : memref<!tpu.dma_semaphore, #tpu.memory_space<semaphore_mem>>) src(%arg17 : memref<64x128xf32, #tpu.memory_space<vmem>>) dst(%dma_wait3A_204 : memref<64x128xf32, #tpu.memory_space<vmem_shared>>)
        %dma_wait3A_205 = arith.constant 0 : i32
        %dma_wait3A_206 = arith.constant 0 : i32
        %dma_wait3A_207 = tpu.memref_slice %arg13[%dma_wait3A_205, %dma_wait3A_206] : memref<10240x128xf32, #tpu.memory_space<vmem_shared>> -> memref<64x128xf32, #tpu.memory_space<vmem_shared>>
        %dma_wait3A_208 = arith.constant 0 : i32
        %dma_wait3A_209 = arith.constant 0 : i32
        %dma_wait3A_210 = tpu.memref_slice %arg13[%dma_wait3A_208, %dma_wait3A_209] : memref<10240x128xf32, #tpu.memory_space<vmem_shared>> -> memref<64x128xf32, #tpu.memory_space<vmem_shared>>
        tpu.wait_dma2 semaphore(%arg26 : memref<!tpu.dma_semaphore, #tpu.memory_space<semaphore_mem>>) src(%arg18 : memref<64x128xf32, #tpu.memory_space<vmem>>) dst(%dma_wait3A_210 : memref<64x128xf32, #tpu.memory_space<vmem_shared>>)
        %dma_wait3A_211 = arith.constant 0 : i32
        %dma_wait3A_212 = arith.constant 0 : i32
        %dma_wait3A_213 = tpu.memref_slice %arg13[%dma_wait3A_211, %dma_wait3A_212] : memref<10240x128xf32, #tpu.memory_space<vmem_shared>> -> memref<64x128xf32, #tpu.memory_space<vmem_shared>>
        %dma_wait3A_214 = arith.constant 0 : i32
        %dma_wait3A_215 = arith.constant 0 : i32
        %dma_wait3A_216 = tpu.memref_slice %arg13[%dma_wait3A_214, %dma_wait3A_215] : memref<10240x128xf32, #tpu.memory_space<vmem_shared>> -> memref<64x128xf32, #tpu.memory_space<vmem_shared>>
        tpu.wait_dma2 semaphore(%arg27 : memref<!tpu.dma_semaphore, #tpu.memory_space<semaphore_mem>>) src(%arg19 : memref<64x128xf32, #tpu.memory_space<vmem>>) dst(%dma_wait3A_216 : memref<64x128xf32, #tpu.memory_space<vmem_shared>>)
      }
      %scan3A_102 = arith.constant 5 : i32
      %barrier3A_103 = arith.constant 0 : index
      tpu.barrier barrier_id(%barrier3A_103)
      %mul3A_104 = arith.constant 640 : i32
      %mul3A_105 = arith.muli %arg1, %mul3A_104 : i32
      %mul3A_106 = arith.constant 640 : i32
      %mul3A_107 = arith.muli %arg1, %mul3A_106 : i32
      "tpu.region"() ({
        %run_scoped3A = tpu.sem_alloc : memref<!tpu.dma_semaphore, #tpu.memory_space<semaphore_mem>>
        %dma_start3A = arith.constant 0 : i32
        %dma_start3A_109 = tpu.memref_slice %arg10[%mul3A_107, %dma_start3A] : memref<10240x128xf32, #tpu.memory_space<hbm>> -> memref<640x128xf32, #tpu.memory_space<hbm>>
        %dma_start3A_110 = arith.constant 0 : i32
        %dma_start3A_111 = tpu.memref_slice %arg13[%mul3A_105, %dma_start3A_110] : memref<10240x128xf32, #tpu.memory_space<vmem_shared>> -> memref<640x128xf32, #tpu.memory_space<vmem_shared>>
        tpu.enqueue_dma source(%dma_start3A_111 : memref<640x128xf32, #tpu.memory_space<vmem_shared>>) target(%dma_start3A_109 : memref<640x128xf32, #tpu.memory_space<hbm>>) target_semaphore(%run_scoped3A : memref<!tpu.dma_semaphore, #tpu.memory_space<semaphore_mem>>)
        %dma_wait3A = arith.constant 0 : i32
        %dma_wait3A_112 = tpu.memref_slice %arg10[%mul3A_107, %dma_wait3A] : memref<10240x128xf32, #tpu.memory_space<hbm>> -> memref<640x128xf32, #tpu.memory_space<hbm>>
        %dma_wait3A_113 = arith.constant 0 : i32
        %dma_wait3A_114 = tpu.memref_slice %arg13[%mul3A_105, %dma_wait3A_113] : memref<10240x128xf32, #tpu.memory_space<vmem_shared>> -> memref<640x128xf32, #tpu.memory_space<vmem_shared>>
        tpu.wait_dma2 semaphore(%run_scoped3A : memref<!tpu.dma_semaphore, #tpu.memory_space<semaphore_mem>>) src(%dma_wait3A_114 : memref<640x128xf32, #tpu.memory_space<vmem_shared>>) dst(%dma_wait3A_112 : memref<640x128xf32, #tpu.memory_space<hbm>>)
        tpu.yield
      }) : () -> ()
      %barrier3A_108 = arith.constant 0 : index
      tpu.barrier barrier_id(%barrier3A_108)
    } else {
    }
    %eq3A_2 = arith.constant 1 : i32
    %eq3A_3 = arith.cmpi eq, %arg0, %eq3A_2 : i32
    %convert_element_type3A_4 = arith.extui %eq3A_3 : i1 to i32
    %cond3A_5 = arith.constant 0 : i32
    %cond3A_6 = arith.cmpi ne, %convert_element_type3A_4, %cond3A_5 : i32
    scf.if %cond3A_6 {
      %mul3A = arith.constant 640 : i32
      %mul3A_7 = arith.muli %arg1, %mul3A : i32
      %add3A = arith.constant 0 : i32
      %add3A_8 = arith.addi %mul3A_7, %add3A : i32
      "tpu.region"() ({
        %run_scoped3A = tpu.sem_alloc : memref<!tpu.dma_semaphore, #tpu.memory_space<semaphore_mem>>
        %dma_start3A = arith.constant 0 : i32
        %dma_start3A_109 = tpu.memref_slice %arg13[%add3A_8, %dma_start3A] : memref<10240x128xf32, #tpu.memory_space<vmem_shared>> -> memref<64x128xf32, #tpu.memory_space<vmem_shared>>
        tpu.enqueue_dma source(%arg8 : memref<64x128xf32, #tpu.memory_space<hbm>>) target(%dma_start3A_109 : memref<64x128xf32, #tpu.memory_space<vmem_shared>>) target_semaphore(%run_scoped3A : memref<!tpu.dma_semaphore, #tpu.memory_space<semaphore_mem>>)
        %dma_wait3A = arith.constant 0 : i32
        %dma_wait3A_110 = tpu.memref_slice %arg13[%add3A_8, %dma_wait3A] : memref<10240x128xf32, #tpu.memory_space<vmem_shared>> -> memref<64x128xf32, #tpu.memory_space<vmem_shared>>
        tpu.wait_dma2 semaphore(%run_scoped3A : memref<!tpu.dma_semaphore, #tpu.memory_space<semaphore_mem>>) src(%arg8 : memref<64x128xf32, #tpu.memory_space<hbm>>) dst(%dma_wait3A_110 : memref<64x128xf32, #tpu.memory_space<vmem_shared>>)
        tpu.yield
      }) : () -> ()
      %mul3A_9 = arith.constant 640 : i32
      %mul3A_10 = arith.muli %arg1, %mul3A_9 : i32
      %add3A_11 = arith.constant 64 : i32
      %add3A_12 = arith.addi %mul3A_10, %add3A_11 : i32
      "tpu.region"() ({
        %run_scoped3A = tpu.sem_alloc : memref<!tpu.dma_semaphore, #tpu.memory_space<semaphore_mem>>
        %dma_start3A = arith.constant 0 : i32
        %dma_start3A_109 = tpu.memref_slice %arg13[%add3A_12, %dma_start3A] : memref<10240x128xf32, #tpu.memory_space<vmem_shared>> -> memref<64x128xf32, #tpu.memory_space<vmem_shared>>
        tpu.enqueue_dma source(%arg8 : memref<64x128xf32, #tpu.memory_space<hbm>>) target(%dma_start3A_109 : memref<64x128xf32, #tpu.memory_space<vmem_shared>>) target_semaphore(%run_scoped3A : memref<!tpu.dma_semaphore, #tpu.memory_space<semaphore_mem>>)
        %dma_wait3A = arith.constant 0 : i32
        %dma_wait3A_110 = tpu.memref_slice %arg13[%add3A_12, %dma_wait3A] : memref<10240x128xf32, #tpu.memory_space<vmem_shared>> -> memref<64x128xf32, #tpu.memory_space<vmem_shared>>
        tpu.wait_dma2 semaphore(%run_scoped3A : memref<!tpu.dma_semaphore, #tpu.memory_space<semaphore_mem>>) src(%arg8 : memref<64x128xf32, #tpu.memory_space<hbm>>) dst(%dma_wait3A_110 : memref<64x128xf32, #tpu.memory_space<vmem_shared>>)
        tpu.yield
      }) : () -> ()
      %mul3A_13 = arith.constant 640 : i32
      %mul3A_14 = arith.muli %arg1, %mul3A_13 : i32
      %add3A_15 = arith.constant 128 : i32
      %add3A_16 = arith.addi %mul3A_14, %add3A_15 : i32
      "tpu.region"() ({
        %run_scoped3A = tpu.sem_alloc : memref<!tpu.dma_semaphore, #tpu.memory_space<semaphore_mem>>
        %dma_start3A = arith.constant 0 : i32
        %dma_start3A_109 = tpu.memref_slice %arg13[%add3A_16, %dma_start3A] : memref<10240x128xf32, #tpu.memory_space<vmem_shared>> -> memref<64x128xf32, #tpu.memory_space<vmem_shared>>
        tpu.enqueue_dma source(%arg8 : memref<64x128xf32, #tpu.memory_space<hbm>>) target(%dma_start3A_109 : memref<64x128xf32, #tpu.memory_space<vmem_shared>>) target_semaphore(%run_scoped3A : memref<!tpu.dma_semaphore, #tpu.memory_space<semaphore_mem>>)
        %dma_wait3A = arith.constant 0 : i32
        %dma_wait3A_110 = tpu.memref_slice %arg13[%add3A_16, %dma_wait3A] : memref<10240x128xf32, #tpu.memory_space<vmem_shared>> -> memref<64x128xf32, #tpu.memory_space<vmem_shared>>
        tpu.wait_dma2 semaphore(%run_scoped3A : memref<!tpu.dma_semaphore, #tpu.memory_space<semaphore_mem>>) src(%arg8 : memref<64x128xf32, #tpu.memory_space<hbm>>) dst(%dma_wait3A_110 : memref<64x128xf32, #tpu.memory_space<vmem_shared>>)
        tpu.yield
      }) : () -> ()
      %mul3A_17 = arith.constant 640 : i32
      %mul3A_18 = arith.muli %arg1, %mul3A_17 : i32
      %add3A_19 = arith.constant 192 : i32
      %add3A_20 = arith.addi %mul3A_18, %add3A_19 : i32
      "tpu.region"() ({
        %run_scoped3A = tpu.sem_alloc : memref<!tpu.dma_semaphore, #tpu.memory_space<semaphore_mem>>
        %dma_start3A = arith.constant 0 : i32
        %dma_start3A_109 = tpu.memref_slice %arg13[%add3A_20, %dma_start3A] : memref<10240x128xf32, #tpu.memory_space<vmem_shared>> -> memref<64x128xf32, #tpu.memory_space<vmem_shared>>
        tpu.enqueue_dma source(%arg8 : memref<64x128xf32, #tpu.memory_space<hbm>>) target(%dma_start3A_109 : memref<64x128xf32, #tpu.memory_space<vmem_shared>>) target_semaphore(%run_scoped3A : memref<!tpu.dma_semaphore, #tpu.memory_space<semaphore_mem>>)
        %dma_wait3A = arith.constant 0 : i32
        %dma_wait3A_110 = tpu.memref_slice %arg13[%add3A_20, %dma_wait3A] : memref<10240x128xf32, #tpu.memory_space<vmem_shared>> -> memref<64x128xf32, #tpu.memory_space<vmem_shared>>
        tpu.wait_dma2 semaphore(%run_scoped3A : memref<!tpu.dma_semaphore, #tpu.memory_space<semaphore_mem>>) src(%arg8 : memref<64x128xf32, #tpu.memory_space<hbm>>) dst(%dma_wait3A_110 : memref<64x128xf32, #tpu.memory_space<vmem_shared>>)
        tpu.yield
      }) : () -> ()
      %mul3A_21 = arith.constant 640 : i32
      %mul3A_22 = arith.muli %arg1, %mul3A_21 : i32
      %add3A_23 = arith.constant 256 : i32
      %add3A_24 = arith.addi %mul3A_22, %add3A_23 : i32
      "tpu.region"() ({
        %run_scoped3A = tpu.sem_alloc : memref<!tpu.dma_semaphore, #tpu.memory_space<semaphore_mem>>
        %dma_start3A = arith.constant 0 : i32
        %dma_start3A_109 = tpu.memref_slice %arg13[%add3A_24, %dma_start3A] : memref<10240x128xf32, #tpu.memory_space<vmem_shared>> -> memref<64x128xf32, #tpu.memory_space<vmem_shared>>
        tpu.enqueue_dma source(%arg8 : memref<64x128xf32, #tpu.memory_space<hbm>>) target(%dma_start3A_109 : memref<64x128xf32, #tpu.memory_space<vmem_shared>>) target_semaphore(%run_scoped3A : memref<!tpu.dma_semaphore, #tpu.memory_space<semaphore_mem>>)
        %dma_wait3A = arith.constant 0 : i32
        %dma_wait3A_110 = tpu.memref_slice %arg13[%add3A_24, %dma_wait3A] : memref<10240x128xf32, #tpu.memory_space<vmem_shared>> -> memref<64x128xf32, #tpu.memory_space<vmem_shared>>
        tpu.wait_dma2 semaphore(%run_scoped3A : memref<!tpu.dma_semaphore, #tpu.memory_space<semaphore_mem>>) src(%arg8 : memref<64x128xf32, #tpu.memory_space<hbm>>) dst(%dma_wait3A_110 : memref<64x128xf32, #tpu.memory_space<vmem_shared>>)
        tpu.yield
      }) : () -> ()
      %mul3A_25 = arith.constant 640 : i32
      %mul3A_26 = arith.muli %arg1, %mul3A_25 : i32
      %add3A_27 = arith.constant 320 : i32
      %add3A_28 = arith.addi %mul3A_26, %add3A_27 : i32
      "tpu.region"() ({
        %run_scoped3A = tpu.sem_alloc : memref<!tpu.dma_semaphore, #tpu.memory_space<semaphore_mem>>
        %dma_start3A = arith.constant 0 : i32
        %dma_start3A_109 = tpu.memref_slice %arg13[%add3A_28, %dma_start3A] : memref<10240x128xf32, #tpu.memory_space<vmem_shared>> -> memref<64x128xf32, #tpu.memory_space<vmem_shared>>
        tpu.enqueue_dma source(%arg8 : memref<64x128xf32, #tpu.memory_space<hbm>>) target(%dma_start3A_109 : memref<64x128xf32, #tpu.memory_space<vmem_shared>>) target_semaphore(%run_scoped3A : memref<!tpu.dma_semaphore, #tpu.memory_space<semaphore_mem>>)
        %dma_wait3A = arith.constant 0 : i32
        %dma_wait3A_110 = tpu.memref_slice %arg13[%add3A_28, %dma_wait3A] : memref<10240x128xf32, #tpu.memory_space<vmem_shared>> -> memref<64x128xf32, #tpu.memory_space<vmem_shared>>
        tpu.wait_dma2 semaphore(%run_scoped3A : memref<!tpu.dma_semaphore, #tpu.memory_space<semaphore_mem>>) src(%arg8 : memref<64x128xf32, #tpu.memory_space<hbm>>) dst(%dma_wait3A_110 : memref<64x128xf32, #tpu.memory_space<vmem_shared>>)
        tpu.yield
      }) : () -> ()
      %mul3A_29 = arith.constant 640 : i32
      %mul3A_30 = arith.muli %arg1, %mul3A_29 : i32
      %add3A_31 = arith.constant 384 : i32
      %add3A_32 = arith.addi %mul3A_30, %add3A_31 : i32
      "tpu.region"() ({
        %run_scoped3A = tpu.sem_alloc : memref<!tpu.dma_semaphore, #tpu.memory_space<semaphore_mem>>
        %dma_start3A = arith.constant 0 : i32
        %dma_start3A_109 = tpu.memref_slice %arg13[%add3A_32, %dma_start3A] : memref<10240x128xf32, #tpu.memory_space<vmem_shared>> -> memref<64x128xf32, #tpu.memory_space<vmem_shared>>
        tpu.enqueue_dma source(%arg8 : memref<64x128xf32, #tpu.memory_space<hbm>>) target(%dma_start3A_109 : memref<64x128xf32, #tpu.memory_space<vmem_shared>>) target_semaphore(%run_scoped3A : memref<!tpu.dma_semaphore, #tpu.memory_space<semaphore_mem>>)
        %dma_wait3A = arith.constant 0 : i32
        %dma_wait3A_110 = tpu.memref_slice %arg13[%add3A_32, %dma_wait3A] : memref<10240x128xf32, #tpu.memory_space<vmem_shared>> -> memref<64x128xf32, #tpu.memory_space<vmem_shared>>
        tpu.wait_dma2 semaphore(%run_scoped3A : memref<!tpu.dma_semaphore, #tpu.memory_space<semaphore_mem>>) src(%arg8 : memref<64x128xf32, #tpu.memory_space<hbm>>) dst(%dma_wait3A_110 : memref<64x128xf32, #tpu.memory_space<vmem_shared>>)
        tpu.yield
      }) : () -> ()
      %mul3A_33 = arith.constant 640 : i32
      %mul3A_34 = arith.muli %arg1, %mul3A_33 : i32
      %add3A_35 = arith.constant 448 : i32
      %add3A_36 = arith.addi %mul3A_34, %add3A_35 : i32
      "tpu.region"() ({
        %run_scoped3A = tpu.sem_alloc : memref<!tpu.dma_semaphore, #tpu.memory_space<semaphore_mem>>
        %dma_start3A = arith.constant 0 : i32
        %dma_start3A_109 = tpu.memref_slice %arg13[%add3A_36, %dma_start3A] : memref<10240x128xf32, #tpu.memory_space<vmem_shared>> -> memref<64x128xf32, #tpu.memory_space<vmem_shared>>
        tpu.enqueue_dma source(%arg8 : memref<64x128xf32, #tpu.memory_space<hbm>>) target(%dma_start3A_109 : memref<64x128xf32, #tpu.memory_space<vmem_shared>>) target_semaphore(%run_scoped3A : memref<!tpu.dma_semaphore, #tpu.memory_space<semaphore_mem>>)
        %dma_wait3A = arith.constant 0 : i32
        %dma_wait3A_110 = tpu.memref_slice %arg13[%add3A_36, %dma_wait3A] : memref<10240x128xf32, #tpu.memory_space<vmem_shared>> -> memref<64x128xf32, #tpu.memory_space<vmem_shared>>
        tpu.wait_dma2 semaphore(%run_scoped3A : memref<!tpu.dma_semaphore, #tpu.memory_space<semaphore_mem>>) src(%arg8 : memref<64x128xf32, #tpu.memory_space<hbm>>) dst(%dma_wait3A_110 : memref<64x128xf32, #tpu.memory_space<vmem_shared>>)
        tpu.yield
      }) : () -> ()
      %mul3A_37 = arith.constant 640 : i32
      %mul3A_38 = arith.muli %arg1, %mul3A_37 : i32
      %add3A_39 = arith.constant 512 : i32
      %add3A_40 = arith.addi %mul3A_38, %add3A_39 : i32
      "tpu.region"() ({
        %run_scoped3A = tpu.sem_alloc : memref<!tpu.dma_semaphore, #tpu.memory_space<semaphore_mem>>
        %dma_start3A = arith.constant 0 : i32
        %dma_start3A_109 = tpu.memref_slice %arg13[%add3A_40, %dma_start3A] : memref<10240x128xf32, #tpu.memory_space<vmem_shared>> -> memref<64x128xf32, #tpu.memory_space<vmem_shared>>
        tpu.enqueue_dma source(%arg8 : memref<64x128xf32, #tpu.memory_space<hbm>>) target(%dma_start3A_109 : memref<64x128xf32, #tpu.memory_space<vmem_shared>>) target_semaphore(%run_scoped3A : memref<!tpu.dma_semaphore, #tpu.memory_space<semaphore_mem>>)
        %dma_wait3A = arith.constant 0 : i32
        %dma_wait3A_110 = tpu.memref_slice %arg13[%add3A_40, %dma_wait3A] : memref<10240x128xf32, #tpu.memory_space<vmem_shared>> -> memref<64x128xf32, #tpu.memory_space<vmem_shared>>
        tpu.wait_dma2 semaphore(%run_scoped3A : memref<!tpu.dma_semaphore, #tpu.memory_space<semaphore_mem>>) src(%arg8 : memref<64x128xf32, #tpu.memory_space<hbm>>) dst(%dma_wait3A_110 : memref<64x128xf32, #tpu.memory_space<vmem_shared>>)
        tpu.yield
      }) : () -> ()
      %mul3A_41 = arith.constant 640 : i32
      %mul3A_42 = arith.muli %arg1, %mul3A_41 : i32
      %add3A_43 = arith.constant 576 : i32
      %add3A_44 = arith.addi %mul3A_42, %add3A_43 : i32
      "tpu.region"() ({
        %run_scoped3A = tpu.sem_alloc : memref<!tpu.dma_semaphore, #tpu.memory_space<semaphore_mem>>
        %dma_start3A = arith.constant 0 : i32
        %dma_start3A_109 = tpu.memref_slice %arg13[%add3A_44, %dma_start3A] : memref<10240x128xf32, #tpu.memory_space<vmem_shared>> -> memref<64x128xf32, #tpu.memory_space<vmem_shared>>
        tpu.enqueue_dma source(%arg8 : memref<64x128xf32, #tpu.memory_space<hbm>>) target(%dma_start3A_109 : memref<64x128xf32, #tpu.memory_space<vmem_shared>>) target_semaphore(%run_scoped3A : memref<!tpu.dma_semaphore, #tpu.memory_space<semaphore_mem>>)
        %dma_wait3A = arith.constant 0 : i32
        %dma_wait3A_110 = tpu.memref_slice %arg13[%add3A_44, %dma_wait3A] : memref<10240x128xf32, #tpu.memory_space<vmem_shared>> -> memref<64x128xf32, #tpu.memory_space<vmem_shared>>
        tpu.wait_dma2 semaphore(%run_scoped3A : memref<!tpu.dma_semaphore, #tpu.memory_space<semaphore_mem>>) src(%arg8 : memref<64x128xf32, #tpu.memory_space<hbm>>) dst(%dma_wait3A_110 : memref<64x128xf32, #tpu.memory_space<vmem_shared>>)
        tpu.yield
      }) : () -> ()
      %barrier3A = arith.constant 0 : index
      tpu.barrier barrier_id(%barrier3A)
      %scan3A = arith.constant 0 : i32
      %scan3A_45 = arith.constant 0 : i32
      %scan3A_46 = arith.constant 5 : i32
      %scan3A_47 = arith.addi %scan3A_45, %scan3A_46 : i32
      %scan3A_48 = arith.constant 1 : i32
      scf.for %scan3A_109 = %scan3A_45 to %scan3A_47 step %scan3A_48  : i32 {
        "tpu.region"() ({
          %run_scoped3A = tpu.sem_alloc : memref<!tpu.dma_semaphore, #tpu.memory_space<semaphore_mem>>
          %dma_start3A_217 = arith.constant 0 : i32
          %dma_start3A_218 = arith.constant 0 : i32
          %dma_start3A_219 = tpu.memref_slice %arg4[%arg1, %scan3A_109, %dma_start3A_217, %dma_start3A_218] : memref<16x5x64x64xi32, #tpu.memory_space<hbm>> -> memref<1x1x64x64xi32, #tpu.memory_space<hbm>>
          %dma_start3A_220 = tpu.memref_squeeze %dma_start3A_219 : memref<1x1x64x64xi32, #tpu.memory_space<hbm>> -> memref<64x64xi32, #tpu.memory_space<hbm>>
          %dma_start3A_221 = arith.constant 0 : i32
          %dma_start3A_222 = arith.constant 0 : i32
          %dma_start3A_223 = tpu.memref_slice %arg4[%arg1, %scan3A_109, %dma_start3A_221, %dma_start3A_222] : memref<16x5x64x64xi32, #tpu.memory_space<hbm>> -> memref<1x1x64x64xi32, #tpu.memory_space<hbm>>
          %dma_start3A_224 = tpu.memref_squeeze %dma_start3A_223 : memref<1x1x64x64xi32, #tpu.memory_space<hbm>> -> memref<64x64xi32, #tpu.memory_space<hbm>>
          tpu.enqueue_dma source(%dma_start3A_224 : memref<64x64xi32, #tpu.memory_space<hbm>>) target(%arg14 : memref<64x64xi32, #tpu.memory_space<vmem>>) target_semaphore(%run_scoped3A : memref<!tpu.dma_semaphore, #tpu.memory_space<semaphore_mem>>)
          %dma_wait3A_225 = arith.constant 0 : i32
          %dma_wait3A_226 = arith.constant 0 : i32
          %dma_wait3A_227 = tpu.memref_slice %arg4[%arg1, %scan3A_109, %dma_wait3A_225, %dma_wait3A_226] : memref<16x5x64x64xi32, #tpu.memory_space<hbm>> -> memref<1x1x64x64xi32, #tpu.memory_space<hbm>>
          %dma_wait3A_228 = tpu.memref_squeeze %dma_wait3A_227 : memref<1x1x64x64xi32, #tpu.memory_space<hbm>> -> memref<64x64xi32, #tpu.memory_space<hbm>>
          %dma_wait3A_229 = arith.constant 0 : i32
          %dma_wait3A_230 = arith.constant 0 : i32
          %dma_wait3A_231 = tpu.memref_slice %arg4[%arg1, %scan3A_109, %dma_wait3A_229, %dma_wait3A_230] : memref<16x5x64x64xi32, #tpu.memory_space<hbm>> -> memref<1x1x64x64xi32, #tpu.memory_space<hbm>>
          %dma_wait3A_232 = tpu.memref_squeeze %dma_wait3A_231 : memref<1x1x64x64xi32, #tpu.memory_space<hbm>> -> memref<64x64xi32, #tpu.memory_space<hbm>>
          tpu.wait_dma2 semaphore(%run_scoped3A : memref<!tpu.dma_semaphore, #tpu.memory_space<semaphore_mem>>) src(%dma_wait3A_232 : memref<64x64xi32, #tpu.memory_space<hbm>>) dst(%arg14 : memref<64x64xi32, #tpu.memory_space<vmem>>)
          tpu.yield
        }) : () -> ()
        "tpu.region"() ({
          %run_scoped3A = tpu.sem_alloc : memref<!tpu.dma_semaphore, #tpu.memory_space<semaphore_mem>>
          %dma_start3A_217 = arith.constant 0 : i32
          %dma_start3A_218 = arith.constant 0 : i32
          %dma_start3A_219 = tpu.memref_slice %arg5[%arg1, %scan3A_109, %dma_start3A_217, %dma_start3A_218] : memref<16x5x64x64xi32, #tpu.memory_space<hbm>> -> memref<1x1x64x64xi32, #tpu.memory_space<hbm>>
          %dma_start3A_220 = tpu.memref_squeeze %dma_start3A_219 : memref<1x1x64x64xi32, #tpu.memory_space<hbm>> -> memref<64x64xi32, #tpu.memory_space<hbm>>
          %dma_start3A_221 = arith.constant 0 : i32
          %dma_start3A_222 = arith.constant 0 : i32
          %dma_start3A_223 = tpu.memref_slice %arg5[%arg1, %scan3A_109, %dma_start3A_221, %dma_start3A_222] : memref<16x5x64x64xi32, #tpu.memory_space<hbm>> -> memref<1x1x64x64xi32, #tpu.memory_space<hbm>>
          %dma_start3A_224 = tpu.memref_squeeze %dma_start3A_223 : memref<1x1x64x64xi32, #tpu.memory_space<hbm>> -> memref<64x64xi32, #tpu.memory_space<hbm>>
          tpu.enqueue_dma source(%dma_start3A_224 : memref<64x64xi32, #tpu.memory_space<hbm>>) target(%arg15 : memref<64x64xi32, #tpu.memory_space<vmem>>) target_semaphore(%run_scoped3A : memref<!tpu.dma_semaphore, #tpu.memory_space<semaphore_mem>>)
          %dma_wait3A_225 = arith.constant 0 : i32
          %dma_wait3A_226 = arith.constant 0 : i32
          %dma_wait3A_227 = tpu.memref_slice %arg5[%arg1, %scan3A_109, %dma_wait3A_225, %dma_wait3A_226] : memref<16x5x64x64xi32, #tpu.memory_space<hbm>> -> memref<1x1x64x64xi32, #tpu.memory_space<hbm>>
          %dma_wait3A_228 = tpu.memref_squeeze %dma_wait3A_227 : memref<1x1x64x64xi32, #tpu.memory_space<hbm>> -> memref<64x64xi32, #tpu.memory_space<hbm>>
          %dma_wait3A_229 = arith.constant 0 : i32
          %dma_wait3A_230 = arith.constant 0 : i32
          %dma_wait3A_231 = tpu.memref_slice %arg5[%arg1, %scan3A_109, %dma_wait3A_229, %dma_wait3A_230] : memref<16x5x64x64xi32, #tpu.memory_space<hbm>> -> memref<1x1x64x64xi32, #tpu.memory_space<hbm>>
          %dma_wait3A_232 = tpu.memref_squeeze %dma_wait3A_231 : memref<1x1x64x64xi32, #tpu.memory_space<hbm>> -> memref<64x64xi32, #tpu.memory_space<hbm>>
          tpu.wait_dma2 semaphore(%run_scoped3A : memref<!tpu.dma_semaphore, #tpu.memory_space<semaphore_mem>>) src(%dma_wait3A_232 : memref<64x64xi32, #tpu.memory_space<hbm>>) dst(%arg15 : memref<64x64xi32, #tpu.memory_space<vmem>>)
          tpu.yield
        }) : () -> ()
        %dma_start3A = arith.constant 0 : i32
        %dma_start3A_110 = arith.constant 0 : i32
        %dma_start3A_111 = tpu.memref_slice %arg14[%dma_start3A, %dma_start3A_110] : memref<64x64xi32, #tpu.memory_space<vmem>> -> memref<1x64xi32, #tpu.memory_space<vmem>>
        %dma_start3A_112 = tpu.memref_squeeze %dma_start3A_111 : memref<1x64xi32, #tpu.memory_space<vmem>> -> memref<64xi32, #tpu.memory_space<vmem>>
        %dma_start3A_113 = arith.constant 0 : i32
        %dma_start3A_114 = arith.constant 0 : i32
        %dma_start3A_115 = tpu.memref_slice %arg3[%dma_start3A_113, %dma_start3A_114] : memref<10000x128xf32, #tpu.memory_space<hbm>> -> memref<10000x128xf32, #tpu.memory_space<hbm>>
        tpu.enqueue_indirect_dma source(%dma_start3A_115 : memref<10000x128xf32, #tpu.memory_space<hbm>>) target(%arg16 : memref<64x128xf32, #tpu.memory_space<vmem>>) offsets(%dma_start3A_112 : memref<64xi32, #tpu.memory_space<vmem>>) semaphore(%arg20 : memref<!tpu.dma_semaphore, #tpu.memory_space<semaphore_mem>>)
        %dma_start3A_116 = arith.constant 1 : i32
        %dma_start3A_117 = arith.constant 0 : i32
        %dma_start3A_118 = tpu.memref_slice %arg14[%dma_start3A_116, %dma_start3A_117] : memref<64x64xi32, #tpu.memory_space<vmem>> -> memref<1x64xi32, #tpu.memory_space<vmem>>
        %dma_start3A_119 = tpu.memref_squeeze %dma_start3A_118 : memref<1x64xi32, #tpu.memory_space<vmem>> -> memref<64xi32, #tpu.memory_space<vmem>>
        %dma_start3A_120 = arith.constant 0 : i32
        %dma_start3A_121 = arith.constant 0 : i32
        %dma_start3A_122 = tpu.memref_slice %arg3[%dma_start3A_120, %dma_start3A_121] : memref<10000x128xf32, #tpu.memory_space<hbm>> -> memref<10000x128xf32, #tpu.memory_space<hbm>>
        tpu.enqueue_indirect_dma source(%dma_start3A_122 : memref<10000x128xf32, #tpu.memory_space<hbm>>) target(%arg17 : memref<64x128xf32, #tpu.memory_space<vmem>>) offsets(%dma_start3A_119 : memref<64xi32, #tpu.memory_space<vmem>>) semaphore(%arg21 : memref<!tpu.dma_semaphore, #tpu.memory_space<semaphore_mem>>)
        %dma_wait3A = arith.constant 0 : i32
        %dma_wait3A_123 = arith.constant 0 : i32
        %dma_wait3A_124 = tpu.memref_slice %arg3[%dma_wait3A, %dma_wait3A_123] : memref<10000x128xf32, #tpu.memory_space<hbm>> -> memref<64x128xf32, #tpu.memory_space<hbm>>
        %dma_wait3A_125 = arith.constant 0 : i32
        %dma_wait3A_126 = arith.constant 0 : i32
        %dma_wait3A_127 = tpu.memref_slice %arg3[%dma_wait3A_125, %dma_wait3A_126] : memref<10000x128xf32, #tpu.memory_space<hbm>> -> memref<64x128xf32, #tpu.memory_space<hbm>>
        tpu.wait_dma2 semaphore(%arg20 : memref<!tpu.dma_semaphore, #tpu.memory_space<semaphore_mem>>) src(%dma_wait3A_127 : memref<64x128xf32, #tpu.memory_space<hbm>>) dst(%arg16 : memref<64x128xf32, #tpu.memory_space<vmem>>)
        %dma_start3A_128 = arith.constant 0 : i32
        %dma_start3A_129 = arith.constant 0 : i32
        %dma_start3A_130 = tpu.memref_slice %arg15[%dma_start3A_128, %dma_start3A_129] : memref<64x64xi32, #tpu.memory_space<vmem>> -> memref<1x64xi32, #tpu.memory_space<vmem>>
        %dma_start3A_131 = tpu.memref_squeeze %dma_start3A_130 : memref<1x64xi32, #tpu.memory_space<vmem>> -> memref<64xi32, #tpu.memory_space<vmem>>
        %dma_start3A_132 = arith.constant 0 : i32
        %dma_start3A_133 = arith.constant 0 : i32
        %dma_start3A_134 = tpu.memref_slice %arg13[%dma_start3A_132, %dma_start3A_133] : memref<10240x128xf32, #tpu.memory_space<vmem_shared>> -> memref<10240x128xf32, #tpu.memory_space<vmem_shared>>
        tpu.enqueue_indirect_dma source(%arg16 : memref<64x128xf32, #tpu.memory_space<vmem>>) target(%dma_start3A_134 : memref<10240x128xf32, #tpu.memory_space<vmem_shared>>) offsets(%dma_start3A_131 : memref<64xi32, #tpu.memory_space<vmem>>) semaphore(%arg24 : memref<!tpu.dma_semaphore, #tpu.memory_space<semaphore_mem>>) {add = true}
        %dma_start3A_135 = arith.constant 2 : i32
        %dma_start3A_136 = arith.constant 0 : i32
        %dma_start3A_137 = tpu.memref_slice %arg14[%dma_start3A_135, %dma_start3A_136] : memref<64x64xi32, #tpu.memory_space<vmem>> -> memref<1x64xi32, #tpu.memory_space<vmem>>
        %dma_start3A_138 = tpu.memref_squeeze %dma_start3A_137 : memref<1x64xi32, #tpu.memory_space<vmem>> -> memref<64xi32, #tpu.memory_space<vmem>>
        %dma_start3A_139 = arith.constant 0 : i32
        %dma_start3A_140 = arith.constant 0 : i32
        %dma_start3A_141 = tpu.memref_slice %arg3[%dma_start3A_139, %dma_start3A_140] : memref<10000x128xf32, #tpu.memory_space<hbm>> -> memref<10000x128xf32, #tpu.memory_space<hbm>>
        tpu.enqueue_indirect_dma source(%dma_start3A_141 : memref<10000x128xf32, #tpu.memory_space<hbm>>) target(%arg18 : memref<64x128xf32, #tpu.memory_space<vmem>>) offsets(%dma_start3A_138 : memref<64xi32, #tpu.memory_space<vmem>>) semaphore(%arg22 : memref<!tpu.dma_semaphore, #tpu.memory_space<semaphore_mem>>)
        %dma_wait3A_142 = arith.constant 0 : i32
        %dma_wait3A_143 = arith.constant 0 : i32
        %dma_wait3A_144 = tpu.memref_slice %arg3[%dma_wait3A_142, %dma_wait3A_143] : memref<10000x128xf32, #tpu.memory_space<hbm>> -> memref<64x128xf32, #tpu.memory_space<hbm>>
        %dma_wait3A_145 = arith.constant 0 : i32
        %dma_wait3A_146 = arith.constant 0 : i32
        %dma_wait3A_147 = tpu.memref_slice %arg3[%dma_wait3A_145, %dma_wait3A_146] : memref<10000x128xf32, #tpu.memory_space<hbm>> -> memref<64x128xf32, #tpu.memory_space<hbm>>
        tpu.wait_dma2 semaphore(%arg21 : memref<!tpu.dma_semaphore, #tpu.memory_space<semaphore_mem>>) src(%dma_wait3A_147 : memref<64x128xf32, #tpu.memory_space<hbm>>) dst(%arg17 : memref<64x128xf32, #tpu.memory_space<vmem>>)
        %dma_start3A_148 = arith.constant 1 : i32
        %dma_start3A_149 = arith.constant 0 : i32
        %dma_start3A_150 = tpu.memref_slice %arg15[%dma_start3A_148, %dma_start3A_149] : memref<64x64xi32, #tpu.memory_space<vmem>> -> memref<1x64xi32, #tpu.memory_space<vmem>>
        %dma_start3A_151 = tpu.memref_squeeze %dma_start3A_150 : memref<1x64xi32, #tpu.memory_space<vmem>> -> memref<64xi32, #tpu.memory_space<vmem>>
        %dma_start3A_152 = arith.constant 0 : i32
        %dma_start3A_153 = arith.constant 0 : i32
        %dma_start3A_154 = tpu.memref_slice %arg13[%dma_start3A_152, %dma_start3A_153] : memref<10240x128xf32, #tpu.memory_space<vmem_shared>> -> memref<10240x128xf32, #tpu.memory_space<vmem_shared>>
        tpu.enqueue_indirect_dma source(%arg17 : memref<64x128xf32, #tpu.memory_space<vmem>>) target(%dma_start3A_154 : memref<10240x128xf32, #tpu.memory_space<vmem_shared>>) offsets(%dma_start3A_151 : memref<64xi32, #tpu.memory_space<vmem>>) semaphore(%arg25 : memref<!tpu.dma_semaphore, #tpu.memory_space<semaphore_mem>>) {add = true}
        %dma_start3A_155 = arith.constant 3 : i32
        %dma_start3A_156 = arith.constant 0 : i32
        %dma_start3A_157 = tpu.memref_slice %arg14[%dma_start3A_155, %dma_start3A_156] : memref<64x64xi32, #tpu.memory_space<vmem>> -> memref<1x64xi32, #tpu.memory_space<vmem>>
        %dma_start3A_158 = tpu.memref_squeeze %dma_start3A_157 : memref<1x64xi32, #tpu.memory_space<vmem>> -> memref<64xi32, #tpu.memory_space<vmem>>
        %dma_start3A_159 = arith.constant 0 : i32
        %dma_start3A_160 = arith.constant 0 : i32
        %dma_start3A_161 = tpu.memref_slice %arg3[%dma_start3A_159, %dma_start3A_160] : memref<10000x128xf32, #tpu.memory_space<hbm>> -> memref<10000x128xf32, #tpu.memory_space<hbm>>
        tpu.enqueue_indirect_dma source(%dma_start3A_161 : memref<10000x128xf32, #tpu.memory_space<hbm>>) target(%arg19 : memref<64x128xf32, #tpu.memory_space<vmem>>) offsets(%dma_start3A_158 : memref<64xi32, #tpu.memory_space<vmem>>) semaphore(%arg23 : memref<!tpu.dma_semaphore, #tpu.memory_space<semaphore_mem>>)
        %scan3A_162 = arith.constant 0 : i32
        %scan3A_163 = arith.constant 15 : i32
        %scan3A_164 = arith.addi %scan3A_162, %scan3A_163 : i32
        %scan3A_165 = arith.constant 1 : i32
        scf.for %scan3A_217 = %scan3A_162 to %scan3A_164 step %scan3A_165  : i32 {
          %mul3A_218 = arith.constant 4 : i32
          %mul3A_219 = arith.muli %mul3A_218, %scan3A_217 : i32
          %add3A_220 = arith.constant 2 : i32
          %add3A_221 = arith.addi %add3A_220, %mul3A_219 : i32
          %add3A_222 = arith.constant 0 : i32
          %add3A_223 = arith.addi %add3A_221, %add3A_222 : i32
          %dma_wait3A_224 = arith.constant 0 : i32
          %dma_wait3A_225 = arith.constant 0 : i32
          %dma_wait3A_226 = tpu.memref_slice %arg3[%dma_wait3A_224, %dma_wait3A_225] : memref<10000x128xf32, #tpu.memory_space<hbm>> -> memref<64x128xf32, #tpu.memory_space<hbm>>
          %dma_wait3A_227 = arith.constant 0 : i32
          %dma_wait3A_228 = arith.constant 0 : i32
          %dma_wait3A_229 = tpu.memref_slice %arg3[%dma_wait3A_227, %dma_wait3A_228] : memref<10000x128xf32, #tpu.memory_space<hbm>> -> memref<64x128xf32, #tpu.memory_space<hbm>>
          tpu.wait_dma2 semaphore(%arg22 : memref<!tpu.dma_semaphore, #tpu.memory_space<semaphore_mem>>) src(%dma_wait3A_229 : memref<64x128xf32, #tpu.memory_space<hbm>>) dst(%arg18 : memref<64x128xf32, #tpu.memory_space<vmem>>)
          %dma_start3A_230 = arith.constant 0 : i32
          %dma_start3A_231 = tpu.memref_slice %arg15[%add3A_223, %dma_start3A_230] : memref<64x64xi32, #tpu.memory_space<vmem>> -> memref<1x64xi32, #tpu.memory_space<vmem>>
          %dma_start3A_232 = tpu.memref_squeeze %dma_start3A_231 : memref<1x64xi32, #tpu.memory_space<vmem>> -> memref<64xi32, #tpu.memory_space<vmem>>
          %dma_start3A_233 = arith.constant 0 : i32
          %dma_start3A_234 = arith.constant 0 : i32
          %dma_start3A_235 = tpu.memref_slice %arg13[%dma_start3A_233, %dma_start3A_234] : memref<10240x128xf32, #tpu.memory_space<vmem_shared>> -> memref<10240x128xf32, #tpu.memory_space<vmem_shared>>
          tpu.enqueue_indirect_dma source(%arg18 : memref<64x128xf32, #tpu.memory_space<vmem>>) target(%dma_start3A_235 : memref<10240x128xf32, #tpu.memory_space<vmem_shared>>) offsets(%dma_start3A_232 : memref<64xi32, #tpu.memory_space<vmem>>) semaphore(%arg26 : memref<!tpu.dma_semaphore, #tpu.memory_space<semaphore_mem>>) {add = true}
          %dma_wait3A_236 = arith.constant 0 : i32
          %dma_wait3A_237 = arith.constant 0 : i32
          %dma_wait3A_238 = tpu.memref_slice %arg13[%dma_wait3A_236, %dma_wait3A_237] : memref<10240x128xf32, #tpu.memory_space<vmem_shared>> -> memref<64x128xf32, #tpu.memory_space<vmem_shared>>
          %dma_wait3A_239 = arith.constant 0 : i32
          %dma_wait3A_240 = arith.constant 0 : i32
          %dma_wait3A_241 = tpu.memref_slice %arg13[%dma_wait3A_239, %dma_wait3A_240] : memref<10240x128xf32, #tpu.memory_space<vmem_shared>> -> memref<64x128xf32, #tpu.memory_space<vmem_shared>>
          tpu.wait_dma2 semaphore(%arg24 : memref<!tpu.dma_semaphore, #tpu.memory_space<semaphore_mem>>) src(%arg16 : memref<64x128xf32, #tpu.memory_space<vmem>>) dst(%dma_wait3A_241 : memref<64x128xf32, #tpu.memory_space<vmem_shared>>)
          %add3A_242 = arith.constant 2 : i32
          %add3A_243 = arith.addi %add3A_223, %add3A_242 : i32
          %dma_start3A_244 = arith.constant 0 : i32
          %dma_start3A_245 = tpu.memref_slice %arg14[%add3A_243, %dma_start3A_244] : memref<64x64xi32, #tpu.memory_space<vmem>> -> memref<1x64xi32, #tpu.memory_space<vmem>>
          %dma_start3A_246 = tpu.memref_squeeze %dma_start3A_245 : memref<1x64xi32, #tpu.memory_space<vmem>> -> memref<64xi32, #tpu.memory_space<vmem>>
          %dma_start3A_247 = arith.constant 0 : i32
          %dma_start3A_248 = arith.constant 0 : i32
          %dma_start3A_249 = tpu.memref_slice %arg3[%dma_start3A_247, %dma_start3A_248] : memref<10000x128xf32, #tpu.memory_space<hbm>> -> memref<10000x128xf32, #tpu.memory_space<hbm>>
          tpu.enqueue_indirect_dma source(%dma_start3A_249 : memref<10000x128xf32, #tpu.memory_space<hbm>>) target(%arg16 : memref<64x128xf32, #tpu.memory_space<vmem>>) offsets(%dma_start3A_246 : memref<64xi32, #tpu.memory_space<vmem>>) semaphore(%arg20 : memref<!tpu.dma_semaphore, #tpu.memory_space<semaphore_mem>>)
          %add3A_250 = arith.constant 1 : i32
          %add3A_251 = arith.addi %add3A_221, %add3A_250 : i32
          %dma_wait3A_252 = arith.constant 0 : i32
          %dma_wait3A_253 = arith.constant 0 : i32
          %dma_wait3A_254 = tpu.memref_slice %arg3[%dma_wait3A_252, %dma_wait3A_253] : memref<10000x128xf32, #tpu.memory_space<hbm>> -> memref<64x128xf32, #tpu.memory_space<hbm>>
          %dma_wait3A_255 = arith.constant 0 : i32
          %dma_wait3A_256 = arith.constant 0 : i32
          %dma_wait3A_257 = tpu.memref_slice %arg3[%dma_wait3A_255, %dma_wait3A_256] : memref<10000x128xf32, #tpu.memory_space<hbm>> -> memref<64x128xf32, #tpu.memory_space<hbm>>
          tpu.wait_dma2 semaphore(%arg23 : memref<!tpu.dma_semaphore, #tpu.memory_space<semaphore_mem>>) src(%dma_wait3A_257 : memref<64x128xf32, #tpu.memory_space<hbm>>) dst(%arg19 : memref<64x128xf32, #tpu.memory_space<vmem>>)
          %dma_start3A_258 = arith.constant 0 : i32
          %dma_start3A_259 = tpu.memref_slice %arg15[%add3A_251, %dma_start3A_258] : memref<64x64xi32, #tpu.memory_space<vmem>> -> memref<1x64xi32, #tpu.memory_space<vmem>>
          %dma_start3A_260 = tpu.memref_squeeze %dma_start3A_259 : memref<1x64xi32, #tpu.memory_space<vmem>> -> memref<64xi32, #tpu.memory_space<vmem>>
          %dma_start3A_261 = arith.constant 0 : i32
          %dma_start3A_262 = arith.constant 0 : i32
          %dma_start3A_263 = tpu.memref_slice %arg13[%dma_start3A_261, %dma_start3A_262] : memref<10240x128xf32, #tpu.memory_space<vmem_shared>> -> memref<10240x128xf32, #tpu.memory_space<vmem_shared>>
          tpu.enqueue_indirect_dma source(%arg19 : memref<64x128xf32, #tpu.memory_space<vmem>>) target(%dma_start3A_263 : memref<10240x128xf32, #tpu.memory_space<vmem_shared>>) offsets(%dma_start3A_260 : memref<64xi32, #tpu.memory_space<vmem>>) semaphore(%arg27 : memref<!tpu.dma_semaphore, #tpu.memory_space<semaphore_mem>>) {add = true}
          %dma_wait3A_264 = arith.constant 0 : i32
          %dma_wait3A_265 = arith.constant 0 : i32
          %dma_wait3A_266 = tpu.memref_slice %arg13[%dma_wait3A_264, %dma_wait3A_265] : memref<10240x128xf32, #tpu.memory_space<vmem_shared>> -> memref<64x128xf32, #tpu.memory_space<vmem_shared>>
          %dma_wait3A_267 = arith.constant 0 : i32
          %dma_wait3A_268 = arith.constant 0 : i32
          %dma_wait3A_269 = tpu.memref_slice %arg13[%dma_wait3A_267, %dma_wait3A_268] : memref<10240x128xf32, #tpu.memory_space<vmem_shared>> -> memref<64x128xf32, #tpu.memory_space<vmem_shared>>
          tpu.wait_dma2 semaphore(%arg25 : memref<!tpu.dma_semaphore, #tpu.memory_space<semaphore_mem>>) src(%arg17 : memref<64x128xf32, #tpu.memory_space<vmem>>) dst(%dma_wait3A_269 : memref<64x128xf32, #tpu.memory_space<vmem_shared>>)
          %add3A_270 = arith.constant 2 : i32
          %add3A_271 = arith.addi %add3A_251, %add3A_270 : i32
          %dma_start3A_272 = arith.constant 0 : i32
          %dma_start3A_273 = tpu.memref_slice %arg14[%add3A_271, %dma_start3A_272] : memref<64x64xi32, #tpu.memory_space<vmem>> -> memref<1x64xi32, #tpu.memory_space<vmem>>
          %dma_start3A_274 = tpu.memref_squeeze %dma_start3A_273 : memref<1x64xi32, #tpu.memory_space<vmem>> -> memref<64xi32, #tpu.memory_space<vmem>>
          %dma_start3A_275 = arith.constant 0 : i32
          %dma_start3A_276 = arith.constant 0 : i32
          %dma_start3A_277 = tpu.memref_slice %arg3[%dma_start3A_275, %dma_start3A_276] : memref<10000x128xf32, #tpu.memory_space<hbm>> -> memref<10000x128xf32, #tpu.memory_space<hbm>>
          tpu.enqueue_indirect_dma source(%dma_start3A_277 : memref<10000x128xf32, #tpu.memory_space<hbm>>) target(%arg17 : memref<64x128xf32, #tpu.memory_space<vmem>>) offsets(%dma_start3A_274 : memref<64xi32, #tpu.memory_space<vmem>>) semaphore(%arg21 : memref<!tpu.dma_semaphore, #tpu.memory_space<semaphore_mem>>)
          %add3A_278 = arith.constant 2 : i32
          %add3A_279 = arith.addi %add3A_221, %add3A_278 : i32
          %dma_wait3A_280 = arith.constant 0 : i32
          %dma_wait3A_281 = arith.constant 0 : i32
          %dma_wait3A_282 = tpu.memref_slice %arg3[%dma_wait3A_280, %dma_wait3A_281] : memref<10000x128xf32, #tpu.memory_space<hbm>> -> memref<64x128xf32, #tpu.memory_space<hbm>>
          %dma_wait3A_283 = arith.constant 0 : i32
          %dma_wait3A_284 = arith.constant 0 : i32
          %dma_wait3A_285 = tpu.memref_slice %arg3[%dma_wait3A_283, %dma_wait3A_284] : memref<10000x128xf32, #tpu.memory_space<hbm>> -> memref<64x128xf32, #tpu.memory_space<hbm>>
          tpu.wait_dma2 semaphore(%arg20 : memref<!tpu.dma_semaphore, #tpu.memory_space<semaphore_mem>>) src(%dma_wait3A_285 : memref<64x128xf32, #tpu.memory_space<hbm>>) dst(%arg16 : memref<64x128xf32, #tpu.memory_space<vmem>>)
          %dma_start3A_286 = arith.constant 0 : i32
          %dma_start3A_287 = tpu.memref_slice %arg15[%add3A_279, %dma_start3A_286] : memref<64x64xi32, #tpu.memory_space<vmem>> -> memref<1x64xi32, #tpu.memory_space<vmem>>
          %dma_start3A_288 = tpu.memref_squeeze %dma_start3A_287 : memref<1x64xi32, #tpu.memory_space<vmem>> -> memref<64xi32, #tpu.memory_space<vmem>>
          %dma_start3A_289 = arith.constant 0 : i32
          %dma_start3A_290 = arith.constant 0 : i32
          %dma_start3A_291 = tpu.memref_slice %arg13[%dma_start3A_289, %dma_start3A_290] : memref<10240x128xf32, #tpu.memory_space<vmem_shared>> -> memref<10240x128xf32, #tpu.memory_space<vmem_shared>>
          tpu.enqueue_indirect_dma source(%arg16 : memref<64x128xf32, #tpu.memory_space<vmem>>) target(%dma_start3A_291 : memref<10240x128xf32, #tpu.memory_space<vmem_shared>>) offsets(%dma_start3A_288 : memref<64xi32, #tpu.memory_space<vmem>>) semaphore(%arg24 : memref<!tpu.dma_semaphore, #tpu.memory_space<semaphore_mem>>) {add = true}
          %dma_wait3A_292 = arith.constant 0 : i32
          %dma_wait3A_293 = arith.constant 0 : i32
          %dma_wait3A_294 = tpu.memref_slice %arg13[%dma_wait3A_292, %dma_wait3A_293] : memref<10240x128xf32, #tpu.memory_space<vmem_shared>> -> memref<64x128xf32, #tpu.memory_space<vmem_shared>>
          %dma_wait3A_295 = arith.constant 0 : i32
          %dma_wait3A_296 = arith.constant 0 : i32
          %dma_wait3A_297 = tpu.memref_slice %arg13[%dma_wait3A_295, %dma_wait3A_296] : memref<10240x128xf32, #tpu.memory_space<vmem_shared>> -> memref<64x128xf32, #tpu.memory_space<vmem_shared>>
          tpu.wait_dma2 semaphore(%arg26 : memref<!tpu.dma_semaphore, #tpu.memory_space<semaphore_mem>>) src(%arg18 : memref<64x128xf32, #tpu.memory_space<vmem>>) dst(%dma_wait3A_297 : memref<64x128xf32, #tpu.memory_space<vmem_shared>>)
          %add3A_298 = arith.constant 2 : i32
          %add3A_299 = arith.addi %add3A_279, %add3A_298 : i32
          %dma_start3A_300 = arith.constant 0 : i32
          %dma_start3A_301 = tpu.memref_slice %arg14[%add3A_299, %dma_start3A_300] : memref<64x64xi32, #tpu.memory_space<vmem>> -> memref<1x64xi32, #tpu.memory_space<vmem>>
          %dma_start3A_302 = tpu.memref_squeeze %dma_start3A_301 : memref<1x64xi32, #tpu.memory_space<vmem>> -> memref<64xi32, #tpu.memory_space<vmem>>
          %dma_start3A_303 = arith.constant 0 : i32
          %dma_start3A_304 = arith.constant 0 : i32
          %dma_start3A_305 = tpu.memref_slice %arg3[%dma_start3A_303, %dma_start3A_304] : memref<10000x128xf32, #tpu.memory_space<hbm>> -> memref<10000x128xf32, #tpu.memory_space<hbm>>
          tpu.enqueue_indirect_dma source(%dma_start3A_305 : memref<10000x128xf32, #tpu.memory_space<hbm>>) target(%arg18 : memref<64x128xf32, #tpu.memory_space<vmem>>) offsets(%dma_start3A_302 : memref<64xi32, #tpu.memory_space<vmem>>) semaphore(%arg22 : memref<!tpu.dma_semaphore, #tpu.memory_space<semaphore_mem>>)
          %add3A_306 = arith.constant 3 : i32
          %add3A_307 = arith.addi %add3A_221, %add3A_306 : i32
          %dma_wait3A_308 = arith.constant 0 : i32
          %dma_wait3A_309 = arith.constant 0 : i32
          %dma_wait3A_310 = tpu.memref_slice %arg3[%dma_wait3A_308, %dma_wait3A_309] : memref<10000x128xf32, #tpu.memory_space<hbm>> -> memref<64x128xf32, #tpu.memory_space<hbm>>
          %dma_wait3A_311 = arith.constant 0 : i32
          %dma_wait3A_312 = arith.constant 0 : i32
          %dma_wait3A_313 = tpu.memref_slice %arg3[%dma_wait3A_311, %dma_wait3A_312] : memref<10000x128xf32, #tpu.memory_space<hbm>> -> memref<64x128xf32, #tpu.memory_space<hbm>>
          tpu.wait_dma2 semaphore(%arg21 : memref<!tpu.dma_semaphore, #tpu.memory_space<semaphore_mem>>) src(%dma_wait3A_313 : memref<64x128xf32, #tpu.memory_space<hbm>>) dst(%arg17 : memref<64x128xf32, #tpu.memory_space<vmem>>)
          %dma_start3A_314 = arith.constant 0 : i32
          %dma_start3A_315 = tpu.memref_slice %arg15[%add3A_307, %dma_start3A_314] : memref<64x64xi32, #tpu.memory_space<vmem>> -> memref<1x64xi32, #tpu.memory_space<vmem>>
          %dma_start3A_316 = tpu.memref_squeeze %dma_start3A_315 : memref<1x64xi32, #tpu.memory_space<vmem>> -> memref<64xi32, #tpu.memory_space<vmem>>
          %dma_start3A_317 = arith.constant 0 : i32
          %dma_start3A_318 = arith.constant 0 : i32
          %dma_start3A_319 = tpu.memref_slice %arg13[%dma_start3A_317, %dma_start3A_318] : memref<10240x128xf32, #tpu.memory_space<vmem_shared>> -> memref<10240x128xf32, #tpu.memory_space<vmem_shared>>
          tpu.enqueue_indirect_dma source(%arg17 : memref<64x128xf32, #tpu.memory_space<vmem>>) target(%dma_start3A_319 : memref<10240x128xf32, #tpu.memory_space<vmem_shared>>) offsets(%dma_start3A_316 : memref<64xi32, #tpu.memory_space<vmem>>) semaphore(%arg25 : memref<!tpu.dma_semaphore, #tpu.memory_space<semaphore_mem>>) {add = true}
          %dma_wait3A_320 = arith.constant 0 : i32
          %dma_wait3A_321 = arith.constant 0 : i32
          %dma_wait3A_322 = tpu.memref_slice %arg13[%dma_wait3A_320, %dma_wait3A_321] : memref<10240x128xf32, #tpu.memory_space<vmem_shared>> -> memref<64x128xf32, #tpu.memory_space<vmem_shared>>
          %dma_wait3A_323 = arith.constant 0 : i32
          %dma_wait3A_324 = arith.constant 0 : i32
          %dma_wait3A_325 = tpu.memref_slice %arg13[%dma_wait3A_323, %dma_wait3A_324] : memref<10240x128xf32, #tpu.memory_space<vmem_shared>> -> memref<64x128xf32, #tpu.memory_space<vmem_shared>>
          tpu.wait_dma2 semaphore(%arg27 : memref<!tpu.dma_semaphore, #tpu.memory_space<semaphore_mem>>) src(%arg19 : memref<64x128xf32, #tpu.memory_space<vmem>>) dst(%dma_wait3A_325 : memref<64x128xf32, #tpu.memory_space<vmem_shared>>)
          %add3A_326 = arith.constant 2 : i32
          %add3A_327 = arith.addi %add3A_307, %add3A_326 : i32
          %dma_start3A_328 = arith.constant 0 : i32
          %dma_start3A_329 = tpu.memref_slice %arg14[%add3A_327, %dma_start3A_328] : memref<64x64xi32, #tpu.memory_space<vmem>> -> memref<1x64xi32, #tpu.memory_space<vmem>>
          %dma_start3A_330 = tpu.memref_squeeze %dma_start3A_329 : memref<1x64xi32, #tpu.memory_space<vmem>> -> memref<64xi32, #tpu.memory_space<vmem>>
          %dma_start3A_331 = arith.constant 0 : i32
          %dma_start3A_332 = arith.constant 0 : i32
          %dma_start3A_333 = tpu.memref_slice %arg3[%dma_start3A_331, %dma_start3A_332] : memref<10000x128xf32, #tpu.memory_space<hbm>> -> memref<10000x128xf32, #tpu.memory_space<hbm>>
          tpu.enqueue_indirect_dma source(%dma_start3A_333 : memref<10000x128xf32, #tpu.memory_space<hbm>>) target(%arg19 : memref<64x128xf32, #tpu.memory_space<vmem>>) offsets(%dma_start3A_330 : memref<64xi32, #tpu.memory_space<vmem>>) semaphore(%arg23 : memref<!tpu.dma_semaphore, #tpu.memory_space<semaphore_mem>>)
        }
        %scan3A_166 = arith.constant 15 : i32
        %dma_wait3A_167 = arith.constant 0 : i32
        %dma_wait3A_168 = arith.constant 0 : i32
        %dma_wait3A_169 = tpu.memref_slice %arg3[%dma_wait3A_167, %dma_wait3A_168] : memref<10000x128xf32, #tpu.memory_space<hbm>> -> memref<64x128xf32, #tpu.memory_space<hbm>>
        %dma_wait3A_170 = arith.constant 0 : i32
        %dma_wait3A_171 = arith.constant 0 : i32
        %dma_wait3A_172 = tpu.memref_slice %arg3[%dma_wait3A_170, %dma_wait3A_171] : memref<10000x128xf32, #tpu.memory_space<hbm>> -> memref<64x128xf32, #tpu.memory_space<hbm>>
        tpu.wait_dma2 semaphore(%arg22 : memref<!tpu.dma_semaphore, #tpu.memory_space<semaphore_mem>>) src(%dma_wait3A_172 : memref<64x128xf32, #tpu.memory_space<hbm>>) dst(%arg18 : memref<64x128xf32, #tpu.memory_space<vmem>>)
        %dma_start3A_173 = arith.constant 62 : i32
        %dma_start3A_174 = arith.constant 0 : i32
        %dma_start3A_175 = tpu.memref_slice %arg15[%dma_start3A_173, %dma_start3A_174] : memref<64x64xi32, #tpu.memory_space<vmem>> -> memref<1x64xi32, #tpu.memory_space<vmem>>
        %dma_start3A_176 = tpu.memref_squeeze %dma_start3A_175 : memref<1x64xi32, #tpu.memory_space<vmem>> -> memref<64xi32, #tpu.memory_space<vmem>>
        %dma_start3A_177 = arith.constant 0 : i32
        %dma_start3A_178 = arith.constant 0 : i32
        %dma_start3A_179 = tpu.memref_slice %arg13[%dma_start3A_177, %dma_start3A_178] : memref<10240x128xf32, #tpu.memory_space<vmem_shared>> -> memref<10240x128xf32, #tpu.memory_space<vmem_shared>>
        tpu.enqueue_indirect_dma source(%arg18 : memref<64x128xf32, #tpu.memory_space<vmem>>) target(%dma_start3A_179 : memref<10240x128xf32, #tpu.memory_space<vmem_shared>>) offsets(%dma_start3A_176 : memref<64xi32, #tpu.memory_space<vmem>>) semaphore(%arg26 : memref<!tpu.dma_semaphore, #tpu.memory_space<semaphore_mem>>) {add = true}
        %dma_wait3A_180 = arith.constant 0 : i32
        %dma_wait3A_181 = arith.constant 0 : i32
        %dma_wait3A_182 = tpu.memref_slice %arg13[%dma_wait3A_180, %dma_wait3A_181] : memref<10240x128xf32, #tpu.memory_space<vmem_shared>> -> memref<64x128xf32, #tpu.memory_space<vmem_shared>>
        %dma_wait3A_183 = arith.constant 0 : i32
        %dma_wait3A_184 = arith.constant 0 : i32
        %dma_wait3A_185 = tpu.memref_slice %arg13[%dma_wait3A_183, %dma_wait3A_184] : memref<10240x128xf32, #tpu.memory_space<vmem_shared>> -> memref<64x128xf32, #tpu.memory_space<vmem_shared>>
        tpu.wait_dma2 semaphore(%arg24 : memref<!tpu.dma_semaphore, #tpu.memory_space<semaphore_mem>>) src(%arg16 : memref<64x128xf32, #tpu.memory_space<vmem>>) dst(%dma_wait3A_185 : memref<64x128xf32, #tpu.memory_space<vmem_shared>>)
        %dma_wait3A_186 = arith.constant 0 : i32
        %dma_wait3A_187 = arith.constant 0 : i32
        %dma_wait3A_188 = tpu.memref_slice %arg3[%dma_wait3A_186, %dma_wait3A_187] : memref<10000x128xf32, #tpu.memory_space<hbm>> -> memref<64x128xf32, #tpu.memory_space<hbm>>
        %dma_wait3A_189 = arith.constant 0 : i32
        %dma_wait3A_190 = arith.constant 0 : i32
        %dma_wait3A_191 = tpu.memref_slice %arg3[%dma_wait3A_189, %dma_wait3A_190] : memref<10000x128xf32, #tpu.memory_space<hbm>> -> memref<64x128xf32, #tpu.memory_space<hbm>>
        tpu.wait_dma2 semaphore(%arg23 : memref<!tpu.dma_semaphore, #tpu.memory_space<semaphore_mem>>) src(%dma_wait3A_191 : memref<64x128xf32, #tpu.memory_space<hbm>>) dst(%arg19 : memref<64x128xf32, #tpu.memory_space<vmem>>)
        %dma_start3A_192 = arith.constant 63 : i32
        %dma_start3A_193 = arith.constant 0 : i32
        %dma_start3A_194 = tpu.memref_slice %arg15[%dma_start3A_192, %dma_start3A_193] : memref<64x64xi32, #tpu.memory_space<vmem>> -> memref<1x64xi32, #tpu.memory_space<vmem>>
        %dma_start3A_195 = tpu.memref_squeeze %dma_start3A_194 : memref<1x64xi32, #tpu.memory_space<vmem>> -> memref<64xi32, #tpu.memory_space<vmem>>
        %dma_start3A_196 = arith.constant 0 : i32
        %dma_start3A_197 = arith.constant 0 : i32
        %dma_start3A_198 = tpu.memref_slice %arg13[%dma_start3A_196, %dma_start3A_197] : memref<10240x128xf32, #tpu.memory_space<vmem_shared>> -> memref<10240x128xf32, #tpu.memory_space<vmem_shared>>
        tpu.enqueue_indirect_dma source(%arg19 : memref<64x128xf32, #tpu.memory_space<vmem>>) target(%dma_start3A_198 : memref<10240x128xf32, #tpu.memory_space<vmem_shared>>) offsets(%dma_start3A_195 : memref<64xi32, #tpu.memory_space<vmem>>) semaphore(%arg27 : memref<!tpu.dma_semaphore, #tpu.memory_space<semaphore_mem>>) {add = true}
        %dma_wait3A_199 = arith.constant 0 : i32
        %dma_wait3A_200 = arith.constant 0 : i32
        %dma_wait3A_201 = tpu.memref_slice %arg13[%dma_wait3A_199, %dma_wait3A_200] : memref<10240x128xf32, #tpu.memory_space<vmem_shared>> -> memref<64x128xf32, #tpu.memory_space<vmem_shared>>
        %dma_wait3A_202 = arith.constant 0 : i32
        %dma_wait3A_203 = arith.constant 0 : i32
        %dma_wait3A_204 = tpu.memref_slice %arg13[%dma_wait3A_202, %dma_wait3A_203] : memref<10240x128xf32, #tpu.memory_space<vmem_shared>> -> memref<64x128xf32, #tpu.memory_space<vmem_shared>>
        tpu.wait_dma2 semaphore(%arg25 : memref<!tpu.dma_semaphore, #tpu.memory_space<semaphore_mem>>) src(%arg17 : memref<64x128xf32, #tpu.memory_space<vmem>>) dst(%dma_wait3A_204 : memref<64x128xf32, #tpu.memory_space<vmem_shared>>)
        %dma_wait3A_205 = arith.constant 0 : i32
        %dma_wait3A_206 = arith.constant 0 : i32
        %dma_wait3A_207 = tpu.memref_slice %arg13[%dma_wait3A_205, %dma_wait3A_206] : memref<10240x128xf32, #tpu.memory_space<vmem_shared>> -> memref<64x128xf32, #tpu.memory_space<vmem_shared>>
        %dma_wait3A_208 = arith.constant 0 : i32
        %dma_wait3A_209 = arith.constant 0 : i32
        %dma_wait3A_210 = tpu.memref_slice %arg13[%dma_wait3A_208, %dma_wait3A_209] : memref<10240x128xf32, #tpu.memory_space<vmem_shared>> -> memref<64x128xf32, #tpu.memory_space<vmem_shared>>
        tpu.wait_dma2 semaphore(%arg26 : memref<!tpu.dma_semaphore, #tpu.memory_space<semaphore_mem>>) src(%arg18 : memref<64x128xf32, #tpu.memory_space<vmem>>) dst(%dma_wait3A_210 : memref<64x128xf32, #tpu.memory_space<vmem_shared>>)
        %dma_wait3A_211 = arith.constant 0 : i32
        %dma_wait3A_212 = arith.constant 0 : i32
        %dma_wait3A_213 = tpu.memref_slice %arg13[%dma_wait3A_211, %dma_wait3A_212] : memref<10240x128xf32, #tpu.memory_space<vmem_shared>> -> memref<64x128xf32, #tpu.memory_space<vmem_shared>>
        %dma_wait3A_214 = arith.constant 0 : i32
        %dma_wait3A_215 = arith.constant 0 : i32
        %dma_wait3A_216 = tpu.memref_slice %arg13[%dma_wait3A_214, %dma_wait3A_215] : memref<10240x128xf32, #tpu.memory_space<vmem_shared>> -> memref<64x128xf32, #tpu.memory_space<vmem_shared>>
        tpu.wait_dma2 semaphore(%arg27 : memref<!tpu.dma_semaphore, #tpu.memory_space<semaphore_mem>>) src(%arg19 : memref<64x128xf32, #tpu.memory_space<vmem>>) dst(%dma_wait3A_216 : memref<64x128xf32, #tpu.memory_space<vmem_shared>>)
      }
      %scan3A_49 = arith.constant 5 : i32
      %barrier3A_50 = arith.constant 0 : index
      tpu.barrier barrier_id(%barrier3A_50)
      %mul3A_51 = arith.constant 640 : i32
      %mul3A_52 = arith.muli %arg1, %mul3A_51 : i32
      %mul3A_53 = arith.constant 640 : i32
      %mul3A_54 = arith.muli %arg1, %mul3A_53 : i32
      "tpu.region"() ({
        %run_scoped3A = tpu.sem_alloc : memref<!tpu.dma_semaphore, #tpu.memory_space<semaphore_mem>>
        %dma_start3A = arith.constant 0 : i32
        %dma_start3A_109 = tpu.memref_slice %arg11[%mul3A_54, %dma_start3A] : memref<10240x128xf32, #tpu.memory_space<hbm>> -> memref<640x128xf32, #tpu.memory_space<hbm>>
        %dma_start3A_110 = arith.constant 0 : i32
        %dma_start3A_111 = tpu.memref_slice %arg13[%mul3A_52, %dma_start3A_110] : memref<10240x128xf32, #tpu.memory_space<vmem_shared>> -> memref<640x128xf32, #tpu.memory_space<vmem_shared>>
        tpu.enqueue_dma source(%dma_start3A_111 : memref<640x128xf32, #tpu.memory_space<vmem_shared>>) target(%dma_start3A_109 : memref<640x128xf32, #tpu.memory_space<hbm>>) target_semaphore(%run_scoped3A : memref<!tpu.dma_semaphore, #tpu.memory_space<semaphore_mem>>)
        %dma_wait3A = arith.constant 0 : i32
        %dma_wait3A_112 = tpu.memref_slice %arg11[%mul3A_54, %dma_wait3A] : memref<10240x128xf32, #tpu.memory_space<hbm>> -> memref<640x128xf32, #tpu.memory_space<hbm>>
        %dma_wait3A_113 = arith.constant 0 : i32
        %dma_wait3A_114 = tpu.memref_slice %arg13[%mul3A_52, %dma_wait3A_113] : memref<10240x128xf32, #tpu.memory_space<vmem_shared>> -> memref<640x128xf32, #tpu.memory_space<vmem_shared>>
        tpu.wait_dma2 semaphore(%run_scoped3A : memref<!tpu.dma_semaphore, #tpu.memory_space<semaphore_mem>>) src(%dma_wait3A_114 : memref<640x128xf32, #tpu.memory_space<vmem_shared>>) dst(%dma_wait3A_112 : memref<640x128xf32, #tpu.memory_space<hbm>>)
        tpu.yield
      }) : () -> ()
      %barrier3A_55 = arith.constant 0 : index
      tpu.barrier barrier_id(%barrier3A_55)
      %mul3A_56 = arith.constant 640 : i32
      %mul3A_57 = arith.muli %arg1, %mul3A_56 : i32
      %add3A_58 = arith.constant 0 : i32
      %add3A_59 = arith.addi %mul3A_57, %add3A_58 : i32
      "tpu.region"() ({
        %run_scoped3A = tpu.sem_alloc : memref<!tpu.dma_semaphore, #tpu.memory_space<semaphore_mem>>
        %dma_start3A = arith.constant 0 : i32
        %dma_start3A_109 = tpu.memref_slice %arg13[%add3A_59, %dma_start3A] : memref<10240x128xf32, #tpu.memory_space<vmem_shared>> -> memref<64x128xf32, #tpu.memory_space<vmem_shared>>
        tpu.enqueue_dma source(%arg8 : memref<64x128xf32, #tpu.memory_space<hbm>>) target(%dma_start3A_109 : memref<64x128xf32, #tpu.memory_space<vmem_shared>>) target_semaphore(%run_scoped3A : memref<!tpu.dma_semaphore, #tpu.memory_space<semaphore_mem>>)
        %dma_wait3A = arith.constant 0 : i32
        %dma_wait3A_110 = tpu.memref_slice %arg13[%add3A_59, %dma_wait3A] : memref<10240x128xf32, #tpu.memory_space<vmem_shared>> -> memref<64x128xf32, #tpu.memory_space<vmem_shared>>
        tpu.wait_dma2 semaphore(%run_scoped3A : memref<!tpu.dma_semaphore, #tpu.memory_space<semaphore_mem>>) src(%arg8 : memref<64x128xf32, #tpu.memory_space<hbm>>) dst(%dma_wait3A_110 : memref<64x128xf32, #tpu.memory_space<vmem_shared>>)
        tpu.yield
      }) : () -> ()
      %mul3A_60 = arith.constant 640 : i32
      %mul3A_61 = arith.muli %arg1, %mul3A_60 : i32
      %add3A_62 = arith.constant 64 : i32
      %add3A_63 = arith.addi %mul3A_61, %add3A_62 : i32
      "tpu.region"() ({
        %run_scoped3A = tpu.sem_alloc : memref<!tpu.dma_semaphore, #tpu.memory_space<semaphore_mem>>
        %dma_start3A = arith.constant 0 : i32
        %dma_start3A_109 = tpu.memref_slice %arg13[%add3A_63, %dma_start3A] : memref<10240x128xf32, #tpu.memory_space<vmem_shared>> -> memref<64x128xf32, #tpu.memory_space<vmem_shared>>
        tpu.enqueue_dma source(%arg8 : memref<64x128xf32, #tpu.memory_space<hbm>>) target(%dma_start3A_109 : memref<64x128xf32, #tpu.memory_space<vmem_shared>>) target_semaphore(%run_scoped3A : memref<!tpu.dma_semaphore, #tpu.memory_space<semaphore_mem>>)
        %dma_wait3A = arith.constant 0 : i32
        %dma_wait3A_110 = tpu.memref_slice %arg13[%add3A_63, %dma_wait3A] : memref<10240x128xf32, #tpu.memory_space<vmem_shared>> -> memref<64x128xf32, #tpu.memory_space<vmem_shared>>
        tpu.wait_dma2 semaphore(%run_scoped3A : memref<!tpu.dma_semaphore, #tpu.memory_space<semaphore_mem>>) src(%arg8 : memref<64x128xf32, #tpu.memory_space<hbm>>) dst(%dma_wait3A_110 : memref<64x128xf32, #tpu.memory_space<vmem_shared>>)
        tpu.yield
      }) : () -> ()
      %mul3A_64 = arith.constant 640 : i32
      %mul3A_65 = arith.muli %arg1, %mul3A_64 : i32
      %add3A_66 = arith.constant 128 : i32
      %add3A_67 = arith.addi %mul3A_65, %add3A_66 : i32
      "tpu.region"() ({
        %run_scoped3A = tpu.sem_alloc : memref<!tpu.dma_semaphore, #tpu.memory_space<semaphore_mem>>
        %dma_start3A = arith.constant 0 : i32
        %dma_start3A_109 = tpu.memref_slice %arg13[%add3A_67, %dma_start3A] : memref<10240x128xf32, #tpu.memory_space<vmem_shared>> -> memref<64x128xf32, #tpu.memory_space<vmem_shared>>
        tpu.enqueue_dma source(%arg8 : memref<64x128xf32, #tpu.memory_space<hbm>>) target(%dma_start3A_109 : memref<64x128xf32, #tpu.memory_space<vmem_shared>>) target_semaphore(%run_scoped3A : memref<!tpu.dma_semaphore, #tpu.memory_space<semaphore_mem>>)
        %dma_wait3A = arith.constant 0 : i32
        %dma_wait3A_110 = tpu.memref_slice %arg13[%add3A_67, %dma_wait3A] : memref<10240x128xf32, #tpu.memory_space<vmem_shared>> -> memref<64x128xf32, #tpu.memory_space<vmem_shared>>
        tpu.wait_dma2 semaphore(%run_scoped3A : memref<!tpu.dma_semaphore, #tpu.memory_space<semaphore_mem>>) src(%arg8 : memref<64x128xf32, #tpu.memory_space<hbm>>) dst(%dma_wait3A_110 : memref<64x128xf32, #tpu.memory_space<vmem_shared>>)
        tpu.yield
      }) : () -> ()
      %mul3A_68 = arith.constant 640 : i32
      %mul3A_69 = arith.muli %arg1, %mul3A_68 : i32
      %add3A_70 = arith.constant 192 : i32
      %add3A_71 = arith.addi %mul3A_69, %add3A_70 : i32
      "tpu.region"() ({
        %run_scoped3A = tpu.sem_alloc : memref<!tpu.dma_semaphore, #tpu.memory_space<semaphore_mem>>
        %dma_start3A = arith.constant 0 : i32
        %dma_start3A_109 = tpu.memref_slice %arg13[%add3A_71, %dma_start3A] : memref<10240x128xf32, #tpu.memory_space<vmem_shared>> -> memref<64x128xf32, #tpu.memory_space<vmem_shared>>
        tpu.enqueue_dma source(%arg8 : memref<64x128xf32, #tpu.memory_space<hbm>>) target(%dma_start3A_109 : memref<64x128xf32, #tpu.memory_space<vmem_shared>>) target_semaphore(%run_scoped3A : memref<!tpu.dma_semaphore, #tpu.memory_space<semaphore_mem>>)
        %dma_wait3A = arith.constant 0 : i32
        %dma_wait3A_110 = tpu.memref_slice %arg13[%add3A_71, %dma_wait3A] : memref<10240x128xf32, #tpu.memory_space<vmem_shared>> -> memref<64x128xf32, #tpu.memory_space<vmem_shared>>
        tpu.wait_dma2 semaphore(%run_scoped3A : memref<!tpu.dma_semaphore, #tpu.memory_space<semaphore_mem>>) src(%arg8 : memref<64x128xf32, #tpu.memory_space<hbm>>) dst(%dma_wait3A_110 : memref<64x128xf32, #tpu.memory_space<vmem_shared>>)
        tpu.yield
      }) : () -> ()
      %mul3A_72 = arith.constant 640 : i32
      %mul3A_73 = arith.muli %arg1, %mul3A_72 : i32
      %add3A_74 = arith.constant 256 : i32
      %add3A_75 = arith.addi %mul3A_73, %add3A_74 : i32
      "tpu.region"() ({
        %run_scoped3A = tpu.sem_alloc : memref<!tpu.dma_semaphore, #tpu.memory_space<semaphore_mem>>
        %dma_start3A = arith.constant 0 : i32
        %dma_start3A_109 = tpu.memref_slice %arg13[%add3A_75, %dma_start3A] : memref<10240x128xf32, #tpu.memory_space<vmem_shared>> -> memref<64x128xf32, #tpu.memory_space<vmem_shared>>
        tpu.enqueue_dma source(%arg8 : memref<64x128xf32, #tpu.memory_space<hbm>>) target(%dma_start3A_109 : memref<64x128xf32, #tpu.memory_space<vmem_shared>>) target_semaphore(%run_scoped3A : memref<!tpu.dma_semaphore, #tpu.memory_space<semaphore_mem>>)
        %dma_wait3A = arith.constant 0 : i32
        %dma_wait3A_110 = tpu.memref_slice %arg13[%add3A_75, %dma_wait3A] : memref<10240x128xf32, #tpu.memory_space<vmem_shared>> -> memref<64x128xf32, #tpu.memory_space<vmem_shared>>
        tpu.wait_dma2 semaphore(%run_scoped3A : memref<!tpu.dma_semaphore, #tpu.memory_space<semaphore_mem>>) src(%arg8 : memref<64x128xf32, #tpu.memory_space<hbm>>) dst(%dma_wait3A_110 : memref<64x128xf32, #tpu.memory_space<vmem_shared>>)
        tpu.yield
      }) : () -> ()
      %mul3A_76 = arith.constant 640 : i32
      %mul3A_77 = arith.muli %arg1, %mul3A_76 : i32
      %add3A_78 = arith.constant 320 : i32
      %add3A_79 = arith.addi %mul3A_77, %add3A_78 : i32
      "tpu.region"() ({
        %run_scoped3A = tpu.sem_alloc : memref<!tpu.dma_semaphore, #tpu.memory_space<semaphore_mem>>
        %dma_start3A = arith.constant 0 : i32
        %dma_start3A_109 = tpu.memref_slice %arg13[%add3A_79, %dma_start3A] : memref<10240x128xf32, #tpu.memory_space<vmem_shared>> -> memref<64x128xf32, #tpu.memory_space<vmem_shared>>
        tpu.enqueue_dma source(%arg8 : memref<64x128xf32, #tpu.memory_space<hbm>>) target(%dma_start3A_109 : memref<64x128xf32, #tpu.memory_space<vmem_shared>>) target_semaphore(%run_scoped3A : memref<!tpu.dma_semaphore, #tpu.memory_space<semaphore_mem>>)
        %dma_wait3A = arith.constant 0 : i32
        %dma_wait3A_110 = tpu.memref_slice %arg13[%add3A_79, %dma_wait3A] : memref<10240x128xf32, #tpu.memory_space<vmem_shared>> -> memref<64x128xf32, #tpu.memory_space<vmem_shared>>
        tpu.wait_dma2 semaphore(%run_scoped3A : memref<!tpu.dma_semaphore, #tpu.memory_space<semaphore_mem>>) src(%arg8 : memref<64x128xf32, #tpu.memory_space<hbm>>) dst(%dma_wait3A_110 : memref<64x128xf32, #tpu.memory_space<vmem_shared>>)
        tpu.yield
      }) : () -> ()
      %mul3A_80 = arith.constant 640 : i32
      %mul3A_81 = arith.muli %arg1, %mul3A_80 : i32
      %add3A_82 = arith.constant 384 : i32
      %add3A_83 = arith.addi %mul3A_81, %add3A_82 : i32
      "tpu.region"() ({
        %run_scoped3A = tpu.sem_alloc : memref<!tpu.dma_semaphore, #tpu.memory_space<semaphore_mem>>
        %dma_start3A = arith.constant 0 : i32
        %dma_start3A_109 = tpu.memref_slice %arg13[%add3A_83, %dma_start3A] : memref<10240x128xf32, #tpu.memory_space<vmem_shared>> -> memref<64x128xf32, #tpu.memory_space<vmem_shared>>
        tpu.enqueue_dma source(%arg8 : memref<64x128xf32, #tpu.memory_space<hbm>>) target(%dma_start3A_109 : memref<64x128xf32, #tpu.memory_space<vmem_shared>>) target_semaphore(%run_scoped3A : memref<!tpu.dma_semaphore, #tpu.memory_space<semaphore_mem>>)
        %dma_wait3A = arith.constant 0 : i32
        %dma_wait3A_110 = tpu.memref_slice %arg13[%add3A_83, %dma_wait3A] : memref<10240x128xf32, #tpu.memory_space<vmem_shared>> -> memref<64x128xf32, #tpu.memory_space<vmem_shared>>
        tpu.wait_dma2 semaphore(%run_scoped3A : memref<!tpu.dma_semaphore, #tpu.memory_space<semaphore_mem>>) src(%arg8 : memref<64x128xf32, #tpu.memory_space<hbm>>) dst(%dma_wait3A_110 : memref<64x128xf32, #tpu.memory_space<vmem_shared>>)
        tpu.yield
      }) : () -> ()
      %mul3A_84 = arith.constant 640 : i32
      %mul3A_85 = arith.muli %arg1, %mul3A_84 : i32
      %add3A_86 = arith.constant 448 : i32
      %add3A_87 = arith.addi %mul3A_85, %add3A_86 : i32
      "tpu.region"() ({
        %run_scoped3A = tpu.sem_alloc : memref<!tpu.dma_semaphore, #tpu.memory_space<semaphore_mem>>
        %dma_start3A = arith.constant 0 : i32
        %dma_start3A_109 = tpu.memref_slice %arg13[%add3A_87, %dma_start3A] : memref<10240x128xf32, #tpu.memory_space<vmem_shared>> -> memref<64x128xf32, #tpu.memory_space<vmem_shared>>
        tpu.enqueue_dma source(%arg8 : memref<64x128xf32, #tpu.memory_space<hbm>>) target(%dma_start3A_109 : memref<64x128xf32, #tpu.memory_space<vmem_shared>>) target_semaphore(%run_scoped3A : memref<!tpu.dma_semaphore, #tpu.memory_space<semaphore_mem>>)
        %dma_wait3A = arith.constant 0 : i32
        %dma_wait3A_110 = tpu.memref_slice %arg13[%add3A_87, %dma_wait3A] : memref<10240x128xf32, #tpu.memory_space<vmem_shared>> -> memref<64x128xf32, #tpu.memory_space<vmem_shared>>
        tpu.wait_dma2 semaphore(%run_scoped3A : memref<!tpu.dma_semaphore, #tpu.memory_space<semaphore_mem>>) src(%arg8 : memref<64x128xf32, #tpu.memory_space<hbm>>) dst(%dma_wait3A_110 : memref<64x128xf32, #tpu.memory_space<vmem_shared>>)
        tpu.yield
      }) : () -> ()
      %mul3A_88 = arith.constant 640 : i32
      %mul3A_89 = arith.muli %arg1, %mul3A_88 : i32
      %add3A_90 = arith.constant 512 : i32
      %add3A_91 = arith.addi %mul3A_89, %add3A_90 : i32
      "tpu.region"() ({
        %run_scoped3A = tpu.sem_alloc : memref<!tpu.dma_semaphore, #tpu.memory_space<semaphore_mem>>
        %dma_start3A = arith.constant 0 : i32
        %dma_start3A_109 = tpu.memref_slice %arg13[%add3A_91, %dma_start3A] : memref<10240x128xf32, #tpu.memory_space<vmem_shared>> -> memref<64x128xf32, #tpu.memory_space<vmem_shared>>
        tpu.enqueue_dma source(%arg8 : memref<64x128xf32, #tpu.memory_space<hbm>>) target(%dma_start3A_109 : memref<64x128xf32, #tpu.memory_space<vmem_shared>>) target_semaphore(%run_scoped3A : memref<!tpu.dma_semaphore, #tpu.memory_space<semaphore_mem>>)
        %dma_wait3A = arith.constant 0 : i32
        %dma_wait3A_110 = tpu.memref_slice %arg13[%add3A_91, %dma_wait3A] : memref<10240x128xf32, #tpu.memory_space<vmem_shared>> -> memref<64x128xf32, #tpu.memory_space<vmem_shared>>
        tpu.wait_dma2 semaphore(%run_scoped3A : memref<!tpu.dma_semaphore, #tpu.memory_space<semaphore_mem>>) src(%arg8 : memref<64x128xf32, #tpu.memory_space<hbm>>) dst(%dma_wait3A_110 : memref<64x128xf32, #tpu.memory_space<vmem_shared>>)
        tpu.yield
      }) : () -> ()
      %mul3A_92 = arith.constant 640 : i32
      %mul3A_93 = arith.muli %arg1, %mul3A_92 : i32
      %add3A_94 = arith.constant 576 : i32
      %add3A_95 = arith.addi %mul3A_93, %add3A_94 : i32
      "tpu.region"() ({
        %run_scoped3A = tpu.sem_alloc : memref<!tpu.dma_semaphore, #tpu.memory_space<semaphore_mem>>
        %dma_start3A = arith.constant 0 : i32
        %dma_start3A_109 = tpu.memref_slice %arg13[%add3A_95, %dma_start3A] : memref<10240x128xf32, #tpu.memory_space<vmem_shared>> -> memref<64x128xf32, #tpu.memory_space<vmem_shared>>
        tpu.enqueue_dma source(%arg8 : memref<64x128xf32, #tpu.memory_space<hbm>>) target(%dma_start3A_109 : memref<64x128xf32, #tpu.memory_space<vmem_shared>>) target_semaphore(%run_scoped3A : memref<!tpu.dma_semaphore, #tpu.memory_space<semaphore_mem>>)
        %dma_wait3A = arith.constant 0 : i32
        %dma_wait3A_110 = tpu.memref_slice %arg13[%add3A_95, %dma_wait3A] : memref<10240x128xf32, #tpu.memory_space<vmem_shared>> -> memref<64x128xf32, #tpu.memory_space<vmem_shared>>
        tpu.wait_dma2 semaphore(%run_scoped3A : memref<!tpu.dma_semaphore, #tpu.memory_space<semaphore_mem>>) src(%arg8 : memref<64x128xf32, #tpu.memory_space<hbm>>) dst(%dma_wait3A_110 : memref<64x128xf32, #tpu.memory_space<vmem_shared>>)
        tpu.yield
      }) : () -> ()
      %barrier3A_96 = arith.constant 0 : index
      tpu.barrier barrier_id(%barrier3A_96)
      %scan3A_97 = arith.constant 0 : i32
      %scan3A_98 = arith.constant 0 : i32
      %scan3A_99 = arith.constant 5 : i32
      %scan3A_100 = arith.addi %scan3A_98, %scan3A_99 : i32
      %scan3A_101 = arith.constant 1 : i32
      scf.for %scan3A_109 = %scan3A_98 to %scan3A_100 step %scan3A_101  : i32 {
        "tpu.region"() ({
          %run_scoped3A = tpu.sem_alloc : memref<!tpu.dma_semaphore, #tpu.memory_space<semaphore_mem>>
          %dma_start3A_217 = arith.constant 0 : i32
          %dma_start3A_218 = arith.constant 0 : i32
          %dma_start3A_219 = tpu.memref_slice %arg6[%arg1, %scan3A_109, %dma_start3A_217, %dma_start3A_218] : memref<16x5x64x64xi32, #tpu.memory_space<hbm>> -> memref<1x1x64x64xi32, #tpu.memory_space<hbm>>
          %dma_start3A_220 = tpu.memref_squeeze %dma_start3A_219 : memref<1x1x64x64xi32, #tpu.memory_space<hbm>> -> memref<64x64xi32, #tpu.memory_space<hbm>>
          %dma_start3A_221 = arith.constant 0 : i32
          %dma_start3A_222 = arith.constant 0 : i32
          %dma_start3A_223 = tpu.memref_slice %arg6[%arg1, %scan3A_109, %dma_start3A_221, %dma_start3A_222] : memref<16x5x64x64xi32, #tpu.memory_space<hbm>> -> memref<1x1x64x64xi32, #tpu.memory_space<hbm>>
          %dma_start3A_224 = tpu.memref_squeeze %dma_start3A_223 : memref<1x1x64x64xi32, #tpu.memory_space<hbm>> -> memref<64x64xi32, #tpu.memory_space<hbm>>
          tpu.enqueue_dma source(%dma_start3A_224 : memref<64x64xi32, #tpu.memory_space<hbm>>) target(%arg14 : memref<64x64xi32, #tpu.memory_space<vmem>>) target_semaphore(%run_scoped3A : memref<!tpu.dma_semaphore, #tpu.memory_space<semaphore_mem>>)
          %dma_wait3A_225 = arith.constant 0 : i32
          %dma_wait3A_226 = arith.constant 0 : i32
          %dma_wait3A_227 = tpu.memref_slice %arg6[%arg1, %scan3A_109, %dma_wait3A_225, %dma_wait3A_226] : memref<16x5x64x64xi32, #tpu.memory_space<hbm>> -> memref<1x1x64x64xi32, #tpu.memory_space<hbm>>
          %dma_wait3A_228 = tpu.memref_squeeze %dma_wait3A_227 : memref<1x1x64x64xi32, #tpu.memory_space<hbm>> -> memref<64x64xi32, #tpu.memory_space<hbm>>
          %dma_wait3A_229 = arith.constant 0 : i32
          %dma_wait3A_230 = arith.constant 0 : i32
          %dma_wait3A_231 = tpu.memref_slice %arg6[%arg1, %scan3A_109, %dma_wait3A_229, %dma_wait3A_230] : memref<16x5x64x64xi32, #tpu.memory_space<hbm>> -> memref<1x1x64x64xi32, #tpu.memory_space<hbm>>
          %dma_wait3A_232 = tpu.memref_squeeze %dma_wait3A_231 : memref<1x1x64x64xi32, #tpu.memory_space<hbm>> -> memref<64x64xi32, #tpu.memory_space<hbm>>
          tpu.wait_dma2 semaphore(%run_scoped3A : memref<!tpu.dma_semaphore, #tpu.memory_space<semaphore_mem>>) src(%dma_wait3A_232 : memref<64x64xi32, #tpu.memory_space<hbm>>) dst(%arg14 : memref<64x64xi32, #tpu.memory_space<vmem>>)
          tpu.yield
        }) : () -> ()
        "tpu.region"() ({
          %run_scoped3A = tpu.sem_alloc : memref<!tpu.dma_semaphore, #tpu.memory_space<semaphore_mem>>
          %dma_start3A_217 = arith.constant 0 : i32
          %dma_start3A_218 = arith.constant 0 : i32
          %dma_start3A_219 = tpu.memref_slice %arg7[%arg1, %scan3A_109, %dma_start3A_217, %dma_start3A_218] : memref<16x5x64x64xi32, #tpu.memory_space<hbm>> -> memref<1x1x64x64xi32, #tpu.memory_space<hbm>>
          %dma_start3A_220 = tpu.memref_squeeze %dma_start3A_219 : memref<1x1x64x64xi32, #tpu.memory_space<hbm>> -> memref<64x64xi32, #tpu.memory_space<hbm>>
          %dma_start3A_221 = arith.constant 0 : i32
          %dma_start3A_222 = arith.constant 0 : i32
          %dma_start3A_223 = tpu.memref_slice %arg7[%arg1, %scan3A_109, %dma_start3A_221, %dma_start3A_222] : memref<16x5x64x64xi32, #tpu.memory_space<hbm>> -> memref<1x1x64x64xi32, #tpu.memory_space<hbm>>
          %dma_start3A_224 = tpu.memref_squeeze %dma_start3A_223 : memref<1x1x64x64xi32, #tpu.memory_space<hbm>> -> memref<64x64xi32, #tpu.memory_space<hbm>>
          tpu.enqueue_dma source(%dma_start3A_224 : memref<64x64xi32, #tpu.memory_space<hbm>>) target(%arg15 : memref<64x64xi32, #tpu.memory_space<vmem>>) target_semaphore(%run_scoped3A : memref<!tpu.dma_semaphore, #tpu.memory_space<semaphore_mem>>)
          %dma_wait3A_225 = arith.constant 0 : i32
          %dma_wait3A_226 = arith.constant 0 : i32
          %dma_wait3A_227 = tpu.memref_slice %arg7[%arg1, %scan3A_109, %dma_wait3A_225, %dma_wait3A_226] : memref<16x5x64x64xi32, #tpu.memory_space<hbm>> -> memref<1x1x64x64xi32, #tpu.memory_space<hbm>>
          %dma_wait3A_228 = tpu.memref_squeeze %dma_wait3A_227 : memref<1x1x64x64xi32, #tpu.memory_space<hbm>> -> memref<64x64xi32, #tpu.memory_space<hbm>>
          %dma_wait3A_229 = arith.constant 0 : i32
          %dma_wait3A_230 = arith.constant 0 : i32
          %dma_wait3A_231 = tpu.memref_slice %arg7[%arg1, %scan3A_109, %dma_wait3A_229, %dma_wait3A_230] : memref<16x5x64x64xi32, #tpu.memory_space<hbm>> -> memref<1x1x64x64xi32, #tpu.memory_space<hbm>>
          %dma_wait3A_232 = tpu.memref_squeeze %dma_wait3A_231 : memref<1x1x64x64xi32, #tpu.memory_space<hbm>> -> memref<64x64xi32, #tpu.memory_space<hbm>>
          tpu.wait_dma2 semaphore(%run_scoped3A : memref<!tpu.dma_semaphore, #tpu.memory_space<semaphore_mem>>) src(%dma_wait3A_232 : memref<64x64xi32, #tpu.memory_space<hbm>>) dst(%arg15 : memref<64x64xi32, #tpu.memory_space<vmem>>)
          tpu.yield
        }) : () -> ()
        %dma_start3A = arith.constant 0 : i32
        %dma_start3A_110 = arith.constant 0 : i32
        %dma_start3A_111 = tpu.memref_slice %arg14[%dma_start3A, %dma_start3A_110] : memref<64x64xi32, #tpu.memory_space<vmem>> -> memref<1x64xi32, #tpu.memory_space<vmem>>
        %dma_start3A_112 = tpu.memref_squeeze %dma_start3A_111 : memref<1x64xi32, #tpu.memory_space<vmem>> -> memref<64xi32, #tpu.memory_space<vmem>>
        %dma_start3A_113 = arith.constant 0 : i32
        %dma_start3A_114 = arith.constant 0 : i32
        %dma_start3A_115 = tpu.memref_slice %arg3[%dma_start3A_113, %dma_start3A_114] : memref<10000x128xf32, #tpu.memory_space<hbm>> -> memref<10000x128xf32, #tpu.memory_space<hbm>>
        tpu.enqueue_indirect_dma source(%dma_start3A_115 : memref<10000x128xf32, #tpu.memory_space<hbm>>) target(%arg16 : memref<64x128xf32, #tpu.memory_space<vmem>>) offsets(%dma_start3A_112 : memref<64xi32, #tpu.memory_space<vmem>>) semaphore(%arg20 : memref<!tpu.dma_semaphore, #tpu.memory_space<semaphore_mem>>)
        %dma_start3A_116 = arith.constant 1 : i32
        %dma_start3A_117 = arith.constant 0 : i32
        %dma_start3A_118 = tpu.memref_slice %arg14[%dma_start3A_116, %dma_start3A_117] : memref<64x64xi32, #tpu.memory_space<vmem>> -> memref<1x64xi32, #tpu.memory_space<vmem>>
        %dma_start3A_119 = tpu.memref_squeeze %dma_start3A_118 : memref<1x64xi32, #tpu.memory_space<vmem>> -> memref<64xi32, #tpu.memory_space<vmem>>
        %dma_start3A_120 = arith.constant 0 : i32
        %dma_start3A_121 = arith.constant 0 : i32
        %dma_start3A_122 = tpu.memref_slice %arg3[%dma_start3A_120, %dma_start3A_121] : memref<10000x128xf32, #tpu.memory_space<hbm>> -> memref<10000x128xf32, #tpu.memory_space<hbm>>
        tpu.enqueue_indirect_dma source(%dma_start3A_122 : memref<10000x128xf32, #tpu.memory_space<hbm>>) target(%arg17 : memref<64x128xf32, #tpu.memory_space<vmem>>) offsets(%dma_start3A_119 : memref<64xi32, #tpu.memory_space<vmem>>) semaphore(%arg21 : memref<!tpu.dma_semaphore, #tpu.memory_space<semaphore_mem>>)
        %dma_wait3A = arith.constant 0 : i32
        %dma_wait3A_123 = arith.constant 0 : i32
        %dma_wait3A_124 = tpu.memref_slice %arg3[%dma_wait3A, %dma_wait3A_123] : memref<10000x128xf32, #tpu.memory_space<hbm>> -> memref<64x128xf32, #tpu.memory_space<hbm>>
        %dma_wait3A_125 = arith.constant 0 : i32
        %dma_wait3A_126 = arith.constant 0 : i32
        %dma_wait3A_127 = tpu.memref_slice %arg3[%dma_wait3A_125, %dma_wait3A_126] : memref<10000x128xf32, #tpu.memory_space<hbm>> -> memref<64x128xf32, #tpu.memory_space<hbm>>
        tpu.wait_dma2 semaphore(%arg20 : memref<!tpu.dma_semaphore, #tpu.memory_space<semaphore_mem>>) src(%dma_wait3A_127 : memref<64x128xf32, #tpu.memory_space<hbm>>) dst(%arg16 : memref<64x128xf32, #tpu.memory_space<vmem>>)
        %dma_start3A_128 = arith.constant 0 : i32
        %dma_start3A_129 = arith.constant 0 : i32
        %dma_start3A_130 = tpu.memref_slice %arg15[%dma_start3A_128, %dma_start3A_129] : memref<64x64xi32, #tpu.memory_space<vmem>> -> memref<1x64xi32, #tpu.memory_space<vmem>>
        %dma_start3A_131 = tpu.memref_squeeze %dma_start3A_130 : memref<1x64xi32, #tpu.memory_space<vmem>> -> memref<64xi32, #tpu.memory_space<vmem>>
        %dma_start3A_132 = arith.constant 0 : i32
        %dma_start3A_133 = arith.constant 0 : i32
        %dma_start3A_134 = tpu.memref_slice %arg13[%dma_start3A_132, %dma_start3A_133] : memref<10240x128xf32, #tpu.memory_space<vmem_shared>> -> memref<10240x128xf32, #tpu.memory_space<vmem_shared>>
        tpu.enqueue_indirect_dma source(%arg16 : memref<64x128xf32, #tpu.memory_space<vmem>>) target(%dma_start3A_134 : memref<10240x128xf32, #tpu.memory_space<vmem_shared>>) offsets(%dma_start3A_131 : memref<64xi32, #tpu.memory_space<vmem>>) semaphore(%arg24 : memref<!tpu.dma_semaphore, #tpu.memory_space<semaphore_mem>>) {add = true}
        %dma_start3A_135 = arith.constant 2 : i32
        %dma_start3A_136 = arith.constant 0 : i32
        %dma_start3A_137 = tpu.memref_slice %arg14[%dma_start3A_135, %dma_start3A_136] : memref<64x64xi32, #tpu.memory_space<vmem>> -> memref<1x64xi32, #tpu.memory_space<vmem>>
        %dma_start3A_138 = tpu.memref_squeeze %dma_start3A_137 : memref<1x64xi32, #tpu.memory_space<vmem>> -> memref<64xi32, #tpu.memory_space<vmem>>
        %dma_start3A_139 = arith.constant 0 : i32
        %dma_start3A_140 = arith.constant 0 : i32
        %dma_start3A_141 = tpu.memref_slice %arg3[%dma_start3A_139, %dma_start3A_140] : memref<10000x128xf32, #tpu.memory_space<hbm>> -> memref<10000x128xf32, #tpu.memory_space<hbm>>
        tpu.enqueue_indirect_dma source(%dma_start3A_141 : memref<10000x128xf32, #tpu.memory_space<hbm>>) target(%arg18 : memref<64x128xf32, #tpu.memory_space<vmem>>) offsets(%dma_start3A_138 : memref<64xi32, #tpu.memory_space<vmem>>) semaphore(%arg22 : memref<!tpu.dma_semaphore, #tpu.memory_space<semaphore_mem>>)
        %dma_wait3A_142 = arith.constant 0 : i32
        %dma_wait3A_143 = arith.constant 0 : i32
        %dma_wait3A_144 = tpu.memref_slice %arg3[%dma_wait3A_142, %dma_wait3A_143] : memref<10000x128xf32, #tpu.memory_space<hbm>> -> memref<64x128xf32, #tpu.memory_space<hbm>>
        %dma_wait3A_145 = arith.constant 0 : i32
        %dma_wait3A_146 = arith.constant 0 : i32
        %dma_wait3A_147 = tpu.memref_slice %arg3[%dma_wait3A_145, %dma_wait3A_146] : memref<10000x128xf32, #tpu.memory_space<hbm>> -> memref<64x128xf32, #tpu.memory_space<hbm>>
        tpu.wait_dma2 semaphore(%arg21 : memref<!tpu.dma_semaphore, #tpu.memory_space<semaphore_mem>>) src(%dma_wait3A_147 : memref<64x128xf32, #tpu.memory_space<hbm>>) dst(%arg17 : memref<64x128xf32, #tpu.memory_space<vmem>>)
        %dma_start3A_148 = arith.constant 1 : i32
        %dma_start3A_149 = arith.constant 0 : i32
        %dma_start3A_150 = tpu.memref_slice %arg15[%dma_start3A_148, %dma_start3A_149] : memref<64x64xi32, #tpu.memory_space<vmem>> -> memref<1x64xi32, #tpu.memory_space<vmem>>
        %dma_start3A_151 = tpu.memref_squeeze %dma_start3A_150 : memref<1x64xi32, #tpu.memory_space<vmem>> -> memref<64xi32, #tpu.memory_space<vmem>>
        %dma_start3A_152 = arith.constant 0 : i32
        %dma_start3A_153 = arith.constant 0 : i32
        %dma_start3A_154 = tpu.memref_slice %arg13[%dma_start3A_152, %dma_start3A_153] : memref<10240x128xf32, #tpu.memory_space<vmem_shared>> -> memref<10240x128xf32, #tpu.memory_space<vmem_shared>>
        tpu.enqueue_indirect_dma source(%arg17 : memref<64x128xf32, #tpu.memory_space<vmem>>) target(%dma_start3A_154 : memref<10240x128xf32, #tpu.memory_space<vmem_shared>>) offsets(%dma_start3A_151 : memref<64xi32, #tpu.memory_space<vmem>>) semaphore(%arg25 : memref<!tpu.dma_semaphore, #tpu.memory_space<semaphore_mem>>) {add = true}
        %dma_start3A_155 = arith.constant 3 : i32
        %dma_start3A_156 = arith.constant 0 : i32
        %dma_start3A_157 = tpu.memref_slice %arg14[%dma_start3A_155, %dma_start3A_156] : memref<64x64xi32, #tpu.memory_space<vmem>> -> memref<1x64xi32, #tpu.memory_space<vmem>>
        %dma_start3A_158 = tpu.memref_squeeze %dma_start3A_157 : memref<1x64xi32, #tpu.memory_space<vmem>> -> memref<64xi32, #tpu.memory_space<vmem>>
        %dma_start3A_159 = arith.constant 0 : i32
        %dma_start3A_160 = arith.constant 0 : i32
        %dma_start3A_161 = tpu.memref_slice %arg3[%dma_start3A_159, %dma_start3A_160] : memref<10000x128xf32, #tpu.memory_space<hbm>> -> memref<10000x128xf32, #tpu.memory_space<hbm>>
        tpu.enqueue_indirect_dma source(%dma_start3A_161 : memref<10000x128xf32, #tpu.memory_space<hbm>>) target(%arg19 : memref<64x128xf32, #tpu.memory_space<vmem>>) offsets(%dma_start3A_158 : memref<64xi32, #tpu.memory_space<vmem>>) semaphore(%arg23 : memref<!tpu.dma_semaphore, #tpu.memory_space<semaphore_mem>>)
        %scan3A_162 = arith.constant 0 : i32
        %scan3A_163 = arith.constant 15 : i32
        %scan3A_164 = arith.addi %scan3A_162, %scan3A_163 : i32
        %scan3A_165 = arith.constant 1 : i32
        scf.for %scan3A_217 = %scan3A_162 to %scan3A_164 step %scan3A_165  : i32 {
          %mul3A_218 = arith.constant 4 : i32
          %mul3A_219 = arith.muli %mul3A_218, %scan3A_217 : i32
          %add3A_220 = arith.constant 2 : i32
          %add3A_221 = arith.addi %add3A_220, %mul3A_219 : i32
          %add3A_222 = arith.constant 0 : i32
          %add3A_223 = arith.addi %add3A_221, %add3A_222 : i32
          %dma_wait3A_224 = arith.constant 0 : i32
          %dma_wait3A_225 = arith.constant 0 : i32
          %dma_wait3A_226 = tpu.memref_slice %arg3[%dma_wait3A_224, %dma_wait3A_225] : memref<10000x128xf32, #tpu.memory_space<hbm>> -> memref<64x128xf32, #tpu.memory_space<hbm>>
          %dma_wait3A_227 = arith.constant 0 : i32
          %dma_wait3A_228 = arith.constant 0 : i32
          %dma_wait3A_229 = tpu.memref_slice %arg3[%dma_wait3A_227, %dma_wait3A_228] : memref<10000x128xf32, #tpu.memory_space<hbm>> -> memref<64x128xf32, #tpu.memory_space<hbm>>
          tpu.wait_dma2 semaphore(%arg22 : memref<!tpu.dma_semaphore, #tpu.memory_space<semaphore_mem>>) src(%dma_wait3A_229 : memref<64x128xf32, #tpu.memory_space<hbm>>) dst(%arg18 : memref<64x128xf32, #tpu.memory_space<vmem>>)
          %dma_start3A_230 = arith.constant 0 : i32
          %dma_start3A_231 = tpu.memref_slice %arg15[%add3A_223, %dma_start3A_230] : memref<64x64xi32, #tpu.memory_space<vmem>> -> memref<1x64xi32, #tpu.memory_space<vmem>>
          %dma_start3A_232 = tpu.memref_squeeze %dma_start3A_231 : memref<1x64xi32, #tpu.memory_space<vmem>> -> memref<64xi32, #tpu.memory_space<vmem>>
          %dma_start3A_233 = arith.constant 0 : i32
          %dma_start3A_234 = arith.constant 0 : i32
          %dma_start3A_235 = tpu.memref_slice %arg13[%dma_start3A_233, %dma_start3A_234] : memref<10240x128xf32, #tpu.memory_space<vmem_shared>> -> memref<10240x128xf32, #tpu.memory_space<vmem_shared>>
          tpu.enqueue_indirect_dma source(%arg18 : memref<64x128xf32, #tpu.memory_space<vmem>>) target(%dma_start3A_235 : memref<10240x128xf32, #tpu.memory_space<vmem_shared>>) offsets(%dma_start3A_232 : memref<64xi32, #tpu.memory_space<vmem>>) semaphore(%arg26 : memref<!tpu.dma_semaphore, #tpu.memory_space<semaphore_mem>>) {add = true}
          %dma_wait3A_236 = arith.constant 0 : i32
          %dma_wait3A_237 = arith.constant 0 : i32
          %dma_wait3A_238 = tpu.memref_slice %arg13[%dma_wait3A_236, %dma_wait3A_237] : memref<10240x128xf32, #tpu.memory_space<vmem_shared>> -> memref<64x128xf32, #tpu.memory_space<vmem_shared>>
          %dma_wait3A_239 = arith.constant 0 : i32
          %dma_wait3A_240 = arith.constant 0 : i32
          %dma_wait3A_241 = tpu.memref_slice %arg13[%dma_wait3A_239, %dma_wait3A_240] : memref<10240x128xf32, #tpu.memory_space<vmem_shared>> -> memref<64x128xf32, #tpu.memory_space<vmem_shared>>
          tpu.wait_dma2 semaphore(%arg24 : memref<!tpu.dma_semaphore, #tpu.memory_space<semaphore_mem>>) src(%arg16 : memref<64x128xf32, #tpu.memory_space<vmem>>) dst(%dma_wait3A_241 : memref<64x128xf32, #tpu.memory_space<vmem_shared>>)
          %add3A_242 = arith.constant 2 : i32
          %add3A_243 = arith.addi %add3A_223, %add3A_242 : i32
          %dma_start3A_244 = arith.constant 0 : i32
          %dma_start3A_245 = tpu.memref_slice %arg14[%add3A_243, %dma_start3A_244] : memref<64x64xi32, #tpu.memory_space<vmem>> -> memref<1x64xi32, #tpu.memory_space<vmem>>
          %dma_start3A_246 = tpu.memref_squeeze %dma_start3A_245 : memref<1x64xi32, #tpu.memory_space<vmem>> -> memref<64xi32, #tpu.memory_space<vmem>>
          %dma_start3A_247 = arith.constant 0 : i32
          %dma_start3A_248 = arith.constant 0 : i32
          %dma_start3A_249 = tpu.memref_slice %arg3[%dma_start3A_247, %dma_start3A_248] : memref<10000x128xf32, #tpu.memory_space<hbm>> -> memref<10000x128xf32, #tpu.memory_space<hbm>>
          tpu.enqueue_indirect_dma source(%dma_start3A_249 : memref<10000x128xf32, #tpu.memory_space<hbm>>) target(%arg16 : memref<64x128xf32, #tpu.memory_space<vmem>>) offsets(%dma_start3A_246 : memref<64xi32, #tpu.memory_space<vmem>>) semaphore(%arg20 : memref<!tpu.dma_semaphore, #tpu.memory_space<semaphore_mem>>)
          %add3A_250 = arith.constant 1 : i32
          %add3A_251 = arith.addi %add3A_221, %add3A_250 : i32
          %dma_wait3A_252 = arith.constant 0 : i32
          %dma_wait3A_253 = arith.constant 0 : i32
          %dma_wait3A_254 = tpu.memref_slice %arg3[%dma_wait3A_252, %dma_wait3A_253] : memref<10000x128xf32, #tpu.memory_space<hbm>> -> memref<64x128xf32, #tpu.memory_space<hbm>>
          %dma_wait3A_255 = arith.constant 0 : i32
          %dma_wait3A_256 = arith.constant 0 : i32
          %dma_wait3A_257 = tpu.memref_slice %arg3[%dma_wait3A_255, %dma_wait3A_256] : memref<10000x128xf32, #tpu.memory_space<hbm>> -> memref<64x128xf32, #tpu.memory_space<hbm>>
          tpu.wait_dma2 semaphore(%arg23 : memref<!tpu.dma_semaphore, #tpu.memory_space<semaphore_mem>>) src(%dma_wait3A_257 : memref<64x128xf32, #tpu.memory_space<hbm>>) dst(%arg19 : memref<64x128xf32, #tpu.memory_space<vmem>>)
          %dma_start3A_258 = arith.constant 0 : i32
          %dma_start3A_259 = tpu.memref_slice %arg15[%add3A_251, %dma_start3A_258] : memref<64x64xi32, #tpu.memory_space<vmem>> -> memref<1x64xi32, #tpu.memory_space<vmem>>
          %dma_start3A_260 = tpu.memref_squeeze %dma_start3A_259 : memref<1x64xi32, #tpu.memory_space<vmem>> -> memref<64xi32, #tpu.memory_space<vmem>>
          %dma_start3A_261 = arith.constant 0 : i32
          %dma_start3A_262 = arith.constant 0 : i32
          %dma_start3A_263 = tpu.memref_slice %arg13[%dma_start3A_261, %dma_start3A_262] : memref<10240x128xf32, #tpu.memory_space<vmem_shared>> -> memref<10240x128xf32, #tpu.memory_space<vmem_shared>>
          tpu.enqueue_indirect_dma source(%arg19 : memref<64x128xf32, #tpu.memory_space<vmem>>) target(%dma_start3A_263 : memref<10240x128xf32, #tpu.memory_space<vmem_shared>>) offsets(%dma_start3A_260 : memref<64xi32, #tpu.memory_space<vmem>>) semaphore(%arg27 : memref<!tpu.dma_semaphore, #tpu.memory_space<semaphore_mem>>) {add = true}
          %dma_wait3A_264 = arith.constant 0 : i32
          %dma_wait3A_265 = arith.constant 0 : i32
          %dma_wait3A_266 = tpu.memref_slice %arg13[%dma_wait3A_264, %dma_wait3A_265] : memref<10240x128xf32, #tpu.memory_space<vmem_shared>> -> memref<64x128xf32, #tpu.memory_space<vmem_shared>>
          %dma_wait3A_267 = arith.constant 0 : i32
          %dma_wait3A_268 = arith.constant 0 : i32
          %dma_wait3A_269 = tpu.memref_slice %arg13[%dma_wait3A_267, %dma_wait3A_268] : memref<10240x128xf32, #tpu.memory_space<vmem_shared>> -> memref<64x128xf32, #tpu.memory_space<vmem_shared>>
          tpu.wait_dma2 semaphore(%arg25 : memref<!tpu.dma_semaphore, #tpu.memory_space<semaphore_mem>>) src(%arg17 : memref<64x128xf32, #tpu.memory_space<vmem>>) dst(%dma_wait3A_269 : memref<64x128xf32, #tpu.memory_space<vmem_shared>>)
          %add3A_270 = arith.constant 2 : i32
          %add3A_271 = arith.addi %add3A_251, %add3A_270 : i32
          %dma_start3A_272 = arith.constant 0 : i32
          %dma_start3A_273 = tpu.memref_slice %arg14[%add3A_271, %dma_start3A_272] : memref<64x64xi32, #tpu.memory_space<vmem>> -> memref<1x64xi32, #tpu.memory_space<vmem>>
          %dma_start3A_274 = tpu.memref_squeeze %dma_start3A_273 : memref<1x64xi32, #tpu.memory_space<vmem>> -> memref<64xi32, #tpu.memory_space<vmem>>
          %dma_start3A_275 = arith.constant 0 : i32
          %dma_start3A_276 = arith.constant 0 : i32
          %dma_start3A_277 = tpu.memref_slice %arg3[%dma_start3A_275, %dma_start3A_276] : memref<10000x128xf32, #tpu.memory_space<hbm>> -> memref<10000x128xf32, #tpu.memory_space<hbm>>
          tpu.enqueue_indirect_dma source(%dma_start3A_277 : memref<10000x128xf32, #tpu.memory_space<hbm>>) target(%arg17 : memref<64x128xf32, #tpu.memory_space<vmem>>) offsets(%dma_start3A_274 : memref<64xi32, #tpu.memory_space<vmem>>) semaphore(%arg21 : memref<!tpu.dma_semaphore, #tpu.memory_space<semaphore_mem>>)
          %add3A_278 = arith.constant 2 : i32
          %add3A_279 = arith.addi %add3A_221, %add3A_278 : i32
          %dma_wait3A_280 = arith.constant 0 : i32
          %dma_wait3A_281 = arith.constant 0 : i32
          %dma_wait3A_282 = tpu.memref_slice %arg3[%dma_wait3A_280, %dma_wait3A_281] : memref<10000x128xf32, #tpu.memory_space<hbm>> -> memref<64x128xf32, #tpu.memory_space<hbm>>
          %dma_wait3A_283 = arith.constant 0 : i32
          %dma_wait3A_284 = arith.constant 0 : i32
          %dma_wait3A_285 = tpu.memref_slice %arg3[%dma_wait3A_283, %dma_wait3A_284] : memref<10000x128xf32, #tpu.memory_space<hbm>> -> memref<64x128xf32, #tpu.memory_space<hbm>>
          tpu.wait_dma2 semaphore(%arg20 : memref<!tpu.dma_semaphore, #tpu.memory_space<semaphore_mem>>) src(%dma_wait3A_285 : memref<64x128xf32, #tpu.memory_space<hbm>>) dst(%arg16 : memref<64x128xf32, #tpu.memory_space<vmem>>)
          %dma_start3A_286 = arith.constant 0 : i32
          %dma_start3A_287 = tpu.memref_slice %arg15[%add3A_279, %dma_start3A_286] : memref<64x64xi32, #tpu.memory_space<vmem>> -> memref<1x64xi32, #tpu.memory_space<vmem>>
          %dma_start3A_288 = tpu.memref_squeeze %dma_start3A_287 : memref<1x64xi32, #tpu.memory_space<vmem>> -> memref<64xi32, #tpu.memory_space<vmem>>
          %dma_start3A_289 = arith.constant 0 : i32
          %dma_start3A_290 = arith.constant 0 : i32
          %dma_start3A_291 = tpu.memref_slice %arg13[%dma_start3A_289, %dma_start3A_290] : memref<10240x128xf32, #tpu.memory_space<vmem_shared>> -> memref<10240x128xf32, #tpu.memory_space<vmem_shared>>
          tpu.enqueue_indirect_dma source(%arg16 : memref<64x128xf32, #tpu.memory_space<vmem>>) target(%dma_start3A_291 : memref<10240x128xf32, #tpu.memory_space<vmem_shared>>) offsets(%dma_start3A_288 : memref<64xi32, #tpu.memory_space<vmem>>) semaphore(%arg24 : memref<!tpu.dma_semaphore, #tpu.memory_space<semaphore_mem>>) {add = true}
          %dma_wait3A_292 = arith.constant 0 : i32
          %dma_wait3A_293 = arith.constant 0 : i32
          %dma_wait3A_294 = tpu.memref_slice %arg13[%dma_wait3A_292, %dma_wait3A_293] : memref<10240x128xf32, #tpu.memory_space<vmem_shared>> -> memref<64x128xf32, #tpu.memory_space<vmem_shared>>
          %dma_wait3A_295 = arith.constant 0 : i32
          %dma_wait3A_296 = arith.constant 0 : i32
          %dma_wait3A_297 = tpu.memref_slice %arg13[%dma_wait3A_295, %dma_wait3A_296] : memref<10240x128xf32, #tpu.memory_space<vmem_shared>> -> memref<64x128xf32, #tpu.memory_space<vmem_shared>>
          tpu.wait_dma2 semaphore(%arg26 : memref<!tpu.dma_semaphore, #tpu.memory_space<semaphore_mem>>) src(%arg18 : memref<64x128xf32, #tpu.memory_space<vmem>>) dst(%dma_wait3A_297 : memref<64x128xf32, #tpu.memory_space<vmem_shared>>)
          %add3A_298 = arith.constant 2 : i32
          %add3A_299 = arith.addi %add3A_279, %add3A_298 : i32
          %dma_start3A_300 = arith.constant 0 : i32
          %dma_start3A_301 = tpu.memref_slice %arg14[%add3A_299, %dma_start3A_300] : memref<64x64xi32, #tpu.memory_space<vmem>> -> memref<1x64xi32, #tpu.memory_space<vmem>>
          %dma_start3A_302 = tpu.memref_squeeze %dma_start3A_301 : memref<1x64xi32, #tpu.memory_space<vmem>> -> memref<64xi32, #tpu.memory_space<vmem>>
          %dma_start3A_303 = arith.constant 0 : i32
          %dma_start3A_304 = arith.constant 0 : i32
          %dma_start3A_305 = tpu.memref_slice %arg3[%dma_start3A_303, %dma_start3A_304] : memref<10000x128xf32, #tpu.memory_space<hbm>> -> memref<10000x128xf32, #tpu.memory_space<hbm>>
          tpu.enqueue_indirect_dma source(%dma_start3A_305 : memref<10000x128xf32, #tpu.memory_space<hbm>>) target(%arg18 : memref<64x128xf32, #tpu.memory_space<vmem>>) offsets(%dma_start3A_302 : memref<64xi32, #tpu.memory_space<vmem>>) semaphore(%arg22 : memref<!tpu.dma_semaphore, #tpu.memory_space<semaphore_mem>>)
          %add3A_306 = arith.constant 3 : i32
          %add3A_307 = arith.addi %add3A_221, %add3A_306 : i32
          %dma_wait3A_308 = arith.constant 0 : i32
          %dma_wait3A_309 = arith.constant 0 : i32
          %dma_wait3A_310 = tpu.memref_slice %arg3[%dma_wait3A_308, %dma_wait3A_309] : memref<10000x128xf32, #tpu.memory_space<hbm>> -> memref<64x128xf32, #tpu.memory_space<hbm>>
          %dma_wait3A_311 = arith.constant 0 : i32
          %dma_wait3A_312 = arith.constant 0 : i32
          %dma_wait3A_313 = tpu.memref_slice %arg3[%dma_wait3A_311, %dma_wait3A_312] : memref<10000x128xf32, #tpu.memory_space<hbm>> -> memref<64x128xf32, #tpu.memory_space<hbm>>
          tpu.wait_dma2 semaphore(%arg21 : memref<!tpu.dma_semaphore, #tpu.memory_space<semaphore_mem>>) src(%dma_wait3A_313 : memref<64x128xf32, #tpu.memory_space<hbm>>) dst(%arg17 : memref<64x128xf32, #tpu.memory_space<vmem>>)
          %dma_start3A_314 = arith.constant 0 : i32
          %dma_start3A_315 = tpu.memref_slice %arg15[%add3A_307, %dma_start3A_314] : memref<64x64xi32, #tpu.memory_space<vmem>> -> memref<1x64xi32, #tpu.memory_space<vmem>>
          %dma_start3A_316 = tpu.memref_squeeze %dma_start3A_315 : memref<1x64xi32, #tpu.memory_space<vmem>> -> memref<64xi32, #tpu.memory_space<vmem>>
          %dma_start3A_317 = arith.constant 0 : i32
          %dma_start3A_318 = arith.constant 0 : i32
          %dma_start3A_319 = tpu.memref_slice %arg13[%dma_start3A_317, %dma_start3A_318] : memref<10240x128xf32, #tpu.memory_space<vmem_shared>> -> memref<10240x128xf32, #tpu.memory_space<vmem_shared>>
          tpu.enqueue_indirect_dma source(%arg17 : memref<64x128xf32, #tpu.memory_space<vmem>>) target(%dma_start3A_319 : memref<10240x128xf32, #tpu.memory_space<vmem_shared>>) offsets(%dma_start3A_316 : memref<64xi32, #tpu.memory_space<vmem>>) semaphore(%arg25 : memref<!tpu.dma_semaphore, #tpu.memory_space<semaphore_mem>>) {add = true}
          %dma_wait3A_320 = arith.constant 0 : i32
          %dma_wait3A_321 = arith.constant 0 : i32
          %dma_wait3A_322 = tpu.memref_slice %arg13[%dma_wait3A_320, %dma_wait3A_321] : memref<10240x128xf32, #tpu.memory_space<vmem_shared>> -> memref<64x128xf32, #tpu.memory_space<vmem_shared>>
          %dma_wait3A_323 = arith.constant 0 : i32
          %dma_wait3A_324 = arith.constant 0 : i32
          %dma_wait3A_325 = tpu.memref_slice %arg13[%dma_wait3A_323, %dma_wait3A_324] : memref<10240x128xf32, #tpu.memory_space<vmem_shared>> -> memref<64x128xf32, #tpu.memory_space<vmem_shared>>
          tpu.wait_dma2 semaphore(%arg27 : memref<!tpu.dma_semaphore, #tpu.memory_space<semaphore_mem>>) src(%arg19 : memref<64x128xf32, #tpu.memory_space<vmem>>) dst(%dma_wait3A_325 : memref<64x128xf32, #tpu.memory_space<vmem_shared>>)
          %add3A_326 = arith.constant 2 : i32
          %add3A_327 = arith.addi %add3A_307, %add3A_326 : i32
          %dma_start3A_328 = arith.constant 0 : i32
          %dma_start3A_329 = tpu.memref_slice %arg14[%add3A_327, %dma_start3A_328] : memref<64x64xi32, #tpu.memory_space<vmem>> -> memref<1x64xi32, #tpu.memory_space<vmem>>
          %dma_start3A_330 = tpu.memref_squeeze %dma_start3A_329 : memref<1x64xi32, #tpu.memory_space<vmem>> -> memref<64xi32, #tpu.memory_space<vmem>>
          %dma_start3A_331 = arith.constant 0 : i32
          %dma_start3A_332 = arith.constant 0 : i32
          %dma_start3A_333 = tpu.memref_slice %arg3[%dma_start3A_331, %dma_start3A_332] : memref<10000x128xf32, #tpu.memory_space<hbm>> -> memref<10000x128xf32, #tpu.memory_space<hbm>>
          tpu.enqueue_indirect_dma source(%dma_start3A_333 : memref<10000x128xf32, #tpu.memory_space<hbm>>) target(%arg19 : memref<64x128xf32, #tpu.memory_space<vmem>>) offsets(%dma_start3A_330 : memref<64xi32, #tpu.memory_space<vmem>>) semaphore(%arg23 : memref<!tpu.dma_semaphore, #tpu.memory_space<semaphore_mem>>)
        }
        %scan3A_166 = arith.constant 15 : i32
        %dma_wait3A_167 = arith.constant 0 : i32
        %dma_wait3A_168 = arith.constant 0 : i32
        %dma_wait3A_169 = tpu.memref_slice %arg3[%dma_wait3A_167, %dma_wait3A_168] : memref<10000x128xf32, #tpu.memory_space<hbm>> -> memref<64x128xf32, #tpu.memory_space<hbm>>
        %dma_wait3A_170 = arith.constant 0 : i32
        %dma_wait3A_171 = arith.constant 0 : i32
        %dma_wait3A_172 = tpu.memref_slice %arg3[%dma_wait3A_170, %dma_wait3A_171] : memref<10000x128xf32, #tpu.memory_space<hbm>> -> memref<64x128xf32, #tpu.memory_space<hbm>>
        tpu.wait_dma2 semaphore(%arg22 : memref<!tpu.dma_semaphore, #tpu.memory_space<semaphore_mem>>) src(%dma_wait3A_172 : memref<64x128xf32, #tpu.memory_space<hbm>>) dst(%arg18 : memref<64x128xf32, #tpu.memory_space<vmem>>)
        %dma_start3A_173 = arith.constant 62 : i32
        %dma_start3A_174 = arith.constant 0 : i32
        %dma_start3A_175 = tpu.memref_slice %arg15[%dma_start3A_173, %dma_start3A_174] : memref<64x64xi32, #tpu.memory_space<vmem>> -> memref<1x64xi32, #tpu.memory_space<vmem>>
        %dma_start3A_176 = tpu.memref_squeeze %dma_start3A_175 : memref<1x64xi32, #tpu.memory_space<vmem>> -> memref<64xi32, #tpu.memory_space<vmem>>
        %dma_start3A_177 = arith.constant 0 : i32
        %dma_start3A_178 = arith.constant 0 : i32
        %dma_start3A_179 = tpu.memref_slice %arg13[%dma_start3A_177, %dma_start3A_178] : memref<10240x128xf32, #tpu.memory_space<vmem_shared>> -> memref<10240x128xf32, #tpu.memory_space<vmem_shared>>
        tpu.enqueue_indirect_dma source(%arg18 : memref<64x128xf32, #tpu.memory_space<vmem>>) target(%dma_start3A_179 : memref<10240x128xf32, #tpu.memory_space<vmem_shared>>) offsets(%dma_start3A_176 : memref<64xi32, #tpu.memory_space<vmem>>) semaphore(%arg26 : memref<!tpu.dma_semaphore, #tpu.memory_space<semaphore_mem>>) {add = true}
        %dma_wait3A_180 = arith.constant 0 : i32
        %dma_wait3A_181 = arith.constant 0 : i32
        %dma_wait3A_182 = tpu.memref_slice %arg13[%dma_wait3A_180, %dma_wait3A_181] : memref<10240x128xf32, #tpu.memory_space<vmem_shared>> -> memref<64x128xf32, #tpu.memory_space<vmem_shared>>
        %dma_wait3A_183 = arith.constant 0 : i32
        %dma_wait3A_184 = arith.constant 0 : i32
        %dma_wait3A_185 = tpu.memref_slice %arg13[%dma_wait3A_183, %dma_wait3A_184] : memref<10240x128xf32, #tpu.memory_space<vmem_shared>> -> memref<64x128xf32, #tpu.memory_space<vmem_shared>>
        tpu.wait_dma2 semaphore(%arg24 : memref<!tpu.dma_semaphore, #tpu.memory_space<semaphore_mem>>) src(%arg16 : memref<64x128xf32, #tpu.memory_space<vmem>>) dst(%dma_wait3A_185 : memref<64x128xf32, #tpu.memory_space<vmem_shared>>)
        %dma_wait3A_186 = arith.constant 0 : i32
        %dma_wait3A_187 = arith.constant 0 : i32
        %dma_wait3A_188 = tpu.memref_slice %arg3[%dma_wait3A_186, %dma_wait3A_187] : memref<10000x128xf32, #tpu.memory_space<hbm>> -> memref<64x128xf32, #tpu.memory_space<hbm>>
        %dma_wait3A_189 = arith.constant 0 : i32
        %dma_wait3A_190 = arith.constant 0 : i32
        %dma_wait3A_191 = tpu.memref_slice %arg3[%dma_wait3A_189, %dma_wait3A_190] : memref<10000x128xf32, #tpu.memory_space<hbm>> -> memref<64x128xf32, #tpu.memory_space<hbm>>
        tpu.wait_dma2 semaphore(%arg23 : memref<!tpu.dma_semaphore, #tpu.memory_space<semaphore_mem>>) src(%dma_wait3A_191 : memref<64x128xf32, #tpu.memory_space<hbm>>) dst(%arg19 : memref<64x128xf32, #tpu.memory_space<vmem>>)
        %dma_start3A_192 = arith.constant 63 : i32
        %dma_start3A_193 = arith.constant 0 : i32
        %dma_start3A_194 = tpu.memref_slice %arg15[%dma_start3A_192, %dma_start3A_193] : memref<64x64xi32, #tpu.memory_space<vmem>> -> memref<1x64xi32, #tpu.memory_space<vmem>>
        %dma_start3A_195 = tpu.memref_squeeze %dma_start3A_194 : memref<1x64xi32, #tpu.memory_space<vmem>> -> memref<64xi32, #tpu.memory_space<vmem>>
        %dma_start3A_196 = arith.constant 0 : i32
        %dma_start3A_197 = arith.constant 0 : i32
        %dma_start3A_198 = tpu.memref_slice %arg13[%dma_start3A_196, %dma_start3A_197] : memref<10240x128xf32, #tpu.memory_space<vmem_shared>> -> memref<10240x128xf32, #tpu.memory_space<vmem_shared>>
        tpu.enqueue_indirect_dma source(%arg19 : memref<64x128xf32, #tpu.memory_space<vmem>>) target(%dma_start3A_198 : memref<10240x128xf32, #tpu.memory_space<vmem_shared>>) offsets(%dma_start3A_195 : memref<64xi32, #tpu.memory_space<vmem>>) semaphore(%arg27 : memref<!tpu.dma_semaphore, #tpu.memory_space<semaphore_mem>>) {add = true}
        %dma_wait3A_199 = arith.constant 0 : i32
        %dma_wait3A_200 = arith.constant 0 : i32
        %dma_wait3A_201 = tpu.memref_slice %arg13[%dma_wait3A_199, %dma_wait3A_200] : memref<10240x128xf32, #tpu.memory_space<vmem_shared>> -> memref<64x128xf32, #tpu.memory_space<vmem_shared>>
        %dma_wait3A_202 = arith.constant 0 : i32
        %dma_wait3A_203 = arith.constant 0 : i32
        %dma_wait3A_204 = tpu.memref_slice %arg13[%dma_wait3A_202, %dma_wait3A_203] : memref<10240x128xf32, #tpu.memory_space<vmem_shared>> -> memref<64x128xf32, #tpu.memory_space<vmem_shared>>
        tpu.wait_dma2 semaphore(%arg25 : memref<!tpu.dma_semaphore, #tpu.memory_space<semaphore_mem>>) src(%arg17 : memref<64x128xf32, #tpu.memory_space<vmem>>) dst(%dma_wait3A_204 : memref<64x128xf32, #tpu.memory_space<vmem_shared>>)
        %dma_wait3A_205 = arith.constant 0 : i32
        %dma_wait3A_206 = arith.constant 0 : i32
        %dma_wait3A_207 = tpu.memref_slice %arg13[%dma_wait3A_205, %dma_wait3A_206] : memref<10240x128xf32, #tpu.memory_space<vmem_shared>> -> memref<64x128xf32, #tpu.memory_space<vmem_shared>>
        %dma_wait3A_208 = arith.constant 0 : i32
        %dma_wait3A_209 = arith.constant 0 : i32
        %dma_wait3A_210 = tpu.memref_slice %arg13[%dma_wait3A_208, %dma_wait3A_209] : memref<10240x128xf32, #tpu.memory_space<vmem_shared>> -> memref<64x128xf32, #tpu.memory_space<vmem_shared>>
        tpu.wait_dma2 semaphore(%arg26 : memref<!tpu.dma_semaphore, #tpu.memory_space<semaphore_mem>>) src(%arg18 : memref<64x128xf32, #tpu.memory_space<vmem>>) dst(%dma_wait3A_210 : memref<64x128xf32, #tpu.memory_space<vmem_shared>>)
        %dma_wait3A_211 = arith.constant 0 : i32
        %dma_wait3A_212 = arith.constant 0 : i32
        %dma_wait3A_213 = tpu.memref_slice %arg13[%dma_wait3A_211, %dma_wait3A_212] : memref<10240x128xf32, #tpu.memory_space<vmem_shared>> -> memref<64x128xf32, #tpu.memory_space<vmem_shared>>
        %dma_wait3A_214 = arith.constant 0 : i32
        %dma_wait3A_215 = arith.constant 0 : i32
        %dma_wait3A_216 = tpu.memref_slice %arg13[%dma_wait3A_214, %dma_wait3A_215] : memref<10240x128xf32, #tpu.memory_space<vmem_shared>> -> memref<64x128xf32, #tpu.memory_space<vmem_shared>>
        tpu.wait_dma2 semaphore(%arg27 : memref<!tpu.dma_semaphore, #tpu.memory_space<semaphore_mem>>) src(%arg19 : memref<64x128xf32, #tpu.memory_space<vmem>>) dst(%dma_wait3A_216 : memref<64x128xf32, #tpu.memory_space<vmem_shared>>)
      }
      %scan3A_102 = arith.constant 5 : i32
      %barrier3A_103 = arith.constant 0 : index
      tpu.barrier barrier_id(%barrier3A_103)
      %mul3A_104 = arith.constant 640 : i32
      %mul3A_105 = arith.muli %arg1, %mul3A_104 : i32
      %mul3A_106 = arith.constant 640 : i32
      %mul3A_107 = arith.muli %arg1, %mul3A_106 : i32
      "tpu.region"() ({
        %run_scoped3A = tpu.sem_alloc : memref<!tpu.dma_semaphore, #tpu.memory_space<semaphore_mem>>
        %dma_start3A = arith.constant 0 : i32
        %dma_start3A_109 = tpu.memref_slice %arg12[%mul3A_107, %dma_start3A] : memref<10240x128xf32, #tpu.memory_space<hbm>> -> memref<640x128xf32, #tpu.memory_space<hbm>>
        %dma_start3A_110 = arith.constant 0 : i32
        %dma_start3A_111 = tpu.memref_slice %arg13[%mul3A_105, %dma_start3A_110] : memref<10240x128xf32, #tpu.memory_space<vmem_shared>> -> memref<640x128xf32, #tpu.memory_space<vmem_shared>>
        tpu.enqueue_dma source(%dma_start3A_111 : memref<640x128xf32, #tpu.memory_space<vmem_shared>>) target(%dma_start3A_109 : memref<640x128xf32, #tpu.memory_space<hbm>>) target_semaphore(%run_scoped3A : memref<!tpu.dma_semaphore, #tpu.memory_space<semaphore_mem>>)
        %dma_wait3A = arith.constant 0 : i32
        %dma_wait3A_112 = tpu.memref_slice %arg12[%mul3A_107, %dma_wait3A] : memref<10240x128xf32, #tpu.memory_space<hbm>> -> memref<640x128xf32, #tpu.memory_space<hbm>>
        %dma_wait3A_113 = arith.constant 0 : i32
        %dma_wait3A_114 = tpu.memref_slice %arg13[%mul3A_105, %dma_wait3A_113] : memref<10240x128xf32, #tpu.memory_space<vmem_shared>> -> memref<640x128xf32, #tpu.memory_space<vmem_shared>>
        tpu.wait_dma2 semaphore(%run_scoped3A : memref<!tpu.dma_semaphore, #tpu.memory_space<semaphore_mem>>) src(%dma_wait3A_114 : memref<640x128xf32, #tpu.memory_space<vmem_shared>>) dst(%dma_wait3A_112 : memref<640x128xf32, #tpu.memory_space<hbm>>)
        tpu.yield
      }) : () -> ()
      %barrier3A_108 = arith.constant 0 : index
      tpu.barrier barrier_id(%barrier3A_108)
    } else {
    }
    return
  }
}

module attributes {stable_mosaic.version = 14 : i64} {
  func.func @_tc_body(%arg0: i32, %arg1: memref<1000x128xf32, #tpu.memory_space<vmem>>, %arg2: memref<1000x128xf32, #tpu.memory_space<vmem>>, %arg3: memref<1000x128xf32, #tpu.memory_space<vmem>>, %arg4: memref<1000x128xf32, #tpu.memory_space<vmem>>, %arg5: memref<128x128xf32, #tpu.memory_space<vmem>>, %arg6: memref<128x128xf32, #tpu.memory_space<vmem>>, %arg7: memref<1x128xf32, #tpu.memory_space<vmem>>, %arg8: memref<1x128xf32, #tpu.memory_space<vmem>>, %arg9: memref<1000x128xf32, #tpu.memory_space<vmem>>, %arg10: memref<1000x128xf32, #tpu.memory_space<vmem>>, %arg11: memref<1x128xf32, #tpu.memory_space<vmem>>, %arg12: memref<1x128xf32, #tpu.memory_space<vmem>>, %arg13: memref<1000x128xf32, #tpu.memory_space<vmem>>, %arg14: memref<1000x128xf32, #tpu.memory_space<vmem>>, %arg15: memref<1x128xf32, #tpu.memory_space<vmem>>, %arg16: memref<1x128xf32, #tpu.memory_space<vmem>>) attributes {dimension_semantics = [#tpu.dimension_semantics<arbitrary>], iteration_bounds = array<i64: 10>, scalar_prefetch = 0 : i64, scratch_operands = 2 : i64, tpu.core_type = #tpu.core_type<tc>, window_params = [{transform_indices = @transform_0, window_bounds = array<i64: 1000, 128>}, {transform_indices = @transform_1, window_bounds = array<i64: 1000, 128>}, {transform_indices = @transform_2, window_bounds = array<i64: 1000, 128>}, {transform_indices = @transform_3, window_bounds = array<i64: 1000, 128>}, {pipeline_mode = #tpu.pipeline_mode<synchronous>, transform_indices = @transform_4, window_bounds = array<i64: 128, 128>}, {pipeline_mode = #tpu.pipeline_mode<synchronous>, transform_indices = @transform_5, window_bounds = array<i64: 128, 128>}, {pipeline_mode = #tpu.pipeline_mode<synchronous>, transform_indices = @transform_6, window_bounds = array<i64: 1, 128>}, {pipeline_mode = #tpu.pipeline_mode<synchronous>, transform_indices = @transform_7, window_bounds = array<i64: 1, 128>}, {transform_indices = @transform_8, window_bounds = array<i64: 1000, 128>}, {transform_indices = @transform_9, window_bounds = array<i64: 1000, 128>}, {pipeline_mode = #tpu.pipeline_mode<synchronous>, transform_indices = @transform_10, window_bounds = array<i64: 1, 128>}, {pipeline_mode = #tpu.pipeline_mode<synchronous>, transform_indices = @transform_11, window_bounds = array<i64: 1, 128>}, {transform_indices = @transform_12, window_bounds = array<i64: 1000, 128>}, {transform_indices = @transform_13, window_bounds = array<i64: 1000, 128>}]} {
    %get3A = arith.constant 0 : index
    %get3A_0 = arith.constant 0 : index
    %get3A_1 = vector.load %arg1[%get3A, %get3A_0] : memref<1000x128xf32, #tpu.memory_space<vmem>>, vector<1000x128xf32>
    %get3A_2 = arith.constant 0 : index
    %get3A_3 = arith.constant 0 : index
    %get3A_4 = vector.load %arg5[%get3A_2, %get3A_3] : memref<128x128xf32, #tpu.memory_space<vmem>>, vector<128x128xf32>
    %dot_general3A = arith.constant dense<0.000000e+00> : vector<1000x128xf32>
    %dot_general3A_5 = tpu.matmul %get3A_1, %get3A_4, %dot_general3A {dimension_numbers = #tpu.dot_dimension_numbers<[1], [0], [0], [1], [0, 0, 1, 1], [], []>, transpose_lhs_hint = false} : vector<1000x128xf32>, vector<128x128xf32>, vector<1000x128xf32> -> vector<1000x128xf32>
    %get3A_6 = arith.constant 0 : index
    %get3A_7 = arith.constant 0 : index
    %get3A_8 = vector.load %arg7[%get3A_6, %get3A_7] : memref<1x128xf32, #tpu.memory_space<vmem>>, vector<1x128xf32>
    %add3A = vector.broadcast %get3A_8 : vector<1x128xf32> to vector<1000x128xf32>
    %add3A_9 = arith.addf %dot_general3A_5, %add3A : vector<1000x128xf32>
    %get3A_10 = arith.constant 0 : index
    %get3A_11 = arith.constant 0 : index
    %get3A_12 = vector.load %arg2[%get3A_10, %get3A_11] : memref<1000x128xf32, #tpu.memory_space<vmem>>, vector<1000x128xf32>
    %get3A_13 = arith.constant 0 : index
    %get3A_14 = arith.constant 0 : index
    %get3A_15 = vector.load %arg6[%get3A_13, %get3A_14] : memref<128x128xf32, #tpu.memory_space<vmem>>, vector<128x128xf32>
    %dot_general3A_16 = arith.constant dense<0.000000e+00> : vector<1000x128xf32>
    %dot_general3A_17 = tpu.matmul %get3A_12, %get3A_15, %dot_general3A_16 {dimension_numbers = #tpu.dot_dimension_numbers<[1], [0], [0], [1], [0, 0, 1, 1], [], []>, transpose_lhs_hint = false} : vector<1000x128xf32>, vector<128x128xf32>, vector<1000x128xf32> -> vector<1000x128xf32>
    %get3A_18 = arith.constant 0 : index
    %get3A_19 = arith.constant 0 : index
    %get3A_20 = vector.load %arg8[%get3A_18, %get3A_19] : memref<1x128xf32, #tpu.memory_space<vmem>>, vector<1x128xf32>
    %add3A_21 = vector.broadcast %get3A_20 : vector<1x128xf32> to vector<1000x128xf32>
    %add3A_22 = arith.addf %dot_general3A_17, %add3A_21 : vector<1000x128xf32>
    %get3A_23 = arith.constant 0 : index
    %get3A_24 = arith.constant 0 : index
    %get3A_25 = vector.load %arg3[%get3A_23, %get3A_24] : memref<1000x128xf32, #tpu.memory_space<vmem>>, vector<1000x128xf32>
    %get3A_26 = arith.constant 0 : index
    %get3A_27 = arith.constant 0 : index
    %get3A_28 = vector.load %arg5[%get3A_26, %get3A_27] : memref<128x128xf32, #tpu.memory_space<vmem>>, vector<128x128xf32>
    %dot_general3A_29 = arith.constant dense<0.000000e+00> : vector<1000x128xf32>
    %dot_general3A_30 = tpu.matmul %get3A_25, %get3A_28, %dot_general3A_29 {dimension_numbers = #tpu.dot_dimension_numbers<[1], [0], [0], [1], [0, 0, 1, 1], [], []>, transpose_lhs_hint = false} : vector<1000x128xf32>, vector<128x128xf32>, vector<1000x128xf32> -> vector<1000x128xf32>
    %get3A_31 = arith.constant 0 : index
    %get3A_32 = arith.constant 0 : index
    %get3A_33 = vector.load %arg7[%get3A_31, %get3A_32] : memref<1x128xf32, #tpu.memory_space<vmem>>, vector<1x128xf32>
    %add3A_34 = vector.broadcast %get3A_33 : vector<1x128xf32> to vector<1000x128xf32>
    %add3A_35 = arith.addf %dot_general3A_30, %add3A_34 : vector<1000x128xf32>
    %get3A_36 = arith.constant 0 : index
    %get3A_37 = arith.constant 0 : index
    %get3A_38 = vector.load %arg4[%get3A_36, %get3A_37] : memref<1000x128xf32, #tpu.memory_space<vmem>>, vector<1000x128xf32>
    %get3A_39 = arith.constant 0 : index
    %get3A_40 = arith.constant 0 : index
    %get3A_41 = vector.load %arg6[%get3A_39, %get3A_40] : memref<128x128xf32, #tpu.memory_space<vmem>>, vector<128x128xf32>
    %dot_general3A_42 = arith.constant dense<0.000000e+00> : vector<1000x128xf32>
    %dot_general3A_43 = tpu.matmul %get3A_38, %get3A_41, %dot_general3A_42 {dimension_numbers = #tpu.dot_dimension_numbers<[1], [0], [0], [1], [0, 0, 1, 1], [], []>, transpose_lhs_hint = false} : vector<1000x128xf32>, vector<128x128xf32>, vector<1000x128xf32> -> vector<1000x128xf32>
    %get3A_44 = arith.constant 0 : index
    %get3A_45 = arith.constant 0 : index
    %get3A_46 = vector.load %arg8[%get3A_44, %get3A_45] : memref<1x128xf32, #tpu.memory_space<vmem>>, vector<1x128xf32>
    %add3A_47 = vector.broadcast %get3A_46 : vector<1x128xf32> to vector<1000x128xf32>
    %add3A_48 = arith.addf %dot_general3A_43, %add3A_47 : vector<1000x128xf32>
    %swap3A = arith.constant 0 : index
    %swap3A_49 = arith.constant 0 : index
    %swap3A_50 = vector.load %arg9[%swap3A, %swap3A_49] : memref<1000x128xf32, #tpu.memory_space<vmem>>, vector<1000x128xf32>
    tpu.vector_store %arg9[%swap3A, %swap3A_49], %add3A_9 {strides = array<i32>} : memref<1000x128xf32, #tpu.memory_space<vmem>>, vector<1000x128xf32>,
    %swap3A_51 = arith.constant 0 : index
    %swap3A_52 = arith.constant 0 : index
    %swap3A_53 = vector.load %arg10[%swap3A_51, %swap3A_52] : memref<1000x128xf32, #tpu.memory_space<vmem>>, vector<1000x128xf32>
    tpu.vector_store %arg10[%swap3A_51, %swap3A_52], %add3A_22 {strides = array<i32>} : memref<1000x128xf32, #tpu.memory_space<vmem>>, vector<1000x128xf32>,
    %swap3A_54 = arith.constant 0 : index
    %swap3A_55 = arith.constant 0 : index
    %swap3A_56 = vector.load %arg13[%swap3A_54, %swap3A_55] : memref<1000x128xf32, #tpu.memory_space<vmem>>, vector<1000x128xf32>
    tpu.vector_store %arg13[%swap3A_54, %swap3A_55], %add3A_35 {strides = array<i32>} : memref<1000x128xf32, #tpu.memory_space<vmem>>, vector<1000x128xf32>,
    %swap3A_57 = arith.constant 0 : index
    %swap3A_58 = arith.constant 0 : index
    %swap3A_59 = vector.load %arg14[%swap3A_57, %swap3A_58] : memref<1000x128xf32, #tpu.memory_space<vmem>>, vector<1000x128xf32>
    tpu.vector_store %arg14[%swap3A_57, %swap3A_58], %add3A_48 {strides = array<i32>} : memref<1000x128xf32, #tpu.memory_space<vmem>>, vector<1000x128xf32>,
    %reduce_sum3A = arith.constant dense<0.000000e+00> : vector<128xf32>
    %reduce_sum3A_60 = vector.multi_reduction <add>, %add3A_9, %reduce_sum3A [0] : vector<1000x128xf32> to vector<128xf32>
    %broadcast_in_dim3A = vector.shape_cast %reduce_sum3A_60 : vector<128xf32> to vector<1x128xf32>
    %reduce_sum3A_61 = arith.constant dense<0.000000e+00> : vector<128xf32>
    %reduce_sum3A_62 = vector.multi_reduction <add>, %add3A_22, %reduce_sum3A_61 [0] : vector<1000x128xf32> to vector<128xf32>
    %broadcast_in_dim3A_63 = vector.shape_cast %reduce_sum3A_62 : vector<128xf32> to vector<1x128xf32>
    %eq3A = arith.constant 0 : i32
    %eq3A_64 = arith.cmpi eq, %arg0, %eq3A : i32
    %convert_element_type3A = arith.extui %eq3A_64 : i1 to i32
    %cond3A = arith.constant 0 : i32
    %cond3A_65 = arith.cmpi ne, %convert_element_type3A, %cond3A : i32
    scf.if %cond3A_65 {
      %swap3A_75 = arith.constant 0 : index
      %swap3A_76 = arith.constant 0 : index
      %swap3A_77 = vector.load %arg15[%swap3A_75, %swap3A_76] : memref<1x128xf32, #tpu.memory_space<vmem>>, vector<1x128xf32>
      tpu.vector_store %arg15[%swap3A_75, %swap3A_76], %broadcast_in_dim3A {strides = array<i32>} : memref<1x128xf32, #tpu.memory_space<vmem>>, vector<1x128xf32>,
      %swap3A_78 = arith.constant 0 : index
      %swap3A_79 = arith.constant 0 : index
      %swap3A_80 = vector.load %arg16[%swap3A_78, %swap3A_79] : memref<1x128xf32, #tpu.memory_space<vmem>>, vector<1x128xf32>
      tpu.vector_store %arg16[%swap3A_78, %swap3A_79], %broadcast_in_dim3A_63 {strides = array<i32>} : memref<1x128xf32, #tpu.memory_space<vmem>>, vector<1x128xf32>,
    } else {
    }
    %gt3A = arith.constant 0 : i32
    %gt3A_66 = arith.cmpi sgt, %arg0, %gt3A : i32
    %convert_element_type3A_67 = arith.extui %gt3A_66 : i1 to i32
    %cond3A_68 = arith.constant 0 : i32
    %cond3A_69 = arith.cmpi ne, %convert_element_type3A_67, %cond3A_68 : i32
    scf.if %cond3A_69 {
      %get3A_75 = arith.constant 0 : index
      %get3A_76 = arith.constant 0 : index
      %get3A_77 = vector.load %arg15[%get3A_75, %get3A_76] : memref<1x128xf32, #tpu.memory_space<vmem>>, vector<1x128xf32>
      %add3A_78 = arith.addf %get3A_77, %broadcast_in_dim3A : vector<1x128xf32>
      %swap3A_79 = arith.constant 0 : index
      %swap3A_80 = arith.constant 0 : index
      %swap3A_81 = vector.load %arg15[%swap3A_79, %swap3A_80] : memref<1x128xf32, #tpu.memory_space<vmem>>, vector<1x128xf32>
      tpu.vector_store %arg15[%swap3A_79, %swap3A_80], %add3A_78 {strides = array<i32>} : memref<1x128xf32, #tpu.memory_space<vmem>>, vector<1x128xf32>,
      %get3A_82 = arith.constant 0 : index
      %get3A_83 = arith.constant 0 : index
      %get3A_84 = vector.load %arg16[%get3A_82, %get3A_83] : memref<1x128xf32, #tpu.memory_space<vmem>>, vector<1x128xf32>
      %add3A_85 = arith.addf %get3A_84, %broadcast_in_dim3A_63 : vector<1x128xf32>
      %swap3A_86 = arith.constant 0 : index
      %swap3A_87 = arith.constant 0 : index
      %swap3A_88 = vector.load %arg16[%swap3A_86, %swap3A_87] : memref<1x128xf32, #tpu.memory_space<vmem>>, vector<1x128xf32>
      tpu.vector_store %arg16[%swap3A_86, %swap3A_87], %add3A_85 {strides = array<i32>} : memref<1x128xf32, #tpu.memory_space<vmem>>, vector<1x128xf32>,
    } else {
    }
    %eq3A_70 = arith.constant 9 : i32
    %eq3A_71 = arith.cmpi eq, %arg0, %eq3A_70 : i32
    %convert_element_type3A_72 = arith.extui %eq3A_71 : i1 to i32
    %cond3A_73 = arith.constant 0 : i32
    %cond3A_74 = arith.cmpi ne, %convert_element_type3A_72, %cond3A_73 : i32
    scf.if %cond3A_74 {
      %get3A_75 = arith.constant 0 : index
      %get3A_76 = arith.constant 0 : index
      %get3A_77 = vector.load %arg15[%get3A_75, %get3A_76] : memref<1x128xf32, #tpu.memory_space<vmem>>, vector<1x128xf32>
      %div3A = arith.constant 1.000000e+04 : f32
      %div3A_78 = vector.broadcast %div3A : f32 to vector<1x128xf32>
      %div3A_79 = arith.divf %get3A_77, %div3A_78 : vector<1x128xf32>
      %logistic3A = arith.negf %div3A_79 : vector<1x128xf32>
      %logistic3A_80 = math.exp %logistic3A : vector<1x128xf32>
      %logistic3A_81 = arith.constant 1.000000e+00 : f32
      %logistic3A_82 = vector.broadcast %logistic3A_81 : f32 to vector<1x128xf32>
      %logistic3A_83 = arith.addf %logistic3A_82, %logistic3A_80 : vector<1x128xf32>
      %logistic3A_84 = arith.divf %logistic3A_82, %logistic3A_83 : vector<1x128xf32>
      %swap3A_85 = arith.constant 0 : index
      %swap3A_86 = arith.constant 0 : index
      %swap3A_87 = vector.load %arg11[%swap3A_85, %swap3A_86] : memref<1x128xf32, #tpu.memory_space<vmem>>, vector<1x128xf32>
      tpu.vector_store %arg11[%swap3A_85, %swap3A_86], %logistic3A_84 {strides = array<i32>} : memref<1x128xf32, #tpu.memory_space<vmem>>, vector<1x128xf32>,
      %get3A_88 = arith.constant 0 : index
      %get3A_89 = arith.constant 0 : index
      %get3A_90 = vector.load %arg16[%get3A_88, %get3A_89] : memref<1x128xf32, #tpu.memory_space<vmem>>, vector<1x128xf32>
      %div3A_91 = arith.constant 1.000000e+04 : f32
      %div3A_92 = vector.broadcast %div3A_91 : f32 to vector<1x128xf32>
      %div3A_93 = arith.divf %get3A_90, %div3A_92 : vector<1x128xf32>
      %logistic3A_94 = arith.negf %div3A_93 : vector<1x128xf32>
      %logistic3A_95 = math.exp %logistic3A_94 : vector<1x128xf32>
      %logistic3A_96 = arith.constant 1.000000e+00 : f32
      %logistic3A_97 = vector.broadcast %logistic3A_96 : f32 to vector<1x128xf32>
      %logistic3A_98 = arith.addf %logistic3A_97, %logistic3A_95 : vector<1x128xf32>
      %logistic3A_99 = arith.divf %logistic3A_97, %logistic3A_98 : vector<1x128xf32>
      %swap3A_100 = arith.constant 0 : index
      %swap3A_101 = arith.constant 0 : index
      %swap3A_102 = vector.load %arg12[%swap3A_100, %swap3A_101] : memref<1x128xf32, #tpu.memory_space<vmem>>, vector<1x128xf32>
      tpu.vector_store %arg12[%swap3A_100, %swap3A_101], %logistic3A_99 {strides = array<i32>} : memref<1x128xf32, #tpu.memory_space<vmem>>, vector<1x128xf32>,
    } else {
    }
    return
  }
  func.func @transform_0(%arg0: i32) -> (i32, i32) {
    %c0_i32 = arith.constant 0 : i32
    %c0_i32_0 = arith.constant 0 : i32
    return %arg0, %c0_i32 : i32, i32
  }
  func.func @transform_1(%arg0: i32) -> (i32, i32) {
    %c0_i32 = arith.constant 0 : i32
    %c0_i32_0 = arith.constant 0 : i32
    return %arg0, %c0_i32 : i32, i32
  }
  func.func @transform_2(%arg0: i32) -> (i32, i32) {
    %c0_i32 = arith.constant 0 : i32
    %c0_i32_0 = arith.constant 0 : i32
    return %arg0, %c0_i32 : i32, i32
  }
  func.func @transform_3(%arg0: i32) -> (i32, i32) {
    %c0_i32 = arith.constant 0 : i32
    %c0_i32_0 = arith.constant 0 : i32
    return %arg0, %c0_i32 : i32, i32
  }
  func.func @transform_4(%arg0: i32) -> (i32, i32) {
    %c0_i32 = arith.constant 0 : i32
    %c0_i32_0 = arith.constant 0 : i32
    %c0_i32_1 = arith.constant 0 : i32
    return %c0_i32, %c0_i32_0 : i32, i32
  }
  func.func @transform_5(%arg0: i32) -> (i32, i32) {
    %c0_i32 = arith.constant 0 : i32
    %c0_i32_0 = arith.constant 0 : i32
    %c0_i32_1 = arith.constant 0 : i32
    return %c0_i32, %c0_i32_0 : i32, i32
  }
  func.func @transform_6(%arg0: i32) -> (i32, i32) {
    %c0_i32 = arith.constant 0 : i32
    %c0_i32_0 = arith.constant 0 : i32
    %c0_i32_1 = arith.constant 0 : i32
    return %c0_i32, %c0_i32_0 : i32, i32
  }
  func.func @transform_7(%arg0: i32) -> (i32, i32) {
    %c0_i32 = arith.constant 0 : i32
    %c0_i32_0 = arith.constant 0 : i32
    %c0_i32_1 = arith.constant 0 : i32
    return %c0_i32, %c0_i32_0 : i32, i32
  }
  func.func @transform_8(%arg0: i32) -> (i32, i32) {
    %c0_i32 = arith.constant 0 : i32
    %c0_i32_0 = arith.constant 0 : i32
    return %arg0, %c0_i32 : i32, i32
  }
  func.func @transform_9(%arg0: i32) -> (i32, i32) {
    %c0_i32 = arith.constant 0 : i32
    %c0_i32_0 = arith.constant 0 : i32
    return %arg0, %c0_i32 : i32, i32
  }
  func.func @transform_10(%arg0: i32) -> (i32, i32) {
    %c0_i32 = arith.constant 0 : i32
    %c0_i32_0 = arith.constant 0 : i32
    %c0_i32_1 = arith.constant 0 : i32
    return %c0_i32, %c0_i32_0 : i32, i32
  }
  func.func @transform_11(%arg0: i32) -> (i32, i32) {
    %c0_i32 = arith.constant 0 : i32
    %c0_i32_0 = arith.constant 0 : i32
    %c0_i32_1 = arith.constant 0 : i32
    return %c0_i32, %c0_i32_0 : i32, i32
  }
  func.func @transform_12(%arg0: i32) -> (i32, i32) {
    %c0_i32 = arith.constant 0 : i32
    %c0_i32_0 = arith.constant 0 : i32
    return %arg0, %c0_i32 : i32, i32
  }
  func.func @transform_13(%arg0: i32) -> (i32, i32) {
    %c0_i32 = arith.constant 0 : i32
    %c0_i32_0 = arith.constant 0 : i32
    return %arg0, %c0_i32 : i32, i32
  }
}

</mosaic_0001>

<sc_bundles>
// kernel: kernel.4.cloned.1.call-start
scs
__scs_entry_jumppad:
0x0: {  	(pc) =	sbr.rel $0x88, $3  }
0x1: {  	(tag) =	ssettag $0x0;
	lr =	simm.s32 $0x1  }
0x2: {  	[smem:$0x3F99] =	sst lr;
	_ =	strace $0xD0000000  }
0x3: {  	_ = 	snop  }
0x4: {  	_ = 	snop  }
0x5: {  	_ = 	snop  }
0x6: {  	_ = 	snop  }
0x7: {  	_ = 	snop  }
__scs_overlays_trampoline_lowered:
0x8: {  	[smem:$0x3FA8] =	sst s0  }
0x9: {  	[smem:$0x3FA9] =	sst s1  }
0xa: {  	[smem:$0x3FAA] =	sst s2  }
0xb: {  	[smem:$0x3FAB] =	sst s3  }
0xc: {  	[smem:$0x3FAC] =	sst s4  }
0xd: {  	[smem:$0x3FAD] =	sst s5  }
0xe: {  	[smem:$0x3FAE] =	sst s6  }
0xf: {  	[smem:$0x3FAF] =	sst s7  }
0x10: {  	[smem:$0x3FB0] =	sst s8  }
0x11: {  	[smem:$0x3FB1] =	sst s9;
	s0 =	simm.s32 @!p0 $0x0  }
0x12: {  	s1 =	sld [smem:$0x3F97];
	s0 =	simm.s32 @p0 $0x1  }
0x13: {  	[smem:$0x3FB2] =	sst s0;
	s0 =	simm.s32 @!p1 $0x0  }
0x14: {  	s2 =	sld [smem:$0x3F96];
	s0 =	simm.s32 @p1 $0x1  }
0x15: {  	[smem:$0x3FB3] =	sst s0;
	s0 =	simm.s32 @!p2 $0x0  }
0x16: {  	s3 =	sld [smem:$0x3FDB];
	s0 =	simm.s32 @p2 $0x1  }
0x17: {  	s4 =	simm.s32 $0x1BF5;
	[smem:$0x3FB5] =	sst s0  }
0x18: {  	s0 =	sld [smem:$0x3F98];
	_ =	swait.ge [sflag:s4], $0x0  }
0x19: {  	s7 =	sld [smem:$0x3F99]  }
0x1a: {  	s8 =	sadd.s32 $0xFFFFE003, lr  }
0x1b: {  	s9 =	sadd.s32 $0xFFFFFEF7, lr;
	s5 =	simm.s32 $0xFFFFFFFF;
	p2 =	slt.u32 s8, $0xFFFFF086  }
0x1c: {  	p1 =	slt.u32 s9, $0xF7A;
	s5 =	simm.s32 @!p2 $0x0  }
0x1d: {  	s5 =	simm.s32 @p1 $0x1;
	p0 =	seq.s32 s7, s2  }
0x1e: {  	s7 =	smul.u32 @!p0 $0xF7A, s2;
	p2 =	seq.s32 @!p0 s5, $0x0  }
0x1f: {  	s9 =	smul.u32 $0xF7A, s1;
	s8 =	simm.s32 @!p0 $0x1BF5;
	p2 =	por !p2, p0  }
0x20: {  	[sflag:s8] =	ssyncset.s32 @!p0 $0xFFFFF086;
	s6 =	sadd.s32 @!p0 s3, s7;
	s7 =	simm.s32 @!p0 $0x108  }
0x21: {  	s3 =	sadd.s32 s3, s9;
	s6 =	sadd.s32 @!p0 $0x88, s6;
	s7 =	simm.s32 @p2 $0x1082  }
0x22: {  	[simem:s7], [sflag:s8] =	dma.local @!p0 [hbm:s6], $0xF7A  }
0x23: {  	s9 =	sor.u32 $0xD0000000, s2;
	s6 =	simm.s32 $0x108;
	_ =	swait.ge @!p0 [sflag:s8], $0x0  }
0x24: {  	s3 =	sadd.s32 $0x88, s3;
	s6 =	simm.s32 @!p1 $0x1082;
	[sflag:s4] =	ssyncset.s32 $0xFFFFF086  }
0x25: {  	[simem:s6], [sflag:s4] =	dma.local [hbm:s3], $0xF7A  }
0x26: {  	[smem:$0x3F99] =	sst s1;
	(tag) =	ssettag s2;
	_ =	strace s9  }
0x27: {  	s1 =	sld [smem:$0x3FA9]  }
0x28: {  	s2 =	sld [smem:$0x3FAA]  }
0x29: {  	s4 =	sld [smem:$0x3FAC]  }
0x2a: {  	p0 =	seq.s32 s5, $0x0;
	s5 =	sld [smem:$0x3FAD]  }
0x2b: {  	s6 =	sld [smem:$0x3FAE]  }
0x2c: {  	s7 =	sld [smem:$0x3FAF]  }
0x2d: {  	s3 =	simm.s32 $0x108;
	s8 =	sld [smem:$0x3FB0]  }
0x2e: {  	s3 =	simm.s32 @!p0 $0x1082;
	s9 =	sld [smem:$0x3FB1]  }
0x2f: {  	lr =	sadd.s32 s0, s3;
	s0 =	sld [smem:$0x3FA8]  }
0x30: {  	s3 =	sld [smem:$0x3FAB]  }
0x31: {  	[smem:$0x3FB4] =	sst s10  }
0x32: {  	s10 =	sld [smem:$0x3FB2];
	_ =	sdelay $0x3  }
0x33: {  	p0 =	seq.s32 s10, $0x1;
	s10 =	sld [smem:$0x3FB4];
	_ =	sdelay $0x3  }
0x34: {  	[smem:$0x3FB4] =	sst s10  }
0x35: {  	s10 =	sld [smem:$0x3FB3];
	_ =	sdelay $0x3  }
0x36: {  	p1 =	seq.s32 s10, $0x1;
	s10 =	sld [smem:$0x3FB4];
	_ =	sdelay $0x3  }
0x37: {  	[smem:$0x3FB4] =	sst s10  }
0x38: {  	s10 =	sld [smem:$0x3FB5]  }
0x39: {  	_ = 	snop;
	(pc) =	sbr.ind lr, $3  }
0x3a: {  	_ = 	snop  }
0x3b: {  	_ = 	snop  }
0x3c: {  	p2 =	seq.s32 s10, $0x1;
	s10 =	sld [smem:$0x3FB4]  }
0x3d: {  	_ =	shalt  }
0x3e: {  	_ =	shalt  }
0x3f: {  	_ =	shalt  }
0x40: {  	_ =	shalt  }
0x41: {  	_ =	shalt  }
0x42: {  	_ =	shalt  }
0x43: {  	_ =	shalt  }
0x44: {  	_ =	shalt  }
0x45: {  	_ =	shalt  }
0x46: {  	_ =	shalt  }
0x47: {  	_ =	shalt  }
0x48: {  	_ =	shalt  }
0x49: {  	_ =	shalt  }
0x4a: {  	_ =	shalt  }
0x4b: {  	_ =	shalt  }
0x4c: {  	_ =	shalt  }
0x4d: {  	_ =	shalt  }
0x4e: {  	_ =	shalt  }
0x4f: {  	_ =	shalt  }
0x50: {  	_ =	shalt  }
0x51: {  	_ =	shalt  }
0x52: {  	_ =	shalt  }
0x53: {  	_ =	shalt  }
0x54: {  	_ =	shalt  }
0x55: {  	_ =	shalt  }
0x56: {  	_ =	shalt  }
0x57: {  	_ =	shalt  }
0x58: {  	_ =	shalt  }
0x59: {  	_ =	shalt  }
0x5a: {  	_ =	shalt  }
0x5b: {  	_ =	shalt  }
0x5c: {  	_ =	shalt  }
0x5d: {  	_ =	shalt  }
0x5e: {  	_ =	shalt  }
0x5f: {  	_ =	shalt  }
0x60: {  	_ =	shalt  }
0x61: {  	_ =	shalt  }
0x62: {  	_ =	shalt  }
0x63: {  	_ =	shalt  }
0x64: {  	_ =	shalt  }
0x65: {  	_ =	shalt  }
0x66: {  	_ =	shalt  }
0x67: {  	_ =	shalt  }
0x68: {  	_ =	shalt  }
0x69: {  	_ =	shalt  }
0x6a: {  	_ =	shalt  }
0x6b: {  	_ =	shalt  }
0x6c: {  	_ =	shalt  }
0x6d: {  	_ =	shalt  }
0x6e: {  	_ =	shalt  }
0x6f: {  	_ =	shalt  }
0x70: {  	_ =	shalt  }
0x71: {  	_ =	shalt  }
0x72: {  	_ =	shalt  }
0x73: {  	_ =	shalt  }
0x74: {  	_ =	shalt  }
0x75: {  	_ =	shalt  }
0x76: {  	_ =	shalt  }
0x77: {  	_ =	shalt  }
0x78: {  	_ =	shalt  }
0x79: {  	_ =	shalt  }
0x7a: {  	_ =	shalt  }
0x7b: {  	_ =	shalt  }
0x7c: {  	_ =	shalt  }
0x7d: {  	_ =	shalt  }
0x7e: {  	_ =	shalt  }
0x7f: {  	_ =	shalt  }
0x80: {  	_ =	shalt  }
0x81: {  	_ =	shalt  }
0x82: {  	_ =	shalt  }
0x83: {  	_ =	shalt  }
0x84: {  	_ =	shalt  }
0x85: {  	_ =	shalt  }
0x86: {  	_ =	shalt  }
0x87: {  	_ =	shalt  }
.Lfunc_end0:
.L_simem_size_0:
called_computation_lowered:
.L_overlay_start_0:
0x88: {  	s2 =	sld [smem:$0x3FD9]  }
0x89: {  	s3 =	sld [smem:$0x3FFE];
	_ =	sdelay $0x1  }
0x8a: {  	s1 =	srdreg.scid  }
0x8b: {  	s0 =	sand.u32 $0x1, s1  }
0x8c: {  	s14 =	sshll.u32 s0, $0xA;
	s2 =	sadd.s32 s3, s2  }
0x8d: {  	s2 =	sadd.s32 s2, s14  }
0x8e: {  	[smem:$0x3FC0] =	sst s2  }
0x8f: {  	_ = 	snop  }
0x90: {  	s2 =	sld [smem:$0x3FD0];
	_ =	sdelay $0x1  }
0x91: {  	s15 =	sld [smem:$0x3FC9]  }
0x92: {  	s5 =	simm.s32 $0xA;
	s6 =	simm.s32 $0x10;
	s4 =	sld [smem:$0x3FC8]  }
0x93: {  	[smem:s6], [sflag:s5] =	dma.local [hbm:s2], $0x1  }
0x94: {  	_ =	swait.eq [sflag:s5], $0x1  }
0x95: {  	s16 =	sld [smem:$0x10]  }
0x96: {  	s17 =	sld [smem:$0x11];
	[sflag:s5] =	ssyncset.done $0x0  }
0x97: {  	s7 =	sld [smem:$0x14];
	[sflag:s5] =	ssyncadd.s32 $0xFFFFFFFF  }
0x98: {  	s18 =	sld [smem:$0x15];
	(tm) =	ssettm $0x1  }
0x99: {  	s8 =	sld [smem:$0x3FFB];
	_ =	sdelay $0x3  }
0x9a: {  	_ =	strace s8  }
0x9b: {  	s8 =	sld [smem:$0x3FFC];
	_ =	sdelay $0x3  }
0x9c: {  	_ =	strace s8  }
0x9d: {  	s8 =	sld [smem:$0x3FFD];
	_ =	sdelay $0x3  }
0x9e: {  	_ =	strace s8  }
0x9f: {  	_ =	strace $0x8FFFFFFF  }
0xa0: {  	s19 =	sld [smem:$0x3FDB];
	_ =	sdelay $0x1  }
0xa1: {  	s9 =	simm.s32 $_scs_section_size  }
0xa2: {  	s10 =	simm.s32 $_size__tile_overlayer_lowered;
	s11 =	simm.s32 $_tile_overlayer_lowered  }
0xa3: {  	s22 =	simm.s32 $0x1BFF;
	s21 =	sshll.u32 s11, $0x1;
	s8 =	sadd.s32 s9, s19  }
0xa4: {  	s12 =	simm.s32 $0x0;
	s20 =	sshll.u32 s10, $0x1;
	s10 =	sadd.s32 s21, s8  }
0xa5: {  	[timem:s12], [sflag:s22] =	dma.local [hbm:s10], s20  }
0xa6: {  	_ =	swait.ge [sflag:s22], s20  }
0xa7: {  	s9 =	ssub.s32 $0x0, s20;
	[sflag:s22] =	ssyncset.done $0x0  }
0xa8: {  	[sflag:s22] =	ssyncadd.s32 s9;
	_ =	sdelay $0x1  }
0xa9: {  	s23 =	simm.s32 $0x1B8B  }
0xaa: {  	_ =	swait.ge [sflag:s23], $0x1  }
0xab: {  	[sflag:s23] =	ssyncset.done $0x0  }
0xac: {  	s25 =	simm.s32 $0x1B8E;
	s24 =	sld [smem:$0x3FFE];
	[sflag:s23] =	ssyncadd.s32 $0xFFFFFFFF  }
0xad: {  	s26 =	simm.s32 $execute0_lowered;
	[smem:$0x3FD2] =	sst s25  }
0xae: {  	s10 =	sshll.u32 s26, $0x1;
	_ =	strace $0x80000046;
	[dreg:$0x1] =	wrdreg $0xFFFFFFFF  }
0xaf: {  	s28 =	simm.s32 $_size_execute0_lowered;
	s8 =	sadd.s32 s8, s10;
	[dreg:$0x0] =	wrdreg $0x0  }
0xb0: {  	s10 =	sshll.u32 s28, $0x1;
	[dreg:$0x2] =	wrdreg s8  }
0xb1: {  	[dreg:$0x3] =	wrdreg s10  }
0xb2: {  	[dreg:$0x4] =	wrdreg $0xC0  }
0xb3: {  	_ =	task [dreg:s12], $0x5FFFF  }
0xb4: {  	[dreg:$0x1] =	wrdreg $0xFFFFFFFF  }
0xb5: {  	[dreg:$0x0] =	wrdreg $0x60  }
0xb6: {  	[dreg:$0x2] =	wrdreg s15  }
0xb7: {  	[dreg:$0x3] =	wrdreg s4  }
0xb8: {  	[dreg:$0x4] =	wrdreg s18  }
0xb9: {  	[dreg:$0x5] =	wrdreg s7  }
0xba: {  	[dreg:$0x6] =	wrdreg s17  }
0xbb: {  	[dreg:$0x7] =	wrdreg s16  }
0xbc: {  	[dreg:$0x8] =	wrdreg s24  }
0xbd: {  	[dreg:$0x9] =	wrdreg $0x0  }
0xbe: {  	[dreg:$0xa] =	wrdreg $0x9  }
0xbf: {  	_ =	task.clear_ibuf [dreg:s12], $0xBFFFF;
	_ =	strace $0x90000046  }
0xc0: {  	s29 =	simm.s32 $0x9;
	_ =	strace $0x80000048  }
0xc1: {  	_ =	swait.ge [sflag:s29], $0x1  }
0xc2: {  	[sflag:s29] =	ssyncadd.s32 $0xFFFFFFFF  }
0xc3: {  	_ =	strace $0x90000048  }
0xc4: {  	_ =	sfence  }
0xc5: {  	s30 =	sld [smem:$0x0];
	_ =	sdelay $0x2  }
0xc6: {  	s31 =	sshll.u32 s1, $0xD;
	s1 =	sshrl.u32 s1, $0x2  }
0xc7: {  	s3 =	sand.u32 $0x4000, s31;
	s1 =	sadd.s32 s1, s30  }
0xc8: {  	s0 =	sor.u32 s3, s0;
	s1 =	sshll.u32 s1, $0x11  }
0xc9: {  	s0 =	sor.u32 s1, s0  }
0xca: {  	s0 =	sadd.s32 $0x8F2B, s0  }
0xcb: {  	[sflag:s0] =	ssyncadd.remote.s32 $0x1  }
0xcc: {  	_ =	sfence.sel $0xFFFF  }
0xcd: {  	[dreg:$0x0] =	wrdreg $0xFFFFFFFF;
	(pc) =	sbr.abs _section_cstart, $3  }
0xce: {  	[dreg:$0x1] =	wrdreg $0xFFFFFFFF  }
0xcf: {  	_ =	task.clear_ibuf [dreg:s12], $0x2FFFF;
	_ =	strace $0x9FFFFFFF  }
0xd0: {  	(tm) =	ssettm $0x7FFFFFFF  }
0xd1: {  	_ =	shalt  }
tec
execute0_lowered:
.L_overlay_start_1:
0x0: {  	(tag) =	ssettag $0x1  }
0x1: {  	s0 =	rddreg [dreg:$0x0]  }
0x2: {  	s1 =	rddreg [dreg:$0x1]  }
0x3: {  	s25 =	rddreg [dreg:$0x2]  }
0x4: {  	s2 =	rddreg [dreg:$0x6]  }
0x5: {  	s8 =	rddreg [dreg:$0x7];
	s11 =	simm.s32 $0x0;
	s7 =	stileid.u32  }
0x6: {  	s3 =	srdreg.scid;
	s30 =	simm.s32 $0x9;
	s31 =	simm.s32 $0x14000  }
0x7: {  	s28 =	simm.s32 $0x7;
	s9 =	simm.s32 $0x17F00;
	s5 =	smul.u32 $0x2800, s7  }
0x8: {  	[smem:$0x7FF] =	sst s11;
	s4 =	smul.u32 $0x50000, s7;
	s6 =	sadd.s32 $0xA00, s2  }
0x9: {  	s10 =	sadd.s32 $0x28E00, s2;
	_ =	strace $0x80000047;
	[dreg:$0xb] =	wrdreg s6  }
0xa: {  	s3 =	sand.u32 $0x1, s3;
	s23 =	sshll.u32 s7, $0x6;
	[dreg:$0xc] =	wrdreg s10  }
0xb: {  	s29 =	smul.u32 $0xA000, s7;
	s6 =	sor.u32 $0x1C09, s23;
	[dreg:$0xa] =	wrdreg s5  }
0xc: {  	s5 =	sadd.s32 s5, s2;
	s2 =	sadd.s32 $0x78E00, s2;
	[dreg:$0x19] =	wrdreg s6  }
0xd: {  	s7 =	simm.s32 $0x40;
	[dreg:$0xd] =	wrdreg s2;
	s21 =	sadd.s32 $0xE00, s5  }
0xe: {  	s4 =	sshrl.u32 s4, $0x2;
	s22 =	sadd.s32 $0x50E00, s5;
	[dreg:$0x16] =	wrdreg s21  }
0xf: {  	s12 =	ssub.s32 $0x2, s3;
	s4 =	sadd.s32 s4, s8;
	[dreg:$0x17] =	wrdreg s22  }
0x10: {  	p0 =	seq.s32 s3, $0x1;
	s14 =	sadd.s32 $0x2000, s4;
	[dreg:$0xe] =	wrdreg s4  }
0x11: {  	s23 =	simm.s32 $0x1;
	s15 =	sadd.s32 $0x4000, s4;
	[dreg:$0xf] =	wrdreg s14  }
0x12: {  	s10 =	simm.s32 $0x6;
	s16 =	sadd.s32 $0x6000, s4;
	[dreg:$0x10] =	wrdreg s15  }
0x13: {  	s3 =	simm.s32 $0x17F80;
	s17 =	sadd.s32 $0x8000, s4;
	[dreg:$0x11] =	wrdreg s16  }
0x14: {  	s13 =	sshrl.u32 s12, $0x1;
	s18 =	sadd.s32 $0xA000, s4;
	[dreg:$0x12] =	wrdreg s17  }
0x15: {  	s2 =	ssub.s32 s12, s13;
	s19 =	sadd.s32 $0xC000, s4;
	[dreg:$0x13] =	wrdreg s18  }
0x16: {  	s12 =	simm.s32 $0x18000;
	s20 =	sadd.s32 $0xE000, s4;
	[dreg:$0x14] =	wrdreg s19  }
0x17: {  	s13 =	simm.s32 $0x14080;
	s2 =	smax.u32 s2, $0x1;
	[dreg:$0x15] =	wrdreg s20  }
0x18: {  	s24 =	sadd.s32 $0x10000, s4;
	s26 =	sadd.s32 $0x12000, s4;
	[dreg:$0x18] =	wrdreg s2  }
.Ltmp0:
0x19: {  	s22 =	simm.s32 $0x1A000;
	[dreg:$0x1a] =	wrdreg s24;
	(pc) =	sbr.rel .LBB2_1-.Ltmp0, $4  }
0x1a: {  	s21 =	simm.s32 $0x3;
	[dreg:$0x1b] =	wrdreg s26;
	s2 =	simm.s32 $0x16000  }
0x1b: {  	s15 =	simm.s32 $0x14100;
	s16 =	simm.s32 $0x1C000;
	s17 =	simm.s32 $0x2  }
0x1c: {  	s18 =	simm.s32 $0x16080;
	s19 =	simm.s32 $0x14180;
	s20 =	simm.s32 $0x1E000  }
0x1d: {  	s24 =	simm.s32 $0x5;
	s26 =	simm.s32 $0x4;
	s14 =	simm.s32 $0x8  }
.LBB2_18:
0x1e: {  	s5 =	rddreg [dreg:$0xa];
	[bflag:$0x0] =	sbarrier.arrive $0xFFFF  }
0x1f: {  	s6 =	rddreg [dreg:$0x19]  }
0x20: {  	s4 =	sadd.s32 s4, s5;
	s25 =	rddreg [dreg:$0x1c]  }
0x21: {  	[hbm:s4], [sflag:s6] =	dma.local [spmem:s25], $0x2800  }
0x22: {  	_ =	swait.ge [sflag:s30], $0x2800  }
0x23: {  	s11 =	sadd.s32 $0x1, s11;
	s25 =	rddreg [dreg:$0x18]  }
0x24: {  	p1 =	sne.s32 s11, s25  }
.Ltmp1:
0x25: {  	_ = 	snop;
	(pc) =	sbr.rel @!p1 .LBB2_19-.Ltmp1, $4  }
0x26: {  	[sflag:s30] =	ssyncset.done $0x0  }
0x27: {  	[sflag:s30] =	ssyncadd.s32 $0xFFFFD800  }
0x28: {  	[bflag:$0x0] =	sbarrier.arrive $0xFFFF  }
0x29: {  	s25 =	rddreg [dreg:$0x2]  }
.LBB2_1:
0x2a: {  	[dreg:$0x9] =	wrdreg s11  }
0x2b: {  	s4 =	rddreg [dreg:$0xe]  }
0x2c: {  	s5 =	sshrl.u32 s4, $0x3;
	s4 =	rddreg [dreg:$0xb]  }
0x2d: {  	[dreg:$0x1c] =	wrdreg s5  }
0x2e: {  	[spmem:s5], [sflag:s6] =	dma.local [hbm:s4], $0x400  }
0x2f: {  	_ =	swait.ge [sflag:s30], $0x400  }
0x30: {  	s11 =	rddreg [dreg:$0xf]  }
0x31: {  	[sflag:s30] =	ssyncset.done $0x0;
	s5 =	sshrl.u32 s11, $0x3  }
0x32: {  	[sflag:s30] =	ssyncadd.s32 $0xFFFFFC00;
	[smem:$0x7F8] =	sst s5  }
0x33: {  	[spmem:s5], [sflag:s6] =	dma.local [hbm:s4], $0x400  }
0x34: {  	_ =	swait.ge [sflag:s30], $0x400  }
0x35: {  	s11 =	rddreg [dreg:$0x10]  }
0x36: {  	[sflag:s30] =	ssyncset.done $0x0;
	s5 =	sshrl.u32 s11, $0x3  }
0x37: {  	[sflag:s30] =	ssyncadd.s32 $0xFFFFFC00;
	[smem:$0x7F9] =	sst s5  }
0x38: {  	[spmem:s5], [sflag:s6] =	dma.local [hbm:s4], $0x400  }
0x39: {  	_ =	swait.ge [sflag:s30], $0x400  }
0x3a: {  	s11 =	rddreg [dreg:$0x11]  }
0x3b: {  	[sflag:s30] =	ssyncset.done $0x0;
	s5 =	sshrl.u32 s11, $0x3  }
0x3c: {  	[sflag:s30] =	ssyncadd.s32 $0xFFFFFC00;
	[smem:$0x7FA] =	sst s5  }
0x3d: {  	[spmem:s5], [sflag:s6] =	dma.local [hbm:s4], $0x400  }
0x3e: {  	_ =	swait.ge [sflag:s30], $0x400  }
0x3f: {  	s11 =	rddreg [dreg:$0x12]  }
0x40: {  	[sflag:s30] =	ssyncset.done $0x0;
	s5 =	sshrl.u32 s11, $0x3  }
0x41: {  	[sflag:s30] =	ssyncadd.s32 $0xFFFFFC00;
	[smem:$0x7FB] =	sst s5  }
0x42: {  	[spmem:s5], [sflag:s6] =	dma.local [hbm:s4], $0x400  }
0x43: {  	_ =	swait.ge [sflag:s30], $0x400  }
0x44: {  	s11 =	rddreg [dreg:$0x13]  }
0x45: {  	[sflag:s30] =	ssyncset.done $0x0;
	s5 =	sshrl.u32 s11, $0x3  }
0x46: {  	[sflag:s30] =	ssyncadd.s32 $0xFFFFFC00;
	[smem:$0x7FC] =	sst s5  }
0x47: {  	[spmem:s5], [sflag:s6] =	dma.local [hbm:s4], $0x400  }
0x48: {  	_ =	swait.ge [sflag:s30], $0x400  }
0x49: {  	s11 =	rddreg [dreg:$0x14]  }
0x4a: {  	[sflag:s30] =	ssyncset.done $0x0;
	s5 =	sshrl.u32 s11, $0x3  }
0x4b: {  	[sflag:s30] =	ssyncadd.s32 $0xFFFFFC00;
	[smem:$0x7FD] =	sst s5  }
0x4c: {  	[spmem:s5], [sflag:s6] =	dma.local [hbm:s4], $0x400  }
0x4d: {  	_ =	swait.ge [sflag:s30], $0x400  }
0x4e: {  	s11 =	rddreg [dreg:$0x15]  }
0x4f: {  	[sflag:s30] =	ssyncset.done $0x0;
	s5 =	sshrl.u32 s11, $0x3  }
0x50: {  	[sflag:s30] =	ssyncadd.s32 $0xFFFFFC00;
	[dreg:$0x1f] =	wrdreg s5  }
0x51: {  	[spmem:s5], [sflag:s6] =	dma.local [hbm:s4], $0x400  }
0x52: {  	_ =	swait.ge [sflag:s30], $0x400  }
0x53: {  	s11 =	rddreg [dreg:$0x1a]  }
0x54: {  	[sflag:s30] =	ssyncset.done $0x0;
	s5 =	sshrl.u32 s11, $0x3  }
0x55: {  	[sflag:s30] =	ssyncadd.s32 $0xFFFFFC00;
	[dreg:$0x1e] =	wrdreg s5  }
0x56: {  	[spmem:s5], [sflag:s6] =	dma.local [hbm:s4], $0x400  }
0x57: {  	_ =	swait.ge [sflag:s30], $0x400  }
0x58: {  	s11 =	rddreg [dreg:$0x1b]  }
0x59: {  	[sflag:s30] =	ssyncset.done $0x0;
	s5 =	sshrl.u32 s11, $0x3  }
0x5a: {  	[sflag:s30] =	ssyncadd.s32 $0xFFFFFC00;
	[dreg:$0x1d] =	wrdreg s5  }
0x5b: {  	[spmem:s5], [sflag:s6] =	dma.local [hbm:s4], $0x400  }
.Ltmp2:
0x5c: {  	_ =	swait.ge [sflag:s30], $0x400;
	(pc) =	sbr.rel @!p0 .LBB2_2-.Ltmp2, $4  }
0x5d: {  	[sflag:s30] =	ssyncset.done $0x0  }
0x5e: {  	[sflag:s30] =	ssyncadd.s32 $0xFFFFFC00  }
0x5f: {  	[bflag:$0x0] =	sbarrier.arrive $0xFFFF  }
0x60: {  	s4 =	simm.s32 $0x0;
	s5 =	simm.s32 $0x0  }
.LBB2_10:
0x61: {  	s4 =	sshll.u32 s5, $0xD  }
0x62: {  	s4 =	sadd.s32 s29, s4  }
0x63: {  	s4 =	sshrl.u32 s4, $0x3  }
0x64: {  	s11 =	simm.s32 $0x0;
	s6 =	sadd.s32 s25, s4  }
0x65: {  	[tilespmem:s31], [sflag:$0x9] =	stream.linear.gather [hbm4b:s6+s11], $0x2000, $0x38;
	v63 =	vld [tilespmem:$0x0]  }
0x66: {  	_ =	swait.ge [sflag:s30], $0x2000  }
0x67: {  	[sflag:s30] =	ssyncset.done $0x0  }
0x68: {  	[sflag:s30] =	ssyncadd.s32 $0xFFFFE000  }
0x69: {  	s6 =	rddreg [dreg:$0x3]  }
0x6a: {  	s4 =	sadd.s32 s6, s4  }
0x6b: {  	[tilespmem:s2], [sflag:$0x9] =	stream.linear.gather [hbm4b:s4+s11], $0x2000, $0x38;
	v63 =	vld [tilespmem:$0x0]  }
0x6c: {  	_ =	swait.ge [sflag:s30], $0x2000  }
0x6d: {  	[sflag:s30] =	ssyncset.done $0x0  }
0x6e: {  	[sflag:s30] =	ssyncadd.s32 $0xFFFFE000  }
0x6f: {  	[tilespmem:s12], [sflag:$0x1] =	stream.indirect.gather [hbm4b:s1+s7], $0x80, s31, s7, $0xb8;
	v63 =	vld [tilespmem:$0x0]  }
0x70: {  	_ = 	snop  }
0x71: {  	[tilespmem:s22], [sflag:$0x2] =	stream.indirect.gather [hbm4b:s1+s7], $0x80, s13, s7, $0xb8;
	v63 =	vld [tilespmem:$0x0]  }
0x72: {  	_ =	swait.ge [sflag:s23], $0x2000  }
0x73: {  	[sflag:s23] =	ssyncset.done $0x0  }
0x74: {  	[sflag:s23] =	ssyncadd.s32 $0xFFFFE000  }
0x75: {  	[spmem:s8] =	stream.indirect.scatter.add.f32 [tilespmem:s12], [sflag:$0x5], $0x80, s2, s7, $0xb8;
	v63 =	vld [tilespmem:$0x0]  }
0x76: {  	_ = 	snop  }
0x77: {  	[tilespmem:s16], [sflag:$0x3] =	stream.indirect.gather [hbm4b:s1+s7], $0x80, s15, s7, $0xb8;
	v63 =	vld [tilespmem:$0x0]  }
0x78: {  	_ =	swait.ge [sflag:s17], $0x2000  }
0x79: {  	[sflag:s17] =	ssyncset.done $0x0  }
0x7a: {  	[sflag:s17] =	ssyncadd.s32 $0xFFFFE000  }
0x7b: {  	[spmem:s8] =	stream.indirect.scatter.add.f32 [tilespmem:s22], [sflag:$0x6], $0x80, s18, s7, $0xb8;
	v63 =	vld [tilespmem:$0x0]  }
0x7c: {  	_ = 	snop  }
0x7d: {  	[tilespmem:s20], [sflag:$0x4] =	stream.indirect.gather [hbm4b:s1+s7], $0x80, s19, s7, $0xb8;
	v63 =	vld [tilespmem:$0x0]  }
0x7e: {  	_ =	swait.ge [sflag:s21], $0x2000  }
0x7f: {  	[sflag:s21] =	ssyncset.done $0x0  }
0x80: {  	s11 =	simm.s32 $0x16100;
	[sflag:s21] =	ssyncadd.s32 $0xFFFFE000  }
0x81: {  	[spmem:s8] =	stream.indirect.scatter.add.f32 [tilespmem:s16], [sflag:$0x7], $0x80, s11, s7, $0xb8;
	v63 =	vld [tilespmem:$0x0]  }
0x82: {  	_ =	swait.ge [sflag:s24], $0x2000  }
0x83: {  	[sflag:s24] =	ssyncset.done $0x0  }
0x84: {  	s6 =	simm.s32 $0x14200;
	[sflag:s24] =	ssyncadd.s32 $0xFFFFE000  }
0x85: {  	[tilespmem:s12], [sflag:$0x1] =	stream.indirect.gather [hbm4b:s1+s7], $0x80, s6, s7, $0xb8;
	v63 =	vld [tilespmem:$0x0]  }
0x86: {  	_ =	swait.ge [sflag:s26], $0x2000  }
0x87: {  	[sflag:s26] =	ssyncset.done $0x0  }
0x88: {  	s11 =	simm.s32 $0x16180;
	[sflag:s26] =	ssyncadd.s32 $0xFFFFE000  }
0x89: {  	[spmem:s8] =	stream.indirect.scatter.add.f32 [tilespmem:s20], [sflag:$0x8], $0x80, s11, s7, $0xb8;
	v63 =	vld [tilespmem:$0x0]  }
0x8a: {  	_ =	swait.ge [sflag:s10], $0x2000  }
0x8b: {  	[sflag:s10] =	ssyncset.done $0x0  }
0x8c: {  	s6 =	simm.s32 $0x14280;
	[sflag:s10] =	ssyncadd.s32 $0xFFFFE000  }
0x8d: {  	[tilespmem:s22], [sflag:$0x2] =	stream.indirect.gather [hbm4b:s1+s7], $0x80, s6, s7, $0xb8;
	v63 =	vld [tilespmem:$0x0]  }
0x8e: {  	_ =	swait.ge [sflag:s23], $0x2000  }
0x8f: {  	[sflag:s23] =	ssyncset.done $0x0  }
0x90: {  	s11 =	simm.s32 $0x16200;
	[sflag:s23] =	ssyncadd.s32 $0xFFFFE000  }
0x91: {  	[spmem:s8] =	stream.indirect.scatter.add.f32 [tilespmem:s12], [sflag:$0x5], $0x80, s11, s7, $0xb8;
	v63 =	vld [tilespmem:$0x0]  }
0x92: {  	_ =	swait.ge [sflag:s28], $0x2000  }
0x93: {  	[sflag:s28] =	ssyncset.done $0x0  }
0x94: {  	s6 =	simm.s32 $0x14300;
	[sflag:s28] =	ssyncadd.s32 $0xFFFFE000  }
0x95: {  	[tilespmem:s16], [sflag:$0x3] =	stream.indirect.gather [hbm4b:s1+s7], $0x80, s6, s7, $0xb8;
	v63 =	vld [tilespmem:$0x0]  }
0x96: {  	_ =	swait.ge [sflag:s17], $0x2000  }
0x97: {  	[sflag:s17] =	ssyncset.done $0x0  }
0x98: {  	s11 =	simm.s32 $0x16280;
	[sflag:s17] =	ssyncadd.s32 $0xFFFFE000  }
0x99: {  	[spmem:s8] =	stream.indirect.scatter.add.f32 [tilespmem:s22], [sflag:$0x6], $0x80, s11, s7, $0xb8;
	v63 =	vld [tilespmem:$0x0]  }
0x9a: {  	_ =	swait.ge [sflag:s14], $0x2000  }
0x9b: {  	[sflag:s14] =	ssyncset.done $0x0  }
0x9c: {  	s4 =	simm.s32 $0x800;
	s6 =	simm.s32 $0x14380;
	[sflag:s14] =	ssyncadd.s32 $0xFFFFE000  }
.LBB2_11:
0x9d: {  	[tilespmem:s20], [sflag:$0x4] =	stream.indirect.gather [hbm4b:s1+s7], $0x80, s6, s7, $0xb8;
	v63 =	vld [tilespmem:$0x0]  }
0x9e: {  	s6 =	smov.u32 s4  }
0x9f: {  	p1 =	sne.s32 s4, $0x7000;
	s4 =	sadd.s32 $0x800, s4;
	_ =	swait.ge [sflag:s21], $0x2000  }
0xa0: {  	s6 =	sshra.s32 s6, $0x2;
	[sflag:s21] =	ssyncset.done $0x0  }
0xa1: {  	s11 =	sadd.s32 $0x16100, s6;
	[sflag:s21] =	ssyncadd.s32 $0xFFFFE000  }
0xa2: {  	[spmem:s8] =	stream.indirect.scatter.add.f32 [tilespmem:s16], [sflag:$0x7], $0x80, s11, s7, $0xb8;
	v63 =	vld [tilespmem:$0x0]  }
0xa3: {  	_ =	swait.ge [sflag:s24], $0x2000  }
0xa4: {  	[sflag:s24] =	ssyncset.done $0x0  }
0xa5: {  	s11 =	sadd.s32 $0x14200, s6;
	[sflag:s24] =	ssyncadd.s32 $0xFFFFE000  }
0xa6: {  	[tilespmem:s12], [sflag:$0x1] =	stream.indirect.gather [hbm4b:s1+s7], $0x80, s11, s7, $0xb8;
	v63 =	vld [tilespmem:$0x0]  }
0xa7: {  	_ =	swait.ge [sflag:s26], $0x2000  }
0xa8: {  	[sflag:s26] =	ssyncset.done $0x0  }
0xa9: {  	s11 =	sadd.s32 $0x16180, s6;
	[sflag:s26] =	ssyncadd.s32 $0xFFFFE000  }
0xaa: {  	[spmem:s8] =	stream.indirect.scatter.add.f32 [tilespmem:s20], [sflag:$0x8], $0x80, s11, s7, $0xb8;
	v63 =	vld [tilespmem:$0x0]  }
0xab: {  	_ =	swait.ge [sflag:s10], $0x2000  }
0xac: {  	[sflag:s10] =	ssyncset.done $0x0  }
0xad: {  	s11 =	sadd.s32 $0x14280, s6;
	[sflag:s10] =	ssyncadd.s32 $0xFFFFE000  }
0xae: {  	[tilespmem:s22], [sflag:$0x2] =	stream.indirect.gather [hbm4b:s1+s7], $0x80, s11, s7, $0xb8;
	v63 =	vld [tilespmem:$0x0]  }
0xaf: {  	_ =	swait.ge [sflag:s23], $0x2000  }
0xb0: {  	[sflag:s23] =	ssyncset.done $0x0  }
0xb1: {  	s11 =	sadd.s32 $0x16200, s6;
	[sflag:s23] =	ssyncadd.s32 $0xFFFFE000  }
0xb2: {  	[spmem:s8] =	stream.indirect.scatter.add.f32 [tilespmem:s12], [sflag:$0x5], $0x80, s11, s7, $0xb8;
	v63 =	vld [tilespmem:$0x0]  }
0xb3: {  	_ =	swait.ge [sflag:s28], $0x2000  }
0xb4: {  	[sflag:s28] =	ssyncset.done $0x0  }
0xb5: {  	s11 =	sadd.s32 $0x14300, s6;
	[sflag:s28] =	ssyncadd.s32 $0xFFFFE000  }
0xb6: {  	[tilespmem:s16], [sflag:$0x3] =	stream.indirect.gather [hbm4b:s1+s7], $0x80, s11, s7, $0xb8;
	v63 =	vld [tilespmem:$0x0]  }
0xb7: {  	_ =	swait.ge [sflag:s17], $0x2000  }
0xb8: {  	[sflag:s17] =	ssyncset.done $0x0  }
.Ltmp3:
0xb9: {  	s11 =	sadd.s32 $0x16280, s6;
	[sflag:s17] =	ssyncadd.s32 $0xFFFFE000;
	(pc) =	sbr.rel @p1 .LBB2_11-.Ltmp3, $4  }
0xba: {  	[spmem:s8] =	stream.indirect.scatter.add.f32 [tilespmem:s22], [sflag:$0x6], $0x80, s11, s7, $0xb8;
	v63 =	vld [tilespmem:$0x0]  }
0xbb: {  	_ =	swait.ge [sflag:s14], $0x2000  }
0xbc: {  	[sflag:s14] =	ssyncset.done $0x0  }
0xbd: {  	s6 =	sadd.s32 $0x14380, s6;
	[sflag:s14] =	ssyncadd.s32 $0xFFFFE000  }
0xbe: {  	[tilespmem:s20], [sflag:$0x4] =	stream.indirect.gather [hbm4b:s1+s7], $0x80, s6, s7, $0xb8;
	v63 =	vld [tilespmem:$0x0]  }
0xbf: {  	_ =	swait.ge [sflag:s21], $0x2000  }
0xc0: {  	[sflag:s21] =	ssyncset.done $0x0  }
0xc1: {  	[sflag:s21] =	ssyncadd.s32 $0xFFFFE000  }
0xc2: {  	[spmem:s8] =	stream.indirect.scatter.add.f32 [tilespmem:s16], [sflag:$0x7], $0x80, s9, s7, $0xb8;
	v63 =	vld [tilespmem:$0x0]  }
0xc3: {  	_ =	swait.ge [sflag:s24], $0x2000  }
0xc4: {  	[sflag:s24] =	ssyncset.done $0x0  }
0xc5: {  	[sflag:s24] =	ssyncadd.s32 $0xFFFFE000  }
0xc6: {  	_ =	swait.ge [sflag:s26], $0x2000  }
0xc7: {  	[sflag:s26] =	ssyncset.done $0x0  }
0xc8: {  	[sflag:s26] =	ssyncadd.s32 $0xFFFFE000  }
0xc9: {  	[spmem:s8] =	stream.indirect.scatter.add.f32 [tilespmem:s20], [sflag:$0x8], $0x80, s3, s7, $0xb8;
	v63 =	vld [tilespmem:$0x0]  }
0xca: {  	_ =	swait.ge [sflag:s10], $0x2000  }
0xcb: {  	[sflag:s10] =	ssyncset.done $0x0  }
0xcc: {  	s5 =	sadd.s32 $0x1, s5;
	[sflag:s10] =	ssyncadd.s32 $0xFFFFE000  }
0xcd: {  	p1 =	sne.s32 s5, $0x5;
	_ =	swait.ge [sflag:s28], $0x2000  }
.Ltmp4:
0xce: {  	[sflag:s28] =	ssyncset.done $0x0;
	(pc) =	sbr.rel @p1 .LBB2_10-.Ltmp4, $4  }
0xcf: {  	[sflag:s28] =	ssyncadd.s32 $0xFFFFE000  }
0xd0: {  	_ =	swait.ge [sflag:s14], $0x2000  }
0xd1: {  	[sflag:s14] =	ssyncset.done $0x0  }
0xd2: {  	[sflag:s14] =	ssyncadd.s32 $0xFFFFE000  }
0xd3: {  	[bflag:$0x0] =	sbarrier.arrive $0xFFFF  }
0xd4: {  	s4 =	rddreg [dreg:$0x17]  }
0xd5: {  	s5 =	rddreg [dreg:$0x19]  }
0xd6: {  	s6 =	rddreg [dreg:$0x1c]  }
0xd7: {  	[hbm:s4], [sflag:s5] =	dma.local [spmem:s6], $0x2800  }
0xd8: {  	_ =	swait.ge [sflag:s30], $0x2800  }
0xd9: {  	[sflag:s30] =	ssyncset.done $0x0  }
0xda: {  	[sflag:s30] =	ssyncadd.s32 $0xFFFFD800  }
0xdb: {  	[bflag:$0x0] =	sbarrier.arrive $0xFFFF  }
0xdc: {  	s4 =	rddreg [dreg:$0xb]  }
0xdd: {  	[spmem:s6], [sflag:s5] =	dma.local [hbm:s4], $0x400  }
0xde: {  	_ =	swait.ge [sflag:s30], $0x400  }
0xdf: {  	s25 =	sld [smem:$0x7F8]  }
0xe0: {  	[sflag:s30] =	ssyncset.done $0x0  }
0xe1: {  	[sflag:s30] =	ssyncadd.s32 $0xFFFFFC00  }
0xe2: {  	[spmem:s25], [sflag:s5] =	dma.local [hbm:s4], $0x400  }
0xe3: {  	_ =	swait.ge [sflag:s30], $0x400  }
0xe4: {  	s11 =	sld [smem:$0x7F9]  }
0xe5: {  	[sflag:s30] =	ssyncset.done $0x0  }
0xe6: {  	[sflag:s30] =	ssyncadd.s32 $0xFFFFFC00  }
0xe7: {  	[spmem:s11], [sflag:s5] =	dma.local [hbm:s4], $0x400  }
0xe8: {  	_ =	swait.ge [sflag:s30], $0x400  }
0xe9: {  	s25 =	sld [smem:$0x7FA]  }
0xea: {  	[sflag:s30] =	ssyncset.done $0x0  }
0xeb: {  	[sflag:s30] =	ssyncadd.s32 $0xFFFFFC00  }
0xec: {  	[spmem:s25], [sflag:s5] =	dma.local [hbm:s4], $0x400  }
0xed: {  	_ =	swait.ge [sflag:s30], $0x400  }
0xee: {  	s11 =	sld [smem:$0x7FB]  }
0xef: {  	[sflag:s30] =	ssyncset.done $0x0  }
0xf0: {  	[sflag:s30] =	ssyncadd.s32 $0xFFFFFC00  }
0xf1: {  	[spmem:s11], [sflag:s5] =	dma.local [hbm:s4], $0x400  }
0xf2: {  	_ =	swait.ge [sflag:s30], $0x400  }
0xf3: {  	s25 =	sld [smem:$0x7FC]  }
0xf4: {  	[sflag:s30] =	ssyncset.done $0x0  }
0xf5: {  	[sflag:s30] =	ssyncadd.s32 $0xFFFFFC00  }
0xf6: {  	[spmem:s25], [sflag:s5] =	dma.local [hbm:s4], $0x400  }
0xf7: {  	_ =	swait.ge [sflag:s30], $0x400  }
0xf8: {  	s11 =	sld [smem:$0x7FD]  }
0xf9: {  	[sflag:s30] =	ssyncset.done $0x0  }
0xfa: {  	[sflag:s30] =	ssyncadd.s32 $0xFFFFFC00  }
0xfb: {  	[spmem:s11], [sflag:s5] =	dma.local [hbm:s4], $0x400  }
0xfc: {  	_ =	swait.ge [sflag:s30], $0x400  }
0xfd: {  	[sflag:s30] =	ssyncset.done $0x0  }
0xfe: {  	s25 =	rddreg [dreg:$0x1f];
	[sflag:s30] =	ssyncadd.s32 $0xFFFFFC00  }
0xff: {  	[spmem:s25], [sflag:s5] =	dma.local [hbm:s4], $0x400  }
0x100: {  	_ =	swait.ge [sflag:s30], $0x400  }
0x101: {  	[sflag:s30] =	ssyncset.done $0x0  }
0x102: {  	s11 =	rddreg [dreg:$0x1e];
	[sflag:s30] =	ssyncadd.s32 $0xFFFFFC00  }
0x103: {  	[spmem:s11], [sflag:s5] =	dma.local [hbm:s4], $0x400  }
0x104: {  	_ =	swait.ge [sflag:s30], $0x400  }
0x105: {  	[sflag:s30] =	ssyncset.done $0x0  }
0x106: {  	s25 =	rddreg [dreg:$0x1d];
	[sflag:s30] =	ssyncadd.s32 $0xFFFFFC00  }
0x107: {  	[spmem:s25], [sflag:s5] =	dma.local [hbm:s4], $0x400  }
0x108: {  	_ =	swait.ge [sflag:s30], $0x400  }
0x109: {  	[sflag:s30] =	ssyncset.done $0x0  }
0x10a: {  	[sflag:s30] =	ssyncadd.s32 $0xFFFFFC00  }
0x10b: {  	s4 =	simm.s32 $0x0;
	s5 =	simm.s32 $0x0;
	[bflag:$0x0] =	sbarrier.arrive $0xFFFF  }
.LBB2_14:
0x10c: {  	s6 =	sshll.u32 s5, $0xD  }
0x10d: {  	s6 =	sadd.s32 s29, s6  }
0x10e: {  	s11 =	rddreg [dreg:$0x4];
	s6 =	sshrl.u32 s6, $0x3  }
0x10f: {  	s11 =	sadd.s32 s11, s6  }
0x110: {  	[tilespmem:s31], [sflag:$0x9] =	stream.linear.gather [hbm4b:s11+s4], $0x2000, $0x38;
	v63 =	vld [tilespmem:$0x0]  }
0x111: {  	_ =	swait.ge [sflag:s30], $0x2000  }
0x112: {  	[sflag:s30] =	ssyncset.done $0x0  }
0x113: {  	[sflag:s30] =	ssyncadd.s32 $0xFFFFE000  }
0x114: {  	s25 =	rddreg [dreg:$0x5]  }
0x115: {  	s6 =	sadd.s32 s25, s6  }
0x116: {  	[tilespmem:s2], [sflag:$0x9] =	stream.linear.gather [hbm4b:s6+s4], $0x2000, $0x38;
	v63 =	vld [tilespmem:$0x0]  }
0x117: {  	_ =	swait.ge [sflag:s30], $0x2000  }
0x118: {  	[sflag:s30] =	ssyncset.done $0x0  }
0x119: {  	[sflag:s30] =	ssyncadd.s32 $0xFFFFE000  }
0x11a: {  	[tilespmem:s12], [sflag:$0x1] =	stream.indirect.gather [hbm4b:s1+s7], $0x80, s31, s7, $0xb8;
	v63 =	vld [tilespmem:$0x0]  }
0x11b: {  	_ = 	snop  }
0x11c: {  	[tilespmem:s22], [sflag:$0x2] =	stream.indirect.gather [hbm4b:s1+s7], $0x80, s13, s7, $0xb8;
	v63 =	vld [tilespmem:$0x0]  }
0x11d: {  	_ =	swait.ge [sflag:s23], $0x2000  }
0x11e: {  	[sflag:s23] =	ssyncset.done $0x0  }
0x11f: {  	[sflag:s23] =	ssyncadd.s32 $0xFFFFE000  }
0x120: {  	[spmem:s8] =	stream.indirect.scatter.add.f32 [tilespmem:s12], [sflag:$0x5], $0x80, s2, s7, $0xb8;
	v63 =	vld [tilespmem:$0x0]  }
0x121: {  	_ = 	snop  }
0x122: {  	[tilespmem:s16], [sflag:$0x3] =	stream.indirect.gather [hbm4b:s1+s7], $0x80, s15, s7, $0xb8;
	v63 =	vld [tilespmem:$0x0]  }
0x123: {  	_ =	swait.ge [sflag:s17], $0x2000  }
0x124: {  	[sflag:s17] =	ssyncset.done $0x0  }
0x125: {  	[sflag:s17] =	ssyncadd.s32 $0xFFFFE000  }
0x126: {  	[spmem:s8] =	stream.indirect.scatter.add.f32 [tilespmem:s22], [sflag:$0x6], $0x80, s18, s7, $0xb8;
	v63 =	vld [tilespmem:$0x0]  }
0x127: {  	_ = 	snop  }
0x128: {  	[tilespmem:s20], [sflag:$0x4] =	stream.indirect.gather [hbm4b:s1+s7], $0x80, s19, s7, $0xb8;
	v63 =	vld [tilespmem:$0x0]  }
0x129: {  	_ =	swait.ge [sflag:s21], $0x2000  }
0x12a: {  	[sflag:s21] =	ssyncset.done $0x0  }
0x12b: {  	s25 =	simm.s32 $0x16100;
	[sflag:s21] =	ssyncadd.s32 $0xFFFFE000  }
0x12c: {  	[spmem:s8] =	stream.indirect.scatter.add.f32 [tilespmem:s16], [sflag:$0x7], $0x80, s25, s7, $0xb8;
	v63 =	vld [tilespmem:$0x0]  }
0x12d: {  	_ =	swait.ge [sflag:s24], $0x2000  }
0x12e: {  	[sflag:s24] =	ssyncset.done $0x0  }
0x12f: {  	s11 =	simm.s32 $0x14200;
	[sflag:s24] =	ssyncadd.s32 $0xFFFFE000  }
0x130: {  	[tilespmem:s12], [sflag:$0x1] =	stream.indirect.gather [hbm4b:s1+s7], $0x80, s11, s7, $0xb8;
	v63 =	vld [tilespmem:$0x0]  }
0x131: {  	_ =	swait.ge [sflag:s26], $0x2000  }
0x132: {  	[sflag:s26] =	ssyncset.done $0x0  }
0x133: {  	s25 =	simm.s32 $0x16180;
	[sflag:s26] =	ssyncadd.s32 $0xFFFFE000  }
0x134: {  	[spmem:s8] =	stream.indirect.scatter.add.f32 [tilespmem:s20], [sflag:$0x8], $0x80, s25, s7, $0xb8;
	v63 =	vld [tilespmem:$0x0]  }
0x135: {  	_ =	swait.ge [sflag:s10], $0x2000  }
0x136: {  	[sflag:s10] =	ssyncset.done $0x0  }
0x137: {  	s11 =	simm.s32 $0x14280;
	[sflag:s10] =	ssyncadd.s32 $0xFFFFE000  }
0x138: {  	[tilespmem:s22], [sflag:$0x2] =	stream.indirect.gather [hbm4b:s1+s7], $0x80, s11, s7, $0xb8;
	v63 =	vld [tilespmem:$0x0]  }
0x139: {  	_ =	swait.ge [sflag:s23], $0x2000  }
0x13a: {  	[sflag:s23] =	ssyncset.done $0x0  }
0x13b: {  	s25 =	simm.s32 $0x16200;
	[sflag:s23] =	ssyncadd.s32 $0xFFFFE000  }
0x13c: {  	[spmem:s8] =	stream.indirect.scatter.add.f32 [tilespmem:s12], [sflag:$0x5], $0x80, s25, s7, $0xb8;
	v63 =	vld [tilespmem:$0x0]  }
0x13d: {  	_ =	swait.ge [sflag:s28], $0x2000  }
0x13e: {  	[sflag:s28] =	ssyncset.done $0x0  }
0x13f: {  	s11 =	simm.s32 $0x14300;
	[sflag:s28] =	ssyncadd.s32 $0xFFFFE000  }
0x140: {  	[tilespmem:s16], [sflag:$0x3] =	stream.indirect.gather [hbm4b:s1+s7], $0x80, s11, s7, $0xb8;
	v63 =	vld [tilespmem:$0x0]  }
0x141: {  	_ =	swait.ge [sflag:s17], $0x2000  }
0x142: {  	[sflag:s17] =	ssyncset.done $0x0  }
0x143: {  	s25 =	simm.s32 $0x16280;
	[sflag:s17] =	ssyncadd.s32 $0xFFFFE000  }
0x144: {  	[spmem:s8] =	stream.indirect.scatter.add.f32 [tilespmem:s22], [sflag:$0x6], $0x80, s25, s7, $0xb8;
	v63 =	vld [tilespmem:$0x0]  }
0x145: {  	_ =	swait.ge [sflag:s14], $0x2000  }
0x146: {  	[sflag:s14] =	ssyncset.done $0x0  }
0x147: {  	s6 =	simm.s32 $0x800;
	s11 =	simm.s32 $0x14380;
	[sflag:s14] =	ssyncadd.s32 $0xFFFFE000  }
.LBB2_15:
0x148: {  	[tilespmem:s20], [sflag:$0x4] =	stream.indirect.gather [hbm4b:s1+s7], $0x80, s11, s7, $0xb8;
	v63 =	vld [tilespmem:$0x0]  }
0x149: {  	s11 =	smov.u32 s6  }
0x14a: {  	p1 =	sne.s32 s6, $0x7000;
	s6 =	sadd.s32 $0x800, s6;
	_ =	swait.ge [sflag:s21], $0x2000  }
0x14b: {  	s11 =	sshra.s32 s11, $0x2;
	[sflag:s21] =	ssyncset.done $0x0  }
0x14c: {  	s25 =	sadd.s32 $0x16100, s11;
	[sflag:s21] =	ssyncadd.s32 $0xFFFFE000  }
0x14d: {  	[spmem:s8] =	stream.indirect.scatter.add.f32 [tilespmem:s16], [sflag:$0x7], $0x80, s25, s7, $0xb8;
	v63 =	vld [tilespmem:$0x0]  }
0x14e: {  	_ =	swait.ge [sflag:s24], $0x2000  }
0x14f: {  	[sflag:s24] =	ssyncset.done $0x0  }
0x150: {  	s25 =	sadd.s32 $0x14200, s11;
	[sflag:s24] =	ssyncadd.s32 $0xFFFFE000  }
0x151: {  	[tilespmem:s12], [sflag:$0x1] =	stream.indirect.gather [hbm4b:s1+s7], $0x80, s25, s7, $0xb8;
	v63 =	vld [tilespmem:$0x0]  }
0x152: {  	_ =	swait.ge [sflag:s26], $0x2000  }
0x153: {  	[sflag:s26] =	ssyncset.done $0x0  }
0x154: {  	s25 =	sadd.s32 $0x16180, s11;
	[sflag:s26] =	ssyncadd.s32 $0xFFFFE000  }
0x155: {  	[spmem:s8] =	stream.indirect.scatter.add.f32 [tilespmem:s20], [sflag:$0x8], $0x80, s25, s7, $0xb8;
	v63 =	vld [tilespmem:$0x0]  }
0x156: {  	_ =	swait.ge [sflag:s10], $0x2000  }
0x157: {  	[sflag:s10] =	ssyncset.done $0x0  }
0x158: {  	s25 =	sadd.s32 $0x14280, s11;
	[sflag:s10] =	ssyncadd.s32 $0xFFFFE000  }
0x159: {  	[tilespmem:s22], [sflag:$0x2] =	stream.indirect.gather [hbm4b:s1+s7], $0x80, s25, s7, $0xb8;
	v63 =	vld [tilespmem:$0x0]  }
0x15a: {  	_ =	swait.ge [sflag:s23], $0x2000  }
0x15b: {  	[sflag:s23] =	ssyncset.done $0x0  }
0x15c: {  	s25 =	sadd.s32 $0x16200, s11;
	[sflag:s23] =	ssyncadd.s32 $0xFFFFE000  }
0x15d: {  	[spmem:s8] =	stream.indirect.scatter.add.f32 [tilespmem:s12], [sflag:$0x5], $0x80, s25, s7, $0xb8;
	v63 =	vld [tilespmem:$0x0]  }
0x15e: {  	_ =	swait.ge [sflag:s28], $0x2000  }
0x15f: {  	[sflag:s28] =	ssyncset.done $0x0  }
0x160: {  	s25 =	sadd.s32 $0x14300, s11;
	[sflag:s28] =	ssyncadd.s32 $0xFFFFE000  }
0x161: {  	[tilespmem:s16], [sflag:$0x3] =	stream.indirect.gather [hbm4b:s1+s7], $0x80, s25, s7, $0xb8;
	v63 =	vld [tilespmem:$0x0]  }
0x162: {  	_ =	swait.ge [sflag:s17], $0x2000  }
0x163: {  	[sflag:s17] =	ssyncset.done $0x0  }
.Ltmp5:
0x164: {  	s25 =	sadd.s32 $0x16280, s11;
	[sflag:s17] =	ssyncadd.s32 $0xFFFFE000;
	(pc) =	sbr.rel @p1 .LBB2_15-.Ltmp5, $4  }
0x165: {  	[spmem:s8] =	stream.indirect.scatter.add.f32 [tilespmem:s22], [sflag:$0x6], $0x80, s25, s7, $0xb8;
	v63 =	vld [tilespmem:$0x0]  }
0x166: {  	_ =	swait.ge [sflag:s14], $0x2000  }
0x167: {  	[sflag:s14] =	ssyncset.done $0x0  }
0x168: {  	s11 =	sadd.s32 $0x14380, s11;
	[sflag:s14] =	ssyncadd.s32 $0xFFFFE000  }
0x169: {  	[tilespmem:s20], [sflag:$0x4] =	stream.indirect.gather [hbm4b:s1+s7], $0x80, s11, s7, $0xb8;
	v63 =	vld [tilespmem:$0x0]  }
0x16a: {  	_ =	swait.ge [sflag:s21], $0x2000  }
0x16b: {  	[sflag:s21] =	ssyncset.done $0x0  }
0x16c: {  	[sflag:s21] =	ssyncadd.s32 $0xFFFFE000  }
0x16d: {  	[spmem:s8] =	stream.indirect.scatter.add.f32 [tilespmem:s16], [sflag:$0x7], $0x80, s9, s7, $0xb8;
	v63 =	vld [tilespmem:$0x0]  }
0x16e: {  	_ =	swait.ge [sflag:s24], $0x2000  }
0x16f: {  	[sflag:s24] =	ssyncset.done $0x0  }
0x170: {  	[sflag:s24] =	ssyncadd.s32 $0xFFFFE000  }
0x171: {  	_ =	swait.ge [sflag:s26], $0x2000  }
0x172: {  	[sflag:s26] =	ssyncset.done $0x0  }
0x173: {  	[sflag:s26] =	ssyncadd.s32 $0xFFFFE000  }
0x174: {  	[spmem:s8] =	stream.indirect.scatter.add.f32 [tilespmem:s20], [sflag:$0x8], $0x80, s3, s7, $0xb8;
	v63 =	vld [tilespmem:$0x0]  }
0x175: {  	_ =	swait.ge [sflag:s10], $0x2000  }
0x176: {  	[sflag:s10] =	ssyncset.done $0x0  }
0x177: {  	s5 =	sadd.s32 $0x1, s5;
	[sflag:s10] =	ssyncadd.s32 $0xFFFFE000  }
0x178: {  	p1 =	sne.s32 s5, $0x5;
	_ =	swait.ge [sflag:s28], $0x2000  }
.Ltmp6:
0x179: {  	[sflag:s28] =	ssyncset.done $0x0;
	(pc) =	sbr.rel @p1 .LBB2_14-.Ltmp6, $4  }
0x17a: {  	[sflag:s28] =	ssyncadd.s32 $0xFFFFE000  }
0x17b: {  	_ =	swait.ge [sflag:s14], $0x2000  }
0x17c: {  	[sflag:s14] =	ssyncset.done $0x0  }
0x17d: {  	[sflag:s14] =	ssyncadd.s32 $0xFFFFE000  }
.Ltmp7:
0x17e: {  	(pc) =	sbr.rel .LBB2_18-.Ltmp7, $3  }
0x17f: {  	_ =	sdelay $0x1  }
0x180: {  	s4 =	rddreg [dreg:$0xd]  }
0x181: {  	s11 =	rddreg [dreg:$0x9]  }
.LBB2_2:
0x182: {  	s5 =	sshll.u32 s4, $0xD  }
0x183: {  	s5 =	sadd.s32 s29, s5  }
0x184: {  	s5 =	sshrl.u32 s5, $0x3  }
0x185: {  	s11 =	simm.s32 $0x0;
	s6 =	sadd.s32 s25, s5  }
0x186: {  	[tilespmem:s31], [sflag:$0x9] =	stream.linear.gather [hbm4b:s6+s11], $0x2000, $0x38;
	v63 =	vld [tilespmem:$0x0]  }
0x187: {  	_ =	swait.ge [sflag:s30], $0x2000  }
0x188: {  	[sflag:s30] =	ssyncset.done $0x0  }
0x189: {  	[sflag:s30] =	ssyncadd.s32 $0xFFFFE000  }
0x18a: {  	s6 =	rddreg [dreg:$0x3]  }
0x18b: {  	s5 =	sadd.s32 s6, s5  }
0x18c: {  	[tilespmem:s2], [sflag:$0x9] =	stream.linear.gather [hbm4b:s5+s11], $0x2000, $0x38;
	v63 =	vld [tilespmem:$0x0]  }
0x18d: {  	_ =	swait.ge [sflag:s30], $0x2000  }
0x18e: {  	[sflag:s30] =	ssyncset.done $0x0  }
0x18f: {  	[sflag:s30] =	ssyncadd.s32 $0xFFFFE000  }
0x190: {  	[tilespmem:s12], [sflag:$0x1] =	stream.indirect.gather [hbm4b:s0+s7], $0x80, s31, s7, $0xb8;
	v63 =	vld [tilespmem:$0x0]  }
0x191: {  	_ = 	snop  }
0x192: {  	[tilespmem:s22], [sflag:$0x2] =	stream.indirect.gather [hbm4b:s0+s7], $0x80, s13, s7, $0xb8;
	v63 =	vld [tilespmem:$0x0]  }
0x193: {  	_ =	swait.ge [sflag:s23], $0x2000  }
0x194: {  	[sflag:s23] =	ssyncset.done $0x0  }
0x195: {  	[sflag:s23] =	ssyncadd.s32 $0xFFFFE000  }
0x196: {  	[spmem:s8] =	stream.indirect.scatter.add.f32 [tilespmem:s12], [sflag:$0x5], $0x80, s2, s7, $0xb8;
	v63 =	vld [tilespmem:$0x0]  }
0x197: {  	_ = 	snop  }
0x198: {  	[tilespmem:s16], [sflag:$0x3] =	stream.indirect.gather [hbm4b:s0+s7], $0x80, s15, s7, $0xb8;
	v63 =	vld [tilespmem:$0x0]  }
0x199: {  	_ =	swait.ge [sflag:s17], $0x2000  }
0x19a: {  	[sflag:s17] =	ssyncset.done $0x0  }
0x19b: {  	[sflag:s17] =	ssyncadd.s32 $0xFFFFE000  }
0x19c: {  	[spmem:s8] =	stream.indirect.scatter.add.f32 [tilespmem:s22], [sflag:$0x6], $0x80, s18, s7, $0xb8;
	v63 =	vld [tilespmem:$0x0]  }
0x19d: {  	_ = 	snop  }
0x19e: {  	[tilespmem:s20], [sflag:$0x4] =	stream.indirect.gather [hbm4b:s0+s7], $0x80, s19, s7, $0xb8;
	v63 =	vld [tilespmem:$0x0]  }
0x19f: {  	_ =	swait.ge [sflag:s21], $0x2000  }
0x1a0: {  	[sflag:s21] =	ssyncset.done $0x0  }
0x1a1: {  	s11 =	simm.s32 $0x16100;
	[sflag:s21] =	ssyncadd.s32 $0xFFFFE000  }
0x1a2: {  	[spmem:s8] =	stream.indirect.scatter.add.f32 [tilespmem:s16], [sflag:$0x7], $0x80, s11, s7, $0xb8;
	v63 =	vld [tilespmem:$0x0]  }
0x1a3: {  	_ =	swait.ge [sflag:s24], $0x2000  }
0x1a4: {  	[sflag:s24] =	ssyncset.done $0x0  }
0x1a5: {  	s6 =	simm.s32 $0x14200;
	[sflag:s24] =	ssyncadd.s32 $0xFFFFE000  }
0x1a6: {  	[tilespmem:s12], [sflag:$0x1] =	stream.indirect.gather [hbm4b:s0+s7], $0x80, s6, s7, $0xb8;
	v63 =	vld [tilespmem:$0x0]  }
0x1a7: {  	_ =	swait.ge [sflag:s26], $0x2000  }
0x1a8: {  	[sflag:s26] =	ssyncset.done $0x0  }
0x1a9: {  	s11 =	simm.s32 $0x16180;
	[sflag:s26] =	ssyncadd.s32 $0xFFFFE000  }
0x1aa: {  	[spmem:s8] =	stream.indirect.scatter.add.f32 [tilespmem:s20], [sflag:$0x8], $0x80, s11, s7, $0xb8;
	v63 =	vld [tilespmem:$0x0]  }
0x1ab: {  	_ =	swait.ge [sflag:s10], $0x2000  }
0x1ac: {  	[sflag:s10] =	ssyncset.done $0x0  }
0x1ad: {  	s6 =	simm.s32 $0x14280;
	[sflag:s10] =	ssyncadd.s32 $0xFFFFE000  }
0x1ae: {  	[tilespmem:s22], [sflag:$0x2] =	stream.indirect.gather [hbm4b:s0+s7], $0x80, s6, s7, $0xb8;
	v63 =	vld [tilespmem:$0x0]  }
0x1af: {  	_ =	swait.ge [sflag:s23], $0x2000  }
0x1b0: {  	[sflag:s23] =	ssyncset.done $0x0  }
0x1b1: {  	s11 =	simm.s32 $0x16200;
	[sflag:s23] =	ssyncadd.s32 $0xFFFFE000  }
0x1b2: {  	[spmem:s8] =	stream.indirect.scatter.add.f32 [tilespmem:s12], [sflag:$0x5], $0x80, s11, s7, $0xb8;
	v63 =	vld [tilespmem:$0x0]  }
0x1b3: {  	_ =	swait.ge [sflag:s28], $0x2000  }
0x1b4: {  	[sflag:s28] =	ssyncset.done $0x0  }
0x1b5: {  	s6 =	simm.s32 $0x14300;
	[sflag:s28] =	ssyncadd.s32 $0xFFFFE000  }
0x1b6: {  	[tilespmem:s16], [sflag:$0x3] =	stream.indirect.gather [hbm4b:s0+s7], $0x80, s6, s7, $0xb8;
	v63 =	vld [tilespmem:$0x0]  }
0x1b7: {  	_ =	swait.ge [sflag:s17], $0x2000  }
0x1b8: {  	[sflag:s17] =	ssyncset.done $0x0  }
0x1b9: {  	s11 =	simm.s32 $0x16280;
	[sflag:s17] =	ssyncadd.s32 $0xFFFFE000  }
0x1ba: {  	[spmem:s8] =	stream.indirect.scatter.add.f32 [tilespmem:s22], [sflag:$0x6], $0x80, s11, s7, $0xb8;
	v63 =	vld [tilespmem:$0x0]  }
0x1bb: {  	_ =	swait.ge [sflag:s14], $0x2000  }
0x1bc: {  	[sflag:s14] =	ssyncset.done $0x0  }
0x1bd: {  	s5 =	simm.s32 $0x800;
	s6 =	simm.s32 $0x14380;
	[sflag:s14] =	ssyncadd.s32 $0xFFFFE000  }
.LBB2_3:
0x1be: {  	[tilespmem:s20], [sflag:$0x4] =	stream.indirect.gather [hbm4b:s0+s7], $0x80, s6, s7, $0xb8;
	v63 =	vld [tilespmem:$0x0]  }
0x1bf: {  	s6 =	smov.u32 s5  }
0x1c0: {  	p1 =	sne.s32 s5, $0x7000;
	s5 =	sadd.s32 $0x800, s5;
	_ =	swait.ge [sflag:s21], $0x2000  }
0x1c1: {  	s6 =	sshra.s32 s6, $0x2;
	[sflag:s21] =	ssyncset.done $0x0  }
0x1c2: {  	s11 =	sadd.s32 $0x16100, s6;
	[sflag:s21] =	ssyncadd.s32 $0xFFFFE000  }
0x1c3: {  	[spmem:s8] =	stream.indirect.scatter.add.f32 [tilespmem:s16], [sflag:$0x7], $0x80, s11, s7, $0xb8;
	v63 =	vld [tilespmem:$0x0]  }
0x1c4: {  	_ =	swait.ge [sflag:s24], $0x2000  }
0x1c5: {  	[sflag:s24] =	ssyncset.done $0x0  }
0x1c6: {  	s11 =	sadd.s32 $0x14200, s6;
	[sflag:s24] =	ssyncadd.s32 $0xFFFFE000  }
0x1c7: {  	[tilespmem:s12], [sflag:$0x1] =	stream.indirect.gather [hbm4b:s0+s7], $0x80, s11, s7, $0xb8;
	v63 =	vld [tilespmem:$0x0]  }
0x1c8: {  	_ =	swait.ge [sflag:s26], $0x2000  }
0x1c9: {  	[sflag:s26] =	ssyncset.done $0x0  }
0x1ca: {  	s11 =	sadd.s32 $0x16180, s6;
	[sflag:s26] =	ssyncadd.s32 $0xFFFFE000  }
0x1cb: {  	[spmem:s8] =	stream.indirect.scatter.add.f32 [tilespmem:s20], [sflag:$0x8], $0x80, s11, s7, $0xb8;
	v63 =	vld [tilespmem:$0x0]  }
0x1cc: {  	_ =	swait.ge [sflag:s10], $0x2000  }
0x1cd: {  	[sflag:s10] =	ssyncset.done $0x0  }
0x1ce: {  	s11 =	sadd.s32 $0x14280, s6;
	[sflag:s10] =	ssyncadd.s32 $0xFFFFE000  }
0x1cf: {  	[tilespmem:s22], [sflag:$0x2] =	stream.indirect.gather [hbm4b:s0+s7], $0x80, s11, s7, $0xb8;
	v63 =	vld [tilespmem:$0x0]  }
0x1d0: {  	_ =	swait.ge [sflag:s23], $0x2000  }
0x1d1: {  	[sflag:s23] =	ssyncset.done $0x0  }
0x1d2: {  	s11 =	sadd.s32 $0x16200, s6;
	[sflag:s23] =	ssyncadd.s32 $0xFFFFE000  }
0x1d3: {  	[spmem:s8] =	stream.indirect.scatter.add.f32 [tilespmem:s12], [sflag:$0x5], $0x80, s11, s7, $0xb8;
	v63 =	vld [tilespmem:$0x0]  }
0x1d4: {  	_ =	swait.ge [sflag:s28], $0x2000  }
0x1d5: {  	[sflag:s28] =	ssyncset.done $0x0  }
0x1d6: {  	s11 =	sadd.s32 $0x14300, s6;
	[sflag:s28] =	ssyncadd.s32 $0xFFFFE000  }
0x1d7: {  	[tilespmem:s16], [sflag:$0x3] =	stream.indirect.gather [hbm4b:s0+s7], $0x80, s11, s7, $0xb8;
	v63 =	vld [tilespmem:$0x0]  }
0x1d8: {  	_ =	swait.ge [sflag:s17], $0x2000  }
0x1d9: {  	[sflag:s17] =	ssyncset.done $0x0  }
.Ltmp8:
0x1da: {  	s11 =	sadd.s32 $0x16280, s6;
	[sflag:s17] =	ssyncadd.s32 $0xFFFFE000;
	(pc) =	sbr.rel @p1 .LBB2_3-.Ltmp8, $4  }
0x1db: {  	[spmem:s8] =	stream.indirect.scatter.add.f32 [tilespmem:s22], [sflag:$0x6], $0x80, s11, s7, $0xb8;
	v63 =	vld [tilespmem:$0x0]  }
0x1dc: {  	_ =	swait.ge [sflag:s14], $0x2000  }
0x1dd: {  	[sflag:s14] =	ssyncset.done $0x0  }
0x1de: {  	s6 =	sadd.s32 $0x14380, s6;
	[sflag:s14] =	ssyncadd.s32 $0xFFFFE000  }
0x1df: {  	[tilespmem:s20], [sflag:$0x4] =	stream.indirect.gather [hbm4b:s0+s7], $0x80, s6, s7, $0xb8;
	v63 =	vld [tilespmem:$0x0]  }
0x1e0: {  	_ =	swait.ge [sflag:s21], $0x2000  }
0x1e1: {  	[sflag:s21] =	ssyncset.done $0x0  }
0x1e2: {  	[sflag:s21] =	ssyncadd.s32 $0xFFFFE000  }
0x1e3: {  	[spmem:s8] =	stream.indirect.scatter.add.f32 [tilespmem:s16], [sflag:$0x7], $0x80, s9, s7, $0xb8;
	v63 =	vld [tilespmem:$0x0]  }
0x1e4: {  	_ =	swait.ge [sflag:s24], $0x2000  }
0x1e5: {  	[sflag:s24] =	ssyncset.done $0x0  }
0x1e6: {  	[sflag:s24] =	ssyncadd.s32 $0xFFFFE000  }
0x1e7: {  	_ =	swait.ge [sflag:s26], $0x2000  }
0x1e8: {  	[sflag:s26] =	ssyncset.done $0x0  }
0x1e9: {  	[sflag:s26] =	ssyncadd.s32 $0xFFFFE000  }
0x1ea: {  	[spmem:s8] =	stream.indirect.scatter.add.f32 [tilespmem:s20], [sflag:$0x8], $0x80, s3, s7, $0xb8;
	v63 =	vld [tilespmem:$0x0]  }
0x1eb: {  	_ =	swait.ge [sflag:s10], $0x2000  }
0x1ec: {  	[sflag:s10] =	ssyncset.done $0x0  }
0x1ed: {  	s4 =	sadd.s32 $0x1, s4;
	[sflag:s10] =	ssyncadd.s32 $0xFFFFE000  }
0x1ee: {  	p1 =	sne.s32 s4, $0x5;
	_ =	swait.ge [sflag:s28], $0x2000  }
.Ltmp9:
0x1ef: {  	[sflag:s28] =	ssyncset.done $0x0;
	(pc) =	sbr.rel @p1 .LBB2_2-.Ltmp9, $4  }
0x1f0: {  	[sflag:s28] =	ssyncadd.s32 $0xFFFFE000  }
0x1f1: {  	_ =	swait.ge [sflag:s14], $0x2000  }
0x1f2: {  	[sflag:s14] =	ssyncset.done $0x0  }
0x1f3: {  	[sflag:s14] =	ssyncadd.s32 $0xFFFFE000  }
0x1f4: {  	[bflag:$0x0] =	sbarrier.arrive $0xFFFF  }
0x1f5: {  	s4 =	rddreg [dreg:$0x16]  }
0x1f6: {  	s5 =	rddreg [dreg:$0x19]  }
0x1f7: {  	s6 =	rddreg [dreg:$0x1c]  }
0x1f8: {  	[hbm:s4], [sflag:s5] =	dma.local [spmem:s6], $0x2800  }
0x1f9: {  	_ =	swait.ge [sflag:s30], $0x2800  }
0x1fa: {  	[sflag:s30] =	ssyncset.done $0x0  }
0x1fb: {  	[sflag:s30] =	ssyncadd.s32 $0xFFFFD800  }
0x1fc: {  	[bflag:$0x0] =	sbarrier.arrive $0xFFFF  }
0x1fd: {  	s4 =	rddreg [dreg:$0xb]  }
0x1fe: {  	[spmem:s6], [sflag:s5] =	dma.local [hbm:s4], $0x400  }
0x1ff: {  	_ =	swait.ge [sflag:s30], $0x400  }
0x200: {  	s25 =	sld [smem:$0x7F8]  }
0x201: {  	[sflag:s30] =	ssyncset.done $0x0  }
0x202: {  	[sflag:s30] =	ssyncadd.s32 $0xFFFFFC00  }
0x203: {  	[spmem:s25], [sflag:s5] =	dma.local [hbm:s4], $0x400  }
0x204: {  	_ =	swait.ge [sflag:s30], $0x400  }
0x205: {  	s11 =	sld [smem:$0x7F9]  }
0x206: {  	[sflag:s30] =	ssyncset.done $0x0  }
0x207: {  	[sflag:s30] =	ssyncadd.s32 $0xFFFFFC00  }
0x208: {  	[spmem:s11], [sflag:s5] =	dma.local [hbm:s4], $0x400  }
0x209: {  	_ =	swait.ge [sflag:s30], $0x400  }
0x20a: {  	s25 =	sld [smem:$0x7FA]  }
0x20b: {  	[sflag:s30] =	ssyncset.done $0x0  }
0x20c: {  	[sflag:s30] =	ssyncadd.s32 $0xFFFFFC00  }
0x20d: {  	[spmem:s25], [sflag:s5] =	dma.local [hbm:s4], $0x400  }
0x20e: {  	_ =	swait.ge [sflag:s30], $0x400  }
0x20f: {  	s11 =	sld [smem:$0x7FB]  }
0x210: {  	[sflag:s30] =	ssyncset.done $0x0  }
0x211: {  	[sflag:s30] =	ssyncadd.s32 $0xFFFFFC00  }
0x212: {  	[spmem:s11], [sflag:s5] =	dma.local [hbm:s4], $0x400  }
0x213: {  	_ =	swait.ge [sflag:s30], $0x400  }
0x214: {  	s25 =	sld [smem:$0x7FC]  }
0x215: {  	[sflag:s30] =	ssyncset.done $0x0  }
0x216: {  	[sflag:s30] =	ssyncadd.s32 $0xFFFFFC00  }
0x217: {  	[spmem:s25], [sflag:s5] =	dma.local [hbm:s4], $0x400  }
0x218: {  	_ =	swait.ge [sflag:s30], $0x400  }
0x219: {  	s11 =	sld [smem:$0x7FD]  }
0x21a: {  	[sflag:s30] =	ssyncset.done $0x0  }
0x21b: {  	[sflag:s30] =	ssyncadd.s32 $0xFFFFFC00  }
0x21c: {  	[spmem:s11], [sflag:s5] =	dma.local [hbm:s4], $0x400  }
0x21d: {  	_ =	swait.ge [sflag:s30], $0x400  }
0x21e: {  	[sflag:s30] =	ssyncset.done $0x0  }
0x21f: {  	s25 =	rddreg [dreg:$0x1f];
	[sflag:s30] =	ssyncadd.s32 $0xFFFFFC00  }
0x220: {  	[spmem:s25], [sflag:s5] =	dma.local [hbm:s4], $0x400  }
0x221: {  	_ =	swait.ge [sflag:s30], $0x400  }
0x222: {  	[sflag:s30] =	ssyncset.done $0x0  }
0x223: {  	s11 =	rddreg [dreg:$0x1e];
	[sflag:s30] =	ssyncadd.s32 $0xFFFFFC00  }
0x224: {  	[spmem:s11], [sflag:s5] =	dma.local [hbm:s4], $0x400  }
0x225: {  	_ =	swait.ge [sflag:s30], $0x400  }
0x226: {  	[sflag:s30] =	ssyncset.done $0x0  }
0x227: {  	s25 =	rddreg [dreg:$0x1d];
	[sflag:s30] =	ssyncadd.s32 $0xFFFFFC00  }
0x228: {  	[spmem:s25], [sflag:s5] =	dma.local [hbm:s4], $0x400  }
0x229: {  	_ =	swait.ge [sflag:s30], $0x400  }
0x22a: {  	[sflag:s30] =	ssyncset.done $0x0  }
0x22b: {  	[sflag:s30] =	ssyncadd.s32 $0xFFFFFC00  }
0x22c: {  	s4 =	simm.s32 $0x0;
	s5 =	simm.s32 $0x0;
	[bflag:$0x0] =	sbarrier.arrive $0xFFFF  }
.LBB2_6:
0x22d: {  	s6 =	sshll.u32 s5, $0xD  }
0x22e: {  	s6 =	sadd.s32 s29, s6  }
0x22f: {  	s11 =	rddreg [dreg:$0x4];
	s6 =	sshrl.u32 s6, $0x3  }
0x230: {  	s11 =	sadd.s32 s11, s6  }
0x231: {  	[tilespmem:s31], [sflag:$0x9] =	stream.linear.gather [hbm4b:s11+s4], $0x2000, $0x38;
	v63 =	vld [tilespmem:$0x0]  }
0x232: {  	_ =	swait.ge [sflag:s30], $0x2000  }
0x233: {  	[sflag:s30] =	ssyncset.done $0x0  }
0x234: {  	[sflag:s30] =	ssyncadd.s32 $0xFFFFE000  }
0x235: {  	s25 =	rddreg [dreg:$0x5]  }
0x236: {  	s6 =	sadd.s32 s25, s6  }
0x237: {  	[tilespmem:s2], [sflag:$0x9] =	stream.linear.gather [hbm4b:s6+s4], $0x2000, $0x38;
	v63 =	vld [tilespmem:$0x0]  }
0x238: {  	_ =	swait.ge [sflag:s30], $0x2000  }
0x239: {  	[sflag:s30] =	ssyncset.done $0x0  }
0x23a: {  	[sflag:s30] =	ssyncadd.s32 $0xFFFFE000  }
0x23b: {  	[tilespmem:s12], [sflag:$0x1] =	stream.indirect.gather [hbm4b:s0+s7], $0x80, s31, s7, $0xb8;
	v63 =	vld [tilespmem:$0x0]  }
0x23c: {  	_ = 	snop  }
0x23d: {  	[tilespmem:s22], [sflag:$0x2] =	stream.indirect.gather [hbm4b:s0+s7], $0x80, s13, s7, $0xb8;
	v63 =	vld [tilespmem:$0x0]  }
0x23e: {  	_ =	swait.ge [sflag:s23], $0x2000  }
0x23f: {  	[sflag:s23] =	ssyncset.done $0x0  }
0x240: {  	[sflag:s23] =	ssyncadd.s32 $0xFFFFE000  }
0x241: {  	[spmem:s8] =	stream.indirect.scatter.add.f32 [tilespmem:s12], [sflag:$0x5], $0x80, s2, s7, $0xb8;
	v63 =	vld [tilespmem:$0x0]  }
0x242: {  	_ = 	snop  }
0x243: {  	[tilespmem:s16], [sflag:$0x3] =	stream.indirect.gather [hbm4b:s0+s7], $0x80, s15, s7, $0xb8;
	v63 =	vld [tilespmem:$0x0]  }
0x244: {  	_ =	swait.ge [sflag:s17], $0x2000  }
0x245: {  	[sflag:s17] =	ssyncset.done $0x0  }
0x246: {  	[sflag:s17] =	ssyncadd.s32 $0xFFFFE000  }
0x247: {  	[spmem:s8] =	stream.indirect.scatter.add.f32 [tilespmem:s22], [sflag:$0x6], $0x80, s18, s7, $0xb8;
	v63 =	vld [tilespmem:$0x0]  }
0x248: {  	_ = 	snop  }
0x249: {  	[tilespmem:s20], [sflag:$0x4] =	stream.indirect.gather [hbm4b:s0+s7], $0x80, s19, s7, $0xb8;
	v63 =	vld [tilespmem:$0x0]  }
0x24a: {  	_ =	swait.ge [sflag:s21], $0x2000  }
0x24b: {  	[sflag:s21] =	ssyncset.done $0x0  }
0x24c: {  	s25 =	simm.s32 $0x16100;
	[sflag:s21] =	ssyncadd.s32 $0xFFFFE000  }
0x24d: {  	[spmem:s8] =	stream.indirect.scatter.add.f32 [tilespmem:s16], [sflag:$0x7], $0x80, s25, s7, $0xb8;
	v63 =	vld [tilespmem:$0x0]  }
0x24e: {  	_ =	swait.ge [sflag:s24], $0x2000  }
0x24f: {  	[sflag:s24] =	ssyncset.done $0x0  }
0x250: {  	s11 =	simm.s32 $0x14200;
	[sflag:s24] =	ssyncadd.s32 $0xFFFFE000  }
0x251: {  	[tilespmem:s12], [sflag:$0x1] =	stream.indirect.gather [hbm4b:s0+s7], $0x80, s11, s7, $0xb8;
	v63 =	vld [tilespmem:$0x0]  }
0x252: {  	_ =	swait.ge [sflag:s26], $0x2000  }
0x253: {  	[sflag:s26] =	ssyncset.done $0x0  }
0x254: {  	s25 =	simm.s32 $0x16180;
	[sflag:s26] =	ssyncadd.s32 $0xFFFFE000  }
0x255: {  	[spmem:s8] =	stream.indirect.scatter.add.f32 [tilespmem:s20], [sflag:$0x8], $0x80, s25, s7, $0xb8;
	v63 =	vld [tilespmem:$0x0]  }
0x256: {  	_ =	swait.ge [sflag:s10], $0x2000  }
0x257: {  	[sflag:s10] =	ssyncset.done $0x0  }
0x258: {  	s11 =	simm.s32 $0x14280;
	[sflag:s10] =	ssyncadd.s32 $0xFFFFE000  }
0x259: {  	[tilespmem:s22], [sflag:$0x2] =	stream.indirect.gather [hbm4b:s0+s7], $0x80, s11, s7, $0xb8;
	v63 =	vld [tilespmem:$0x0]  }
0x25a: {  	_ =	swait.ge [sflag:s23], $0x2000  }
0x25b: {  	[sflag:s23] =	ssyncset.done $0x0  }
0x25c: {  	s25 =	simm.s32 $0x16200;
	[sflag:s23] =	ssyncadd.s32 $0xFFFFE000  }
0x25d: {  	[spmem:s8] =	stream.indirect.scatter.add.f32 [tilespmem:s12], [sflag:$0x5], $0x80, s25, s7, $0xb8;
	v63 =	vld [tilespmem:$0x0]  }
0x25e: {  	_ =	swait.ge [sflag:s28], $0x2000  }
0x25f: {  	[sflag:s28] =	ssyncset.done $0x0  }
0x260: {  	s11 =	simm.s32 $0x14300;
	[sflag:s28] =	ssyncadd.s32 $0xFFFFE000  }
0x261: {  	[tilespmem:s16], [sflag:$0x3] =	stream.indirect.gather [hbm4b:s0+s7], $0x80, s11, s7, $0xb8;
	v63 =	vld [tilespmem:$0x0]  }
0x262: {  	_ =	swait.ge [sflag:s17], $0x2000  }
0x263: {  	[sflag:s17] =	ssyncset.done $0x0  }
0x264: {  	s25 =	simm.s32 $0x16280;
	[sflag:s17] =	ssyncadd.s32 $0xFFFFE000  }
0x265: {  	[spmem:s8] =	stream.indirect.scatter.add.f32 [tilespmem:s22], [sflag:$0x6], $0x80, s25, s7, $0xb8;
	v63 =	vld [tilespmem:$0x0]  }
0x266: {  	_ =	swait.ge [sflag:s14], $0x2000  }
0x267: {  	[sflag:s14] =	ssyncset.done $0x0  }
0x268: {  	s6 =	simm.s32 $0x800;
	s11 =	simm.s32 $0x14380;
	[sflag:s14] =	ssyncadd.s32 $0xFFFFE000  }
.LBB2_7:
0x269: {  	[tilespmem:s20], [sflag:$0x4] =	stream.indirect.gather [hbm4b:s0+s7], $0x80, s11, s7, $0xb8;
	v63 =	vld [tilespmem:$0x0]  }
0x26a: {  	s11 =	smov.u32 s6  }
0x26b: {  	p1 =	sne.s32 s6, $0x7000;
	s6 =	sadd.s32 $0x800, s6;
	_ =	swait.ge [sflag:s21], $0x2000  }
0x26c: {  	s11 =	sshra.s32 s11, $0x2;
	[sflag:s21] =	ssyncset.done $0x0  }
0x26d: {  	s25 =	sadd.s32 $0x16100, s11;
	[sflag:s21] =	ssyncadd.s32 $0xFFFFE000  }
0x26e: {  	[spmem:s8] =	stream.indirect.scatter.add.f32 [tilespmem:s16], [sflag:$0x7], $0x80, s25, s7, $0xb8;
	v63 =	vld [tilespmem:$0x0]  }
0x26f: {  	_ =	swait.ge [sflag:s24], $0x2000  }
0x270: {  	[sflag:s24] =	ssyncset.done $0x0  }
0x271: {  	s25 =	sadd.s32 $0x14200, s11;
	[sflag:s24] =	ssyncadd.s32 $0xFFFFE000  }
0x272: {  	[tilespmem:s12], [sflag:$0x1] =	stream.indirect.gather [hbm4b:s0+s7], $0x80, s25, s7, $0xb8;
	v63 =	vld [tilespmem:$0x0]  }
0x273: {  	_ =	swait.ge [sflag:s26], $0x2000  }
0x274: {  	[sflag:s26] =	ssyncset.done $0x0  }
0x275: {  	s25 =	sadd.s32 $0x16180, s11;
	[sflag:s26] =	ssyncadd.s32 $0xFFFFE000  }
0x276: {  	[spmem:s8] =	stream.indirect.scatter.add.f32 [tilespmem:s20], [sflag:$0x8], $0x80, s25, s7, $0xb8;
	v63 =	vld [tilespmem:$0x0]  }
0x277: {  	_ =	swait.ge [sflag:s10], $0x2000  }
0x278: {  	[sflag:s10] =	ssyncset.done $0x0  }
0x279: {  	s25 =	sadd.s32 $0x14280, s11;
	[sflag:s10] =	ssyncadd.s32 $0xFFFFE000  }
0x27a: {  	[tilespmem:s22], [sflag:$0x2] =	stream.indirect.gather [hbm4b:s0+s7], $0x80, s25, s7, $0xb8;
	v63 =	vld [tilespmem:$0x0]  }
0x27b: {  	_ =	swait.ge [sflag:s23], $0x2000  }
0x27c: {  	[sflag:s23] =	ssyncset.done $0x0  }
0x27d: {  	s25 =	sadd.s32 $0x16200, s11;
	[sflag:s23] =	ssyncadd.s32 $0xFFFFE000  }
0x27e: {  	[spmem:s8] =	stream.indirect.scatter.add.f32 [tilespmem:s12], [sflag:$0x5], $0x80, s25, s7, $0xb8;
	v63 =	vld [tilespmem:$0x0]  }
0x27f: {  	_ =	swait.ge [sflag:s28], $0x2000  }
0x280: {  	[sflag:s28] =	ssyncset.done $0x0  }
0x281: {  	s25 =	sadd.s32 $0x14300, s11;
	[sflag:s28] =	ssyncadd.s32 $0xFFFFE000  }
0x282: {  	[tilespmem:s16], [sflag:$0x3] =	stream.indirect.gather [hbm4b:s0+s7], $0x80, s25, s7, $0xb8;
	v63 =	vld [tilespmem:$0x0]  }
0x283: {  	_ =	swait.ge [sflag:s17], $0x2000  }
0x284: {  	[sflag:s17] =	ssyncset.done $0x0  }
.Ltmp10:
0x285: {  	s25 =	sadd.s32 $0x16280, s11;
	[sflag:s17] =	ssyncadd.s32 $0xFFFFE000;
	(pc) =	sbr.rel @p1 .LBB2_7-.Ltmp10, $4  }
0x286: {  	[spmem:s8] =	stream.indirect.scatter.add.f32 [tilespmem:s22], [sflag:$0x6], $0x80, s25, s7, $0xb8;
	v63 =	vld [tilespmem:$0x0]  }
0x287: {  	_ =	swait.ge [sflag:s14], $0x2000  }
0x288: {  	[sflag:s14] =	ssyncset.done $0x0  }
0x289: {  	s11 =	sadd.s32 $0x14380, s11;
	[sflag:s14] =	ssyncadd.s32 $0xFFFFE000  }
0x28a: {  	[tilespmem:s20], [sflag:$0x4] =	stream.indirect.gather [hbm4b:s0+s7], $0x80, s11, s7, $0xb8;
	v63 =	vld [tilespmem:$0x0]  }
0x28b: {  	_ =	swait.ge [sflag:s21], $0x2000  }
0x28c: {  	[sflag:s21] =	ssyncset.done $0x0  }
0x28d: {  	[sflag:s21] =	ssyncadd.s32 $0xFFFFE000  }
0x28e: {  	[spmem:s8] =	stream.indirect.scatter.add.f32 [tilespmem:s16], [sflag:$0x7], $0x80, s9, s7, $0xb8;
	v63 =	vld [tilespmem:$0x0]  }
0x28f: {  	_ =	swait.ge [sflag:s24], $0x2000  }
0x290: {  	[sflag:s24] =	ssyncset.done $0x0  }
0x291: {  	[sflag:s24] =	ssyncadd.s32 $0xFFFFE000  }
0x292: {  	_ =	swait.ge [sflag:s26], $0x2000  }
0x293: {  	[sflag:s26] =	ssyncset.done $0x0  }
0x294: {  	[sflag:s26] =	ssyncadd.s32 $0xFFFFE000  }
0x295: {  	[spmem:s8] =	stream.indirect.scatter.add.f32 [tilespmem:s20], [sflag:$0x8], $0x80, s3, s7, $0xb8;
	v63 =	vld [tilespmem:$0x0]  }
0x296: {  	_ =	swait.ge [sflag:s10], $0x2000  }
0x297: {  	[sflag:s10] =	ssyncset.done $0x0  }
0x298: {  	s5 =	sadd.s32 $0x1, s5;
	[sflag:s10] =	ssyncadd.s32 $0xFFFFE000  }
0x299: {  	p1 =	seq.s32 s5, $0x5;
	_ =	swait.ge [sflag:s28], $0x2000  }
.Ltmp11:
0x29a: {  	[sflag:s28] =	ssyncset.done $0x0;
	(pc) =	sbr.rel @!p1 .LBB2_6-.Ltmp11, $4  }
0x29b: {  	[sflag:s28] =	ssyncadd.s32 $0xFFFFE000  }
0x29c: {  	_ =	swait.ge [sflag:s14], $0x2000  }
0x29d: {  	[sflag:s14] =	ssyncset.done $0x0  }
0x29e: {  	[sflag:s14] =	ssyncadd.s32 $0xFFFFE000  }
.Ltmp12:
0x29f: {  	(pc) =	sbr.rel .LBB2_18-.Ltmp12, $3  }
0x2a0: {  	_ =	sdelay $0x1  }
0x2a1: {  	s4 =	rddreg [dreg:$0xc]  }
0x2a2: {  	s11 =	rddreg [dreg:$0x9]  }
.LBB2_19:
0x2a3: {  	_ =	sfence.sel $0x180000  }
0x2a4: {  	[bflag:$0x0] =	sbarrier.arrive $0xFFFF  }
0x2a5: {  	_ =	strace $0x90000047  }
0x2a6: {  	s0 =	stileid.u32;
	[bflag:$0x2] =	sbarrier.arrive $0xFFFF  }
0x2a7: {  	p0 =	sne.s32 s0, $0x0;
	s0 =	rddreg [dreg:$0x8]  }
0x2a8: {  	s0 =	sadd.s32 @!p0 $0x100000, s0  }
0x2a9: {  	[sflag:s0] =	ssyncadd.tile.s32 @!p0 $0x1;
	_ =	shalt  }
.Lfunc_end2:
_tile_overlayer_lowered:
.L_overlay_start_2:
0x2aa: {  	(tag) =	ssettag $0x2  }
0x2ab: {  	s0 =	rddreg [dreg:$0x0];
	s2 =	stileid.u32  }
0x2ac: {  	s1 =	rddreg [dreg:$0x1];
	p0 =	sne.s32 s2, $0x0  }
0x2ad: {  	s3 =	rddreg [dreg:$0x2];
	[bflag:$0x3] =	sbarrier.arrive $0xFFFF;
	s2 =	simm.s32 @!p0 $0x1C09  }
0x2ae: {  	[timem:s3], [sflag:s2] =	dma.local @!p0 [hbm:s0], s1  }
0x2af: {  	s0 =	simm.s32 @!p0 $0x9  }
0x2b0: {  	_ =	swait.ge @!p0 [sflag:s0], s1  }
0x2b1: {  	s1 =	ssub.s32 @!p0 $0x0, s1;
	[sflag:s0] =	ssyncset.done @!p0 $0x0  }
0x2b2: {  	[sflag:s0] =	ssyncadd.s32 @!p0 s1  }
0x2b3: {  	[bflag:$0x3] =	sbarrier.arrive $0xFFFF  }
0x2b4: {  	_ =	shalt  }

</sc_bundles>
